<compile_context>
chip_gen: v7x
topology: tpu7x:2x2x1
jax: 0.10.2.dev20260603
libtpu: 0.0.44.dev20260713+nightly
codegen_flags: <defaults>
</compile_context>

<pallas_src>
import dataclasses
import functools

import jax
import jax.numpy as jnp
from jax import lax
from jax.experimental import pallas as pl
from jax.experimental.pallas import tpu as pltpu
from jax.experimental.pallas import tpu_sc as plsc

B, C, H, W = 8, 3, 512, 512
N = 256
FP = 16
ED = 768
P = B * N
K = C * FP
D = C * FP * FP
L = 16
NC, NS = 2, 16
NWORK = NC * NS
PPW = P // NWORK
HALF = PPW // 2
CHO = 8
NGH = HALF // CHO
NROWS = B * C * H * W // L


def _sc_gather(img_rows, gidx, shifts, pn):
    ppw = pn // NWORK
    half = ppw // 2
    ngh = half // CHO
    mesh = plsc.VectorSubcoreMesh(core_axis_name="c", subcore_axis_name="s")
    cp = pltpu.CompilerParams()
    if "needs_layout_passes" in pltpu.CompilerParams.__dataclass_fields__:
        cp = dataclasses.replace(cp, needs_layout_passes=False)
    if "use_tc_tiling_on_sc" in pltpu.CompilerParams.__dataclass_fields__:
        cp = dataclasses.replace(cp, use_tc_tiling_on_sc=False)

    @functools.partial(
        pl.kernel,
        out_type=jax.ShapeDtypeStruct((pn * (D // 128), 128), jnp.float32),
        mesh=mesh,
        compiler_params=cp,
        scratch_types=[
            pltpu.VMEM((ppw, 2 * K), jnp.int32),
            pltpu.VMEM((ppw, L), jnp.int32),
            pltpu.VMEM((ppw, 2 * K, L), jnp.float32),
            pltpu.VMEM((2, CHO * (D // 128), 128), jnp.float32),
            pltpu.SemaphoreType.DMA,
            pltpu.SemaphoreType.DMA,
            pltpu.SemaphoreType.DMA,
        ],
    )
    def k(img_hbm, gidx_hbm, shf_hbm, out_hbm,
          idx_v, shf_v, win_v, out_v, gsem_a, gsem_b, osem):
        wid = lax.axis_index("c") * NS + lax.axis_index("s")
        wbase = wid * ppw
        lanes = lax.iota(jnp.int32, L)

        pltpu.sync_copy(gidx_hbm.at[pl.ds(wbase, ppw)], idx_v)
        pltpu.sync_copy(shf_hbm.at[pl.ds(wbase, ppw)], shf_v)

        @pl.loop(0, half)
        def _fire_a(p):
            pltpu.async_copy(img_hbm.at[idx_v.at[p]], win_v.at[p], gsem_a)

        @pl.loop(half, ppw)
        def _fire_b(p):
            pltpu.async_copy(img_hbm.at[idx_v.at[p]], win_v.at[p], gsem_b)

        def extract_half(base, goff, gsem):
            @pl.loop(0, half)
            def _drain(p):
                pltpu.make_async_copy(
                    img_hbm.at[idx_v.at[p]], win_v.at[p], gsem).wait()

            @pl.loop(0, ngh)
            def _group(g):
                gg = goff + g
                buf = gg & 1

                @pl.when(gg >= 2)
                def _():
                    pltpu.make_async_copy(
                        out_v.at[buf],
                        out_hbm.at[pl.ds(0, CHO * (D // 128))], osem).wait()

                @pl.loop(0, CHO)
                def _patch(jj):
                    p = base + g * CHO + jj
                    t = shf_v[p] + lanes
                    ib0 = t >> 4
                    i1 = t & 15
                    win2 = win_v.at[p]

                    @pl.loop(0, K, unroll=8)
                    def _row(kk):
                        v = plsc.load_gather(win2, [ib0 + kk * 2, i1])
                        out_v[buf, (kk >> 3) * CHO + jj,
                              pl.ds((kk & 7) * 16, L)] = v

                pltpu.async_copy(
                    out_v.at[buf],
                    out_hbm.at[pl.ds((wbase + base + g * CHO) * (D // 128),
                                     CHO * (D // 128))], osem)

        extract_half(0, 0, gsem_a)
        extract_half(half, ngh, gsem_b)

        @pl.loop(0, 2)
        def _final(i):
            pltpu.make_async_copy(
                out_v.at[i], out_hbm.at[pl.ds(0, CHO * (D // 128))],
                osem).wait()

    return k(img_rows, gidx, shifts)


def _tc_matmul(flat2, wb, bias):
    rb = 256
    n = flat2.shape[0]

    def mm(x_ref, w_ref, b_ref, o_ref):
        xb = x_ref[...].astype(jnp.bfloat16)
        o_ref[...] = lax.dot_general(
            xb, w_ref[...], (((1,), (1,)), ((), ())),
            preferred_element_type=jnp.float32) + b_ref[...]

    return pl.pallas_call(
        mm,
        grid=(n // rb,),
        in_specs=[
            pl.BlockSpec((rb, D), lambda i: (i, 0)),
            pl.BlockSpec((ED, D), lambda i: (0, 0)),
            pl.BlockSpec((1, ED), lambda i: (0, 0)),
        ],
        out_specs=pl.BlockSpec((rb, ED), lambda i: (i, 0)),
        out_shape=jax.ShapeDtypeStruct((n, ED), jnp.float32),
    )(flat2, wb, bias.reshape(1, ED))


def _slab_indices(x, y, bidx, pn):
    j = jnp.arange(2 * K, dtype=jnp.int32)
    kid = j >> 1
    c = kid >> 4
    i = kid & 15
    odd = (j & 1)[None, :]
    h = y[:, None] + i[None, :]
    bc = bidx[:, None] * C + c[None, :]
    xs = x[:, None]
    tile = (bc * (H // 8) + (h >> 3)) * (W // 128) + (xs >> 7)
    ta = tile * 1024 + (h & 7) * 128 + (xs & 127)
    r0 = ta >> 4
    ta2 = (tile + 1) * 1024 + (h & 7) * 128
    crossing = (xs & 127) > 112
    r1 = jnp.where(crossing, ta2 >> 4, jnp.minimum(r0 + 1, NROWS - 1))
    gidx = jnp.where(odd == 1, r1, r0)
    shifts = jnp.broadcast_to((x & 15)[:, None], (pn, L)).astype(jnp.int32)
    return gidx, shifts


SLABS = 2


def kernel(images, patch_locations, W_fine, b_fine, W_coarse, b_coarse):
    del W_coarse, b_coarse
    locs = patch_locations.reshape(P, 5)
    x = locs[:, 0]
    y = locs[:, 1]
    bidx = jnp.repeat(jnp.arange(B, dtype=jnp.int32), N)
    img_rows = (images.reshape(B, C, H // 8, 8, W // 128, 128)
                .transpose(0, 1, 2, 4, 3, 5).reshape(NROWS, L))
    wb = W_fine.astype(jnp.bfloat16)

    sp = P // SLABS
    outs = []
    for t in range(SLABS):
        sl = slice(t * sp, (t + 1) * sp)
        gidx, shifts = _slab_indices(x[sl], y[sl], bidx[sl], sp)
        flat = _sc_gather(img_rows, gidx, shifts, sp)
        x2 = (flat.reshape(sp // 8, D // 128, 8, 128)
              .transpose(0, 2, 1, 3).reshape(sp, D))
        outs.append(_tc_matmul(x2, wb, b_fine))
    return jnp.concatenate(outs, axis=0).reshape(B, N, ED)

# --- scband reference (transcript-rebuilt; emitter-appended) ---
"""Pipeline reference for scband-custom-patch-embedding-79852031967428 (READ-ONLY COPY).

The authoritative reference and input builder live on the scoring server;
editing this copy changes nothing except your own understanding.
"""

import jax, jax.numpy as jnp
import numpy as np

B, C, H, W = 8, 3, 512, 512
N = 256
FP = 16
CP = 64
ED = 768

def setup_inputs(seed: int = 0):
    key = jax.random.key(seed)
    k1, k2, k3, k4, k5, k6 = jax.random.split(key, 6)
    images = jax.random.normal(k1, (B, C, H, W), dtype=jnp.float32)
    # patch_locations rows are (x, y, w, h, landmark_id). All patches are
    # fine_patch-sized (w == h == 16) so the module takes the proj_fine path.
    xs = jax.random.randint(k2, (B, N), 0, W - FP + 1, dtype=jnp.int32)
    ys = jax.random.randint(k3, (B, N), 0, H - FP + 1, dtype=jnp.int32)
    ws = jnp.full((B, N), FP, dtype=jnp.int32)
    hs = jnp.full((B, N), FP, dtype=jnp.int32)
    lids = jax.random.randint(k4, (B, N), 0, 100, dtype=jnp.int32)
    patch_locations = jnp.stack([xs, ys, ws, hs, lids], axis=-1)
    in_dim_f = C * FP * FP
    in_dim_c = C * CP * CP
    W_fine = jax.random.normal(k5, (ED, in_dim_f), dtype=jnp.float32) * 0.02
    b_fine = jnp.zeros((ED,), dtype=jnp.float32)
    W_coarse = jax.random.normal(k6, (ED, in_dim_c), dtype=jnp.float32) * 0.02
    b_coarse = jnp.zeros((ED,), dtype=jnp.float32)
    return {"images": images, "patch_locations": patch_locations,
            "W_fine": W_fine, "b_fine": b_fine,
            "W_coarse": W_coarse, "b_coarse": b_coarse}

def reference(images, patch_locations, W_fine, b_fine, W_coarse, b_coarse):
    # Every location has w == h == fine_patch, so the torch module's forward
    # always hits the proj_fine branch; coarse params exist but are unused here.
    def one_patch(img, loc):
        x = loc[0]
        y = loc[1]
        c0 = jnp.zeros((), dtype=jnp.int32)
        patch = jax.lax.dynamic_slice(img, (c0, y, x), (C, FP, FP))
        return patch.reshape(-1)
    def one_image(img, locs):
        return jax.vmap(lambda l: one_patch(img, l))(locs)  # [N, C*FP*FP]
    flat = jax.vmap(one_image)(images, patch_locations)  # [B, N, C*FP*FP]
    emb = flat @ W_fine.T + b_fine  # [B, N, ED]
    _ = (W_coarse, b_coarse)  # parameters of the module, unused on this path
    # All images have the same number of patches, so no zero-padding is added.
    return emb

if __name__ == "__main__":
    import jax
    _d = setup_inputs()
    print(jax.jit(kernel)(*tuple(_d.values())))

</pallas_src>

<mosaic_0001>
#map = affine_map<(d0, d1) -> (0, 0)>
module attributes {stable_mosaic.version = 14 : i64} {
  func.func @k(%arg0: i32, %arg1: i32, %arg2: memref<393216x16xf32, #tpu.memory_space<hbm>>, %arg3: memref<1024x96xi32, #tpu.memory_space<hbm>>, %arg4: memref<1024x16xi32, #tpu.memory_space<hbm>>, %arg5: memref<6144x128xf32, #tpu.memory_space<hbm>>, %arg6: memref<32x96xi32, #tpu.memory_space<vmem>>, %arg7: memref<32x16xi32, #tpu.memory_space<vmem>>, %arg8: memref<32x96x16xf32, #tpu.memory_space<vmem>>, %arg9: memref<2x48x128xf32, #tpu.memory_space<vmem>>, %arg10: memref<!tpu.dma_semaphore, #tpu.memory_space<semaphore_mem>>, %arg11: memref<!tpu.dma_semaphore, #tpu.memory_space<semaphore_mem>>, %arg12: memref<!tpu.dma_semaphore, #tpu.memory_space<semaphore_mem>>) attributes {dimension_semantics = [#tpu.dimension_semantics<core_parallel>, #tpu.dimension_semantics<subcore_parallel>], iteration_bounds = array<i64: 2, 16>, scalar_prefetch = 0 : i64, scratch_operands = 7 : i64, tpu.core_type = #tpu.core_type<sc_vector_subcore>, window_params = [{transform_indices = #map}, {transform_indices = #map}, {transform_indices = #map}, {transform_indices = #map}]} {
    %mul3A = arith.constant 16 : i32
    %mul3A_0 = arith.muli %arg0, %mul3A : i32
    %add3A = arith.addi %mul3A_0, %arg1 : i32
    %mul3A_1 = arith.constant 32 : i32
    %mul3A_2 = arith.muli %add3A, %mul3A_1 : i32
    %iota3A = tpu.iota {dimensions = array<i32: 0>} : vector<16xi32>
    "tpu.region"() ({
      %run_scoped3A = tpu.sem_alloc : memref<!tpu.dma_semaphore, #tpu.memory_space<semaphore_mem>>
      %dma_start3A = arith.constant 0 : i32
      %dma_start3A_37 = tpu.memref_slice %arg3[%mul3A_2, %dma_start3A] : memref<1024x96xi32, #tpu.memory_space<hbm>> -> memref<32x96xi32, #tpu.memory_space<hbm>>
      %dma_start3A_38 = arith.constant 0 : i32
      %dma_start3A_39 = tpu.memref_slice %arg3[%mul3A_2, %dma_start3A_38] : memref<1024x96xi32, #tpu.memory_space<hbm>> -> memref<32x96xi32, #tpu.memory_space<hbm>>
      tpu.enqueue_dma source(%dma_start3A_39 : memref<32x96xi32, #tpu.memory_space<hbm>>) target(%arg6 : memref<32x96xi32, #tpu.memory_space<vmem>>) target_semaphore(%run_scoped3A : memref<!tpu.dma_semaphore, #tpu.memory_space<semaphore_mem>>)
      %dma_wait3A = arith.constant 0 : i32
      %dma_wait3A_40 = tpu.memref_slice %arg3[%mul3A_2, %dma_wait3A] : memref<1024x96xi32, #tpu.memory_space<hbm>> -> memref<32x96xi32, #tpu.memory_space<hbm>>
      %dma_wait3A_41 = arith.constant 0 : i32
      %dma_wait3A_42 = tpu.memref_slice %arg3[%mul3A_2, %dma_wait3A_41] : memref<1024x96xi32, #tpu.memory_space<hbm>> -> memref<32x96xi32, #tpu.memory_space<hbm>>
      tpu.wait_dma2 semaphore(%run_scoped3A : memref<!tpu.dma_semaphore, #tpu.memory_space<semaphore_mem>>) src(%dma_wait3A_42 : memref<32x96xi32, #tpu.memory_space<hbm>>) dst(%arg6 : memref<32x96xi32, #tpu.memory_space<vmem>>)
      tpu.yield
    }) : () -> ()
    "tpu.region"() ({
      %run_scoped3A = tpu.sem_alloc : memref<!tpu.dma_semaphore, #tpu.memory_space<semaphore_mem>>
      %dma_start3A = arith.constant 0 : i32
      %dma_start3A_37 = tpu.memref_slice %arg4[%mul3A_2, %dma_start3A] : memref<1024x16xi32, #tpu.memory_space<hbm>> -> memref<32x16xi32, #tpu.memory_space<hbm>>
      %dma_start3A_38 = arith.constant 0 : i32
      %dma_start3A_39 = tpu.memref_slice %arg4[%mul3A_2, %dma_start3A_38] : memref<1024x16xi32, #tpu.memory_space<hbm>> -> memref<32x16xi32, #tpu.memory_space<hbm>>
      tpu.enqueue_dma source(%dma_start3A_39 : memref<32x16xi32, #tpu.memory_space<hbm>>) target(%arg7 : memref<32x16xi32, #tpu.memory_space<vmem>>) target_semaphore(%run_scoped3A : memref<!tpu.dma_semaphore, #tpu.memory_space<semaphore_mem>>)
      %dma_wait3A = arith.constant 0 : i32
      %dma_wait3A_40 = tpu.memref_slice %arg4[%mul3A_2, %dma_wait3A] : memref<1024x16xi32, #tpu.memory_space<hbm>> -> memref<32x16xi32, #tpu.memory_space<hbm>>
      %dma_wait3A_41 = arith.constant 0 : i32
      %dma_wait3A_42 = tpu.memref_slice %arg4[%mul3A_2, %dma_wait3A_41] : memref<1024x16xi32, #tpu.memory_space<hbm>> -> memref<32x16xi32, #tpu.memory_space<hbm>>
      tpu.wait_dma2 semaphore(%run_scoped3A : memref<!tpu.dma_semaphore, #tpu.memory_space<semaphore_mem>>) src(%dma_wait3A_42 : memref<32x16xi32, #tpu.memory_space<hbm>>) dst(%arg7 : memref<32x16xi32, #tpu.memory_space<vmem>>)
      tpu.yield
    }) : () -> ()
    %scan3A = arith.constant 0 : i32
    %scan3A_3 = arith.constant 16 : i32
    %scan3A_4 = arith.addi %scan3A, %scan3A_3 : i32
    %scan3A_5 = arith.constant 1 : i32
    scf.for %scan3A_37 = %scan3A to %scan3A_4 step %scan3A_5  : i32 {
      %mul3A_38 = arith.constant 1 : i32
      %mul3A_39 = arith.muli %scan3A_37, %mul3A_38 : i32
      %add3A_40 = arith.constant 0 : i32
      %add3A_41 = arith.addi %add3A_40, %mul3A_39 : i32
      %dma_start3A = arith.constant 0 : i32
      %dma_start3A_42 = arith.constant 0 : i32
      %dma_start3A_43 = tpu.memref_slice %arg8[%add3A_41, %dma_start3A, %dma_start3A_42] : memref<32x96x16xf32, #tpu.memory_space<vmem>> -> memref<1x96x16xf32, #tpu.memory_space<vmem>>
      %dma_start3A_44 = tpu.memref_squeeze %dma_start3A_43 : memref<1x96x16xf32, #tpu.memory_space<vmem>> -> memref<96x16xf32, #tpu.memory_space<vmem>>
      %dma_start3A_45 = arith.constant 0 : i32
      %dma_start3A_46 = tpu.memref_slice %arg6[%add3A_41, %dma_start3A_45] : memref<32x96xi32, #tpu.memory_space<vmem>> -> memref<1x96xi32, #tpu.memory_space<vmem>>
      %dma_start3A_47 = tpu.memref_squeeze %dma_start3A_46 : memref<1x96xi32, #tpu.memory_space<vmem>> -> memref<96xi32, #tpu.memory_space<vmem>>
      %dma_start3A_48 = arith.constant 0 : i32
      %dma_start3A_49 = arith.constant 0 : i32
      %dma_start3A_50 = tpu.memref_slice %arg2[%dma_start3A_48, %dma_start3A_49] : memref<393216x16xf32, #tpu.memory_space<hbm>> -> memref<393216x16xf32, #tpu.memory_space<hbm>>
      tpu.enqueue_indirect_dma source(%dma_start3A_50 : memref<393216x16xf32, #tpu.memory_space<hbm>>) target(%dma_start3A_44 : memref<96x16xf32, #tpu.memory_space<vmem>>) offsets(%dma_start3A_47 : memref<96xi32, #tpu.memory_space<vmem>>) semaphore(%arg10 : memref<!tpu.dma_semaphore, #tpu.memory_space<semaphore_mem>>)
    }
    %scan3A_6 = arith.constant 16 : i32
    %scan3A_7 = arith.constant 0 : i32
    %scan3A_8 = arith.constant 16 : i32
    %scan3A_9 = arith.addi %scan3A_7, %scan3A_8 : i32
    %scan3A_10 = arith.constant 1 : i32
    scf.for %scan3A_37 = %scan3A_7 to %scan3A_9 step %scan3A_10  : i32 {
      %mul3A_38 = arith.constant 1 : i32
      %mul3A_39 = arith.muli %scan3A_37, %mul3A_38 : i32
      %add3A_40 = arith.constant 16 : i32
      %add3A_41 = arith.addi %add3A_40, %mul3A_39 : i32
      %dma_start3A = arith.constant 0 : i32
      %dma_start3A_42 = arith.constant 0 : i32
      %dma_start3A_43 = tpu.memref_slice %arg8[%add3A_41, %dma_start3A, %dma_start3A_42] : memref<32x96x16xf32, #tpu.memory_space<vmem>> -> memref<1x96x16xf32, #tpu.memory_space<vmem>>
      %dma_start3A_44 = tpu.memref_squeeze %dma_start3A_43 : memref<1x96x16xf32, #tpu.memory_space<vmem>> -> memref<96x16xf32, #tpu.memory_space<vmem>>
      %dma_start3A_45 = arith.constant 0 : i32
      %dma_start3A_46 = tpu.memref_slice %arg6[%add3A_41, %dma_start3A_45] : memref<32x96xi32, #tpu.memory_space<vmem>> -> memref<1x96xi32, #tpu.memory_space<vmem>>
      %dma_start3A_47 = tpu.memref_squeeze %dma_start3A_46 : memref<1x96xi32, #tpu.memory_space<vmem>> -> memref<96xi32, #tpu.memory_space<vmem>>
      %dma_start3A_48 = arith.constant 0 : i32
      %dma_start3A_49 = arith.constant 0 : i32
      %dma_start3A_50 = tpu.memref_slice %arg2[%dma_start3A_48, %dma_start3A_49] : memref<393216x16xf32, #tpu.memory_space<hbm>> -> memref<393216x16xf32, #tpu.memory_space<hbm>>
      tpu.enqueue_indirect_dma source(%dma_start3A_50 : memref<393216x16xf32, #tpu.memory_space<hbm>>) target(%dma_start3A_44 : memref<96x16xf32, #tpu.memory_space<vmem>>) offsets(%dma_start3A_47 : memref<96xi32, #tpu.memory_space<vmem>>) semaphore(%arg11 : memref<!tpu.dma_semaphore, #tpu.memory_space<semaphore_mem>>)
    }
    %scan3A_11 = arith.constant 16 : i32
    %scan3A_12 = arith.constant 0 : i32
    %scan3A_13 = arith.constant 16 : i32
    %scan3A_14 = arith.addi %scan3A_12, %scan3A_13 : i32
    %scan3A_15 = arith.constant 1 : i32
    scf.for %scan3A_37 = %scan3A_12 to %scan3A_14 step %scan3A_15  : i32 {
      %mul3A_38 = arith.constant 1 : i32
      %mul3A_39 = arith.muli %scan3A_37, %mul3A_38 : i32
      %add3A_40 = arith.constant 0 : i32
      %add3A_41 = arith.addi %add3A_40, %mul3A_39 : i32
      %dma_wait3A = arith.constant 0 : i32
      %dma_wait3A_42 = arith.constant 0 : i32
      %dma_wait3A_43 = tpu.memref_slice %arg8[%add3A_41, %dma_wait3A, %dma_wait3A_42] : memref<32x96x16xf32, #tpu.memory_space<vmem>> -> memref<1x96x16xf32, #tpu.memory_space<vmem>>
      %dma_wait3A_44 = tpu.memref_squeeze %dma_wait3A_43 : memref<1x96x16xf32, #tpu.memory_space<vmem>> -> memref<96x16xf32, #tpu.memory_space<vmem>>
      %dma_wait3A_45 = arith.constant 0 : i32
      %dma_wait3A_46 = tpu.memref_slice %arg6[%add3A_41, %dma_wait3A_45] : memref<32x96xi32, #tpu.memory_space<vmem>> -> memref<1x96xi32, #tpu.memory_space<vmem>>
      %dma_wait3A_47 = tpu.memref_squeeze %dma_wait3A_46 : memref<1x96xi32, #tpu.memory_space<vmem>> -> memref<96xi32, #tpu.memory_space<vmem>>
      %dma_wait3A_48 = arith.constant 0 : i32
      %dma_wait3A_49 = arith.constant 0 : i32
      %dma_wait3A_50 = tpu.memref_slice %arg2[%dma_wait3A_48, %dma_wait3A_49] : memref<393216x16xf32, #tpu.memory_space<hbm>> -> memref<393216x16xf32, #tpu.memory_space<hbm>>
      tpu.wait_indirect_dma semaphore(%arg10 : memref<!tpu.dma_semaphore, #tpu.memory_space<semaphore_mem>>) src(%dma_wait3A_50 : memref<393216x16xf32, #tpu.memory_space<hbm>>) dst(%dma_wait3A_44 : memref<96x16xf32, #tpu.memory_space<vmem>>)
    }
    %scan3A_16 = arith.constant 16 : i32
    %scan3A_17 = arith.constant 0 : i32
    %scan3A_18 = arith.constant 2 : i32
    %scan3A_19 = arith.addi %scan3A_17, %scan3A_18 : i32
    %scan3A_20 = arith.constant 1 : i32
    scf.for %scan3A_37 = %scan3A_17 to %scan3A_19 step %scan3A_20  : i32 {
      %mul3A_38 = arith.constant 1 : i32
      %mul3A_39 = arith.muli %scan3A_37, %mul3A_38 : i32
      %add3A_40 = arith.constant 0 : i32
      %add3A_41 = arith.addi %add3A_40, %mul3A_39 : i32
      %add3A_42 = arith.constant 0 : i32
      %add3A_43 = arith.addi %add3A_42, %add3A_41 : i32
      %and3A = arith.constant 1 : i32
      %and3A_44 = arith.andi %add3A_43, %and3A : i32
      %ge3A = arith.constant 2 : i32
      %ge3A_45 = arith.cmpi sge, %add3A_43, %ge3A : i32
      %convert_element_type3A = arith.extui %ge3A_45 : i1 to i32
      %cond3A = arith.constant 0 : i32
      %cond3A_46 = arith.cmpi ne, %convert_element_type3A, %cond3A : i32
      scf.if %cond3A_46 {
        %dma_wait3A = arith.constant 0 : i32
        %dma_wait3A_70 = arith.constant 0 : i32
        %dma_wait3A_71 = tpu.memref_slice %arg9[%and3A_44, %dma_wait3A, %dma_wait3A_70] : memref<2x48x128xf32, #tpu.memory_space<vmem>> -> memref<1x48x128xf32, #tpu.memory_space<vmem>>
        %dma_wait3A_72 = tpu.memref_squeeze %dma_wait3A_71 : memref<1x48x128xf32, #tpu.memory_space<vmem>> -> memref<48x128xf32, #tpu.memory_space<vmem>>
        %dma_wait3A_73 = arith.constant 0 : i32
        %dma_wait3A_74 = arith.constant 0 : i32
        %dma_wait3A_75 = tpu.memref_slice %arg5[%dma_wait3A_73, %dma_wait3A_74] : memref<6144x128xf32, #tpu.memory_space<hbm>> -> memref<48x128xf32, #tpu.memory_space<hbm>>
        %dma_wait3A_76 = arith.constant 0 : i32
        %dma_wait3A_77 = arith.constant 0 : i32
        %dma_wait3A_78 = tpu.memref_slice %arg5[%dma_wait3A_76, %dma_wait3A_77] : memref<6144x128xf32, #tpu.memory_space<hbm>> -> memref<48x128xf32, #tpu.memory_space<hbm>>
        %dma_wait3A_79 = arith.constant 0 : i32
        %dma_wait3A_80 = arith.constant 0 : i32
        %dma_wait3A_81 = tpu.memref_slice %arg9[%and3A_44, %dma_wait3A_79, %dma_wait3A_80] : memref<2x48x128xf32, #tpu.memory_space<vmem>> -> memref<1x48x128xf32, #tpu.memory_space<vmem>>
        %dma_wait3A_82 = tpu.memref_squeeze %dma_wait3A_81 : memref<1x48x128xf32, #tpu.memory_space<vmem>> -> memref<48x128xf32, #tpu.memory_space<vmem>>
        tpu.wait_dma2 semaphore(%arg12 : memref<!tpu.dma_semaphore, #tpu.memory_space<semaphore_mem>>) src(%dma_wait3A_82 : memref<48x128xf32, #tpu.memory_space<vmem>>) dst(%dma_wait3A_78 : memref<48x128xf32, #tpu.memory_space<hbm>>)
      } else {
      }
      %scan3A_47 = arith.constant 0 : i32
      %scan3A_48 = arith.constant 8 : i32
      %scan3A_49 = arith.addi %scan3A_47, %scan3A_48 : i32
      %scan3A_50 = arith.constant 1 : i32
      scf.for %scan3A_70 = %scan3A_47 to %scan3A_49 step %scan3A_50  : i32 {
        %mul3A_71 = arith.constant 1 : i32
        %mul3A_72 = arith.muli %scan3A_70, %mul3A_71 : i32
        %add3A_73 = arith.constant 0 : i32
        %add3A_74 = arith.addi %add3A_73, %mul3A_72 : i32
        %mul3A_75 = arith.constant 8 : i32
        %mul3A_76 = arith.muli %add3A_41, %mul3A_75 : i32
        %add3A_77 = arith.constant 0 : i32
        %add3A_78 = arith.addi %add3A_77, %mul3A_76 : i32
        %add3A_79 = arith.addi %add3A_78, %add3A_74 : i32
        %get3A = arith.index_cast %add3A_79 : i32 to index
        %get3A_80 = arith.constant 0 : index
        %get3A_81 = tpu.vector_load %arg7[%get3A, %get3A_80] {strides = array<i32>} : memref<32x16xi32, #tpu.memory_space<vmem>>, vector<16xi32>,
        %add3A_82 = arith.addi %get3A_81, %iota3A : vector<16xi32>
        %shift_right_arithmetic3A = arith.constant 4 : i32
        %shift_right_arithmetic3A_83 = vector.broadcast %shift_right_arithmetic3A : i32 to vector<16xi32>
        %shift_right_arithmetic3A_84 = arith.shrsi %add3A_82, %shift_right_arithmetic3A_83 : vector<16xi32>
        %and3A_85 = arith.constant 15 : i32
        %and3A_86 = vector.broadcast %and3A_85 : i32 to vector<16xi32>
        %and3A_87 = arith.andi %add3A_82, %and3A_86 : vector<16xi32>
        %scan3A_88 = arith.constant 0 : i32
        %scan3A_89 = arith.constant 48 : i32
        %scan3A_90 = arith.addi %scan3A_88, %scan3A_89 : i32
        %scan3A_91 = arith.constant 8 : i32
        scf.for %scan3A_93 = %scan3A_88 to %scan3A_90 step %scan3A_91  : i32 {
          %mul3A_94 = arith.constant 1 : i32
          %mul3A_95 = arith.muli %scan3A_93, %mul3A_94 : i32
          %add3A_96 = arith.constant 0 : i32
          %add3A_97 = arith.addi %add3A_96, %mul3A_95 : i32
          %mul3A_98 = arith.constant 2 : i32
          %mul3A_99 = arith.muli %add3A_97, %mul3A_98 : i32
          %add3A_100 = vector.broadcast %mul3A_99 : i32 to vector<16xi32>
          %add3A_101 = arith.addi %shift_right_arithmetic3A_84, %add3A_100 : vector<16xi32>
          %gather3A = arith.constant 0 : i32
          %gather3A_102 = arith.constant 0 : i32
          %gather3A_103 = tpu.memref_slice %arg8[%add3A_79, %gather3A, %gather3A_102] : memref<32x96x16xf32, #tpu.memory_space<vmem>> -> memref<1x96x16xf32, #tpu.memory_space<vmem>>
          %gather3A_104 = tpu.memref_squeeze %gather3A_103 : memref<1x96x16xf32, #tpu.memory_space<vmem>> -> memref<96x16xf32, #tpu.memory_space<vmem>>
          %gather3A_105 = tpu.vector_load_idx %gather3A_104[%add3A_101, %and3A_87] : memref<96x16xf32, #tpu.memory_space<vmem>>[vector<16xi32>, vector<16xi32>], vector<16xf32>,
          %shift_right_arithmetic3A_106 = arith.constant 3 : i32
          %shift_right_arithmetic3A_107 = arith.shrsi %add3A_97, %shift_right_arithmetic3A_106 : i32
          %mul3A_108 = arith.constant 8 : i32
          %mul3A_109 = arith.muli %shift_right_arithmetic3A_107, %mul3A_108 : i32
          %add3A_110 = arith.addi %mul3A_109, %add3A_74 : i32
          %and3A_111 = arith.constant 7 : i32
          %and3A_112 = arith.andi %add3A_97, %and3A_111 : i32
          %mul3A_113 = arith.constant 16 : i32
          %mul3A_114 = arith.muli %and3A_112, %mul3A_113 : i32
          %swap3A = arith.index_cast %and3A_44 : i32 to index
          %swap3A_115 = arith.index_cast %add3A_110 : i32 to index
          %swap3A_116 = arith.index_cast %mul3A_114 : i32 to index
          %swap3A_117 = tpu.vector_load %arg9[%swap3A, %swap3A_115, %swap3A_116] {strides = array<i32>} : memref<2x48x128xf32, #tpu.memory_space<vmem>>, vector<16xf32>,
          tpu.vector_store %arg9[%swap3A, %swap3A_115, %swap3A_116], %gather3A_105 {strides = array<i32>} : memref<2x48x128xf32, #tpu.memory_space<vmem>>, vector<16xf32>,
          %scan3A_118 = arith.constant 1 : i32
          %scan3A_119 = arith.addi %scan3A_93, %scan3A_118 : i32
          %mul3A_120 = arith.constant 1 : i32
          %mul3A_121 = arith.muli %scan3A_119, %mul3A_120 : i32
          %add3A_122 = arith.constant 0 : i32
          %add3A_123 = arith.addi %add3A_122, %mul3A_121 : i32
          %mul3A_124 = arith.constant 2 : i32
          %mul3A_125 = arith.muli %add3A_123, %mul3A_124 : i32
          %add3A_126 = vector.broadcast %mul3A_125 : i32 to vector<16xi32>
          %add3A_127 = arith.addi %shift_right_arithmetic3A_84, %add3A_126 : vector<16xi32>
          %gather3A_128 = arith.constant 0 : i32
          %gather3A_129 = arith.constant 0 : i32
          %gather3A_130 = tpu.memref_slice %arg8[%add3A_79, %gather3A_128, %gather3A_129] : memref<32x96x16xf32, #tpu.memory_space<vmem>> -> memref<1x96x16xf32, #tpu.memory_space<vmem>>
          %gather3A_131 = tpu.memref_squeeze %gather3A_130 : memref<1x96x16xf32, #tpu.memory_space<vmem>> -> memref<96x16xf32, #tpu.memory_space<vmem>>
          %gather3A_132 = tpu.vector_load_idx %gather3A_131[%add3A_127, %and3A_87] : memref<96x16xf32, #tpu.memory_space<vmem>>[vector<16xi32>, vector<16xi32>], vector<16xf32>,
          %shift_right_arithmetic3A_133 = arith.constant 3 : i32
          %shift_right_arithmetic3A_134 = arith.shrsi %add3A_123, %shift_right_arithmetic3A_133 : i32
          %mul3A_135 = arith.constant 8 : i32
          %mul3A_136 = arith.muli %shift_right_arithmetic3A_134, %mul3A_135 : i32
          %add3A_137 = arith.addi %mul3A_136, %add3A_74 : i32
          %and3A_138 = arith.constant 7 : i32
          %and3A_139 = arith.andi %add3A_123, %and3A_138 : i32
          %mul3A_140 = arith.constant 16 : i32
          %mul3A_141 = arith.muli %and3A_139, %mul3A_140 : i32
          %swap3A_142 = arith.index_cast %and3A_44 : i32 to index
          %swap3A_143 = arith.index_cast %add3A_137 : i32 to index
          %swap3A_144 = arith.index_cast %mul3A_141 : i32 to index
          %swap3A_145 = tpu.vector_load %arg9[%swap3A_142, %swap3A_143, %swap3A_144] {strides = array<i32>} : memref<2x48x128xf32, #tpu.memory_space<vmem>>, vector<16xf32>,
          tpu.vector_store %arg9[%swap3A_142, %swap3A_143, %swap3A_144], %gather3A_132 {strides = array<i32>} : memref<2x48x128xf32, #tpu.memory_space<vmem>>, vector<16xf32>,
          %scan3A_146 = arith.constant 2 : i32
          %scan3A_147 = arith.addi %scan3A_93, %scan3A_146 : i32
          %mul3A_148 = arith.constant 1 : i32
          %mul3A_149 = arith.muli %scan3A_147, %mul3A_148 : i32
          %add3A_150 = arith.constant 0 : i32
          %add3A_151 = arith.addi %add3A_150, %mul3A_149 : i32
          %mul3A_152 = arith.constant 2 : i32
          %mul3A_153 = arith.muli %add3A_151, %mul3A_152 : i32
          %add3A_154 = vector.broadcast %mul3A_153 : i32 to vector<16xi32>
          %add3A_155 = arith.addi %shift_right_arithmetic3A_84, %add3A_154 : vector<16xi32>
          %gather3A_156 = arith.constant 0 : i32
          %gather3A_157 = arith.constant 0 : i32
          %gather3A_158 = tpu.memref_slice %arg8[%add3A_79, %gather3A_156, %gather3A_157] : memref<32x96x16xf32, #tpu.memory_space<vmem>> -> memref<1x96x16xf32, #tpu.memory_space<vmem>>
          %gather3A_159 = tpu.memref_squeeze %gather3A_158 : memref<1x96x16xf32, #tpu.memory_space<vmem>> -> memref<96x16xf32, #tpu.memory_space<vmem>>
          %gather3A_160 = tpu.vector_load_idx %gather3A_159[%add3A_155, %and3A_87] : memref<96x16xf32, #tpu.memory_space<vmem>>[vector<16xi32>, vector<16xi32>], vector<16xf32>,
          %shift_right_arithmetic3A_161 = arith.constant 3 : i32
          %shift_right_arithmetic3A_162 = arith.shrsi %add3A_151, %shift_right_arithmetic3A_161 : i32
          %mul3A_163 = arith.constant 8 : i32
          %mul3A_164 = arith.muli %shift_right_arithmetic3A_162, %mul3A_163 : i32
          %add3A_165 = arith.addi %mul3A_164, %add3A_74 : i32
          %and3A_166 = arith.constant 7 : i32
          %and3A_167 = arith.andi %add3A_151, %and3A_166 : i32
          %mul3A_168 = arith.constant 16 : i32
          %mul3A_169 = arith.muli %and3A_167, %mul3A_168 : i32
          %swap3A_170 = arith.index_cast %and3A_44 : i32 to index
          %swap3A_171 = arith.index_cast %add3A_165 : i32 to index
          %swap3A_172 = arith.index_cast %mul3A_169 : i32 to index
          %swap3A_173 = tpu.vector_load %arg9[%swap3A_170, %swap3A_171, %swap3A_172] {strides = array<i32>} : memref<2x48x128xf32, #tpu.memory_space<vmem>>, vector<16xf32>,
          tpu.vector_store %arg9[%swap3A_170, %swap3A_171, %swap3A_172], %gather3A_160 {strides = array<i32>} : memref<2x48x128xf32, #tpu.memory_space<vmem>>, vector<16xf32>,
          %scan3A_174 = arith.constant 3 : i32
          %scan3A_175 = arith.addi %scan3A_93, %scan3A_174 : i32
          %mul3A_176 = arith.constant 1 : i32
          %mul3A_177 = arith.muli %scan3A_175, %mul3A_176 : i32
          %add3A_178 = arith.constant 0 : i32
          %add3A_179 = arith.addi %add3A_178, %mul3A_177 : i32
          %mul3A_180 = arith.constant 2 : i32
          %mul3A_181 = arith.muli %add3A_179, %mul3A_180 : i32
          %add3A_182 = vector.broadcast %mul3A_181 : i32 to vector<16xi32>
          %add3A_183 = arith.addi %shift_right_arithmetic3A_84, %add3A_182 : vector<16xi32>
          %gather3A_184 = arith.constant 0 : i32
          %gather3A_185 = arith.constant 0 : i32
          %gather3A_186 = tpu.memref_slice %arg8[%add3A_79, %gather3A_184, %gather3A_185] : memref<32x96x16xf32, #tpu.memory_space<vmem>> -> memref<1x96x16xf32, #tpu.memory_space<vmem>>
          %gather3A_187 = tpu.memref_squeeze %gather3A_186 : memref<1x96x16xf32, #tpu.memory_space<vmem>> -> memref<96x16xf32, #tpu.memory_space<vmem>>
          %gather3A_188 = tpu.vector_load_idx %gather3A_187[%add3A_183, %and3A_87] : memref<96x16xf32, #tpu.memory_space<vmem>>[vector<16xi32>, vector<16xi32>], vector<16xf32>,
          %shift_right_arithmetic3A_189 = arith.constant 3 : i32
          %shift_right_arithmetic3A_190 = arith.shrsi %add3A_179, %shift_right_arithmetic3A_189 : i32
          %mul3A_191 = arith.constant 8 : i32
          %mul3A_192 = arith.muli %shift_right_arithmetic3A_190, %mul3A_191 : i32
          %add3A_193 = arith.addi %mul3A_192, %add3A_74 : i32
          %and3A_194 = arith.constant 7 : i32
          %and3A_195 = arith.andi %add3A_179, %and3A_194 : i32
          %mul3A_196 = arith.constant 16 : i32
          %mul3A_197 = arith.muli %and3A_195, %mul3A_196 : i32
          %swap3A_198 = arith.index_cast %and3A_44 : i32 to index
          %swap3A_199 = arith.index_cast %add3A_193 : i32 to index
          %swap3A_200 = arith.index_cast %mul3A_197 : i32 to index
          %swap3A_201 = tpu.vector_load %arg9[%swap3A_198, %swap3A_199, %swap3A_200] {strides = array<i32>} : memref<2x48x128xf32, #tpu.memory_space<vmem>>, vector<16xf32>,
          tpu.vector_store %arg9[%swap3A_198, %swap3A_199, %swap3A_200], %gather3A_188 {strides = array<i32>} : memref<2x48x128xf32, #tpu.memory_space<vmem>>, vector<16xf32>,
          %scan3A_202 = arith.constant 4 : i32
          %scan3A_203 = arith.addi %scan3A_93, %scan3A_202 : i32
          %mul3A_204 = arith.constant 1 : i32
          %mul3A_205 = arith.muli %scan3A_203, %mul3A_204 : i32
          %add3A_206 = arith.constant 0 : i32
          %add3A_207 = arith.addi %add3A_206, %mul3A_205 : i32
          %mul3A_208 = arith.constant 2 : i32
          %mul3A_209 = arith.muli %add3A_207, %mul3A_208 : i32
          %add3A_210 = vector.broadcast %mul3A_209 : i32 to vector<16xi32>
          %add3A_211 = arith.addi %shift_right_arithmetic3A_84, %add3A_210 : vector<16xi32>
          %gather3A_212 = arith.constant 0 : i32
          %gather3A_213 = arith.constant 0 : i32
          %gather3A_214 = tpu.memref_slice %arg8[%add3A_79, %gather3A_212, %gather3A_213] : memref<32x96x16xf32, #tpu.memory_space<vmem>> -> memref<1x96x16xf32, #tpu.memory_space<vmem>>
          %gather3A_215 = tpu.memref_squeeze %gather3A_214 : memref<1x96x16xf32, #tpu.memory_space<vmem>> -> memref<96x16xf32, #tpu.memory_space<vmem>>
          %gather3A_216 = tpu.vector_load_idx %gather3A_215[%add3A_211, %and3A_87] : memref<96x16xf32, #tpu.memory_space<vmem>>[vector<16xi32>, vector<16xi32>], vector<16xf32>,
          %shift_right_arithmetic3A_217 = arith.constant 3 : i32
          %shift_right_arithmetic3A_218 = arith.shrsi %add3A_207, %shift_right_arithmetic3A_217 : i32
          %mul3A_219 = arith.constant 8 : i32
          %mul3A_220 = arith.muli %shift_right_arithmetic3A_218, %mul3A_219 : i32
          %add3A_221 = arith.addi %mul3A_220, %add3A_74 : i32
          %and3A_222 = arith.constant 7 : i32
          %and3A_223 = arith.andi %add3A_207, %and3A_222 : i32
          %mul3A_224 = arith.constant 16 : i32
          %mul3A_225 = arith.muli %and3A_223, %mul3A_224 : i32
          %swap3A_226 = arith.index_cast %and3A_44 : i32 to index
          %swap3A_227 = arith.index_cast %add3A_221 : i32 to index
          %swap3A_228 = arith.index_cast %mul3A_225 : i32 to index
          %swap3A_229 = tpu.vector_load %arg9[%swap3A_226, %swap3A_227, %swap3A_228] {strides = array<i32>} : memref<2x48x128xf32, #tpu.memory_space<vmem>>, vector<16xf32>,
          tpu.vector_store %arg9[%swap3A_226, %swap3A_227, %swap3A_228], %gather3A_216 {strides = array<i32>} : memref<2x48x128xf32, #tpu.memory_space<vmem>>, vector<16xf32>,
          %scan3A_230 = arith.constant 5 : i32
          %scan3A_231 = arith.addi %scan3A_93, %scan3A_230 : i32
          %mul3A_232 = arith.constant 1 : i32
          %mul3A_233 = arith.muli %scan3A_231, %mul3A_232 : i32
          %add3A_234 = arith.constant 0 : i32
          %add3A_235 = arith.addi %add3A_234, %mul3A_233 : i32
          %mul3A_236 = arith.constant 2 : i32
          %mul3A_237 = arith.muli %add3A_235, %mul3A_236 : i32
          %add3A_238 = vector.broadcast %mul3A_237 : i32 to vector<16xi32>
          %add3A_239 = arith.addi %shift_right_arithmetic3A_84, %add3A_238 : vector<16xi32>
          %gather3A_240 = arith.constant 0 : i32
          %gather3A_241 = arith.constant 0 : i32
          %gather3A_242 = tpu.memref_slice %arg8[%add3A_79, %gather3A_240, %gather3A_241] : memref<32x96x16xf32, #tpu.memory_space<vmem>> -> memref<1x96x16xf32, #tpu.memory_space<vmem>>
          %gather3A_243 = tpu.memref_squeeze %gather3A_242 : memref<1x96x16xf32, #tpu.memory_space<vmem>> -> memref<96x16xf32, #tpu.memory_space<vmem>>
          %gather3A_244 = tpu.vector_load_idx %gather3A_243[%add3A_239, %and3A_87] : memref<96x16xf32, #tpu.memory_space<vmem>>[vector<16xi32>, vector<16xi32>], vector<16xf32>,
          %shift_right_arithmetic3A_245 = arith.constant 3 : i32
          %shift_right_arithmetic3A_246 = arith.shrsi %add3A_235, %shift_right_arithmetic3A_245 : i32
          %mul3A_247 = arith.constant 8 : i32
          %mul3A_248 = arith.muli %shift_right_arithmetic3A_246, %mul3A_247 : i32
          %add3A_249 = arith.addi %mul3A_248, %add3A_74 : i32
          %and3A_250 = arith.constant 7 : i32
          %and3A_251 = arith.andi %add3A_235, %and3A_250 : i32
          %mul3A_252 = arith.constant 16 : i32
          %mul3A_253 = arith.muli %and3A_251, %mul3A_252 : i32
          %swap3A_254 = arith.index_cast %and3A_44 : i32 to index
          %swap3A_255 = arith.index_cast %add3A_249 : i32 to index
          %swap3A_256 = arith.index_cast %mul3A_253 : i32 to index
          %swap3A_257 = tpu.vector_load %arg9[%swap3A_254, %swap3A_255, %swap3A_256] {strides = array<i32>} : memref<2x48x128xf32, #tpu.memory_space<vmem>>, vector<16xf32>,
          tpu.vector_store %arg9[%swap3A_254, %swap3A_255, %swap3A_256], %gather3A_244 {strides = array<i32>} : memref<2x48x128xf32, #tpu.memory_space<vmem>>, vector<16xf32>,
          %scan3A_258 = arith.constant 6 : i32
          %scan3A_259 = arith.addi %scan3A_93, %scan3A_258 : i32
          %mul3A_260 = arith.constant 1 : i32
          %mul3A_261 = arith.muli %scan3A_259, %mul3A_260 : i32
          %add3A_262 = arith.constant 0 : i32
          %add3A_263 = arith.addi %add3A_262, %mul3A_261 : i32
          %mul3A_264 = arith.constant 2 : i32
          %mul3A_265 = arith.muli %add3A_263, %mul3A_264 : i32
          %add3A_266 = vector.broadcast %mul3A_265 : i32 to vector<16xi32>
          %add3A_267 = arith.addi %shift_right_arithmetic3A_84, %add3A_266 : vector<16xi32>
          %gather3A_268 = arith.constant 0 : i32
          %gather3A_269 = arith.constant 0 : i32
          %gather3A_270 = tpu.memref_slice %arg8[%add3A_79, %gather3A_268, %gather3A_269] : memref<32x96x16xf32, #tpu.memory_space<vmem>> -> memref<1x96x16xf32, #tpu.memory_space<vmem>>
          %gather3A_271 = tpu.memref_squeeze %gather3A_270 : memref<1x96x16xf32, #tpu.memory_space<vmem>> -> memref<96x16xf32, #tpu.memory_space<vmem>>
          %gather3A_272 = tpu.vector_load_idx %gather3A_271[%add3A_267, %and3A_87] : memref<96x16xf32, #tpu.memory_space<vmem>>[vector<16xi32>, vector<16xi32>], vector<16xf32>,
          %shift_right_arithmetic3A_273 = arith.constant 3 : i32
          %shift_right_arithmetic3A_274 = arith.shrsi %add3A_263, %shift_right_arithmetic3A_273 : i32
          %mul3A_275 = arith.constant 8 : i32
          %mul3A_276 = arith.muli %shift_right_arithmetic3A_274, %mul3A_275 : i32
          %add3A_277 = arith.addi %mul3A_276, %add3A_74 : i32
          %and3A_278 = arith.constant 7 : i32
          %and3A_279 = arith.andi %add3A_263, %and3A_278 : i32
          %mul3A_280 = arith.constant 16 : i32
          %mul3A_281 = arith.muli %and3A_279, %mul3A_280 : i32
          %swap3A_282 = arith.index_cast %and3A_44 : i32 to index
          %swap3A_283 = arith.index_cast %add3A_277 : i32 to index
          %swap3A_284 = arith.index_cast %mul3A_281 : i32 to index
          %swap3A_285 = tpu.vector_load %arg9[%swap3A_282, %swap3A_283, %swap3A_284] {strides = array<i32>} : memref<2x48x128xf32, #tpu.memory_space<vmem>>, vector<16xf32>,
          tpu.vector_store %arg9[%swap3A_282, %swap3A_283, %swap3A_284], %gather3A_272 {strides = array<i32>} : memref<2x48x128xf32, #tpu.memory_space<vmem>>, vector<16xf32>,
          %scan3A_286 = arith.constant 7 : i32
          %scan3A_287 = arith.addi %scan3A_93, %scan3A_286 : i32
          %mul3A_288 = arith.constant 1 : i32
          %mul3A_289 = arith.muli %scan3A_287, %mul3A_288 : i32
          %add3A_290 = arith.constant 0 : i32
          %add3A_291 = arith.addi %add3A_290, %mul3A_289 : i32
          %mul3A_292 = arith.constant 2 : i32
          %mul3A_293 = arith.muli %add3A_291, %mul3A_292 : i32
          %add3A_294 = vector.broadcast %mul3A_293 : i32 to vector<16xi32>
          %add3A_295 = arith.addi %shift_right_arithmetic3A_84, %add3A_294 : vector<16xi32>
          %gather3A_296 = arith.constant 0 : i32
          %gather3A_297 = arith.constant 0 : i32
          %gather3A_298 = tpu.memref_slice %arg8[%add3A_79, %gather3A_296, %gather3A_297] : memref<32x96x16xf32, #tpu.memory_space<vmem>> -> memref<1x96x16xf32, #tpu.memory_space<vmem>>
          %gather3A_299 = tpu.memref_squeeze %gather3A_298 : memref<1x96x16xf32, #tpu.memory_space<vmem>> -> memref<96x16xf32, #tpu.memory_space<vmem>>
          %gather3A_300 = tpu.vector_load_idx %gather3A_299[%add3A_295, %and3A_87] : memref<96x16xf32, #tpu.memory_space<vmem>>[vector<16xi32>, vector<16xi32>], vector<16xf32>,
          %shift_right_arithmetic3A_301 = arith.constant 3 : i32
          %shift_right_arithmetic3A_302 = arith.shrsi %add3A_291, %shift_right_arithmetic3A_301 : i32
          %mul3A_303 = arith.constant 8 : i32
          %mul3A_304 = arith.muli %shift_right_arithmetic3A_302, %mul3A_303 : i32
          %add3A_305 = arith.addi %mul3A_304, %add3A_74 : i32
          %and3A_306 = arith.constant 7 : i32
          %and3A_307 = arith.andi %add3A_291, %and3A_306 : i32
          %mul3A_308 = arith.constant 16 : i32
          %mul3A_309 = arith.muli %and3A_307, %mul3A_308 : i32
          %swap3A_310 = arith.index_cast %and3A_44 : i32 to index
          %swap3A_311 = arith.index_cast %add3A_305 : i32 to index
          %swap3A_312 = arith.index_cast %mul3A_309 : i32 to index
          %swap3A_313 = tpu.vector_load %arg9[%swap3A_310, %swap3A_311, %swap3A_312] {strides = array<i32>} : memref<2x48x128xf32, #tpu.memory_space<vmem>>, vector<16xf32>,
          tpu.vector_store %arg9[%swap3A_310, %swap3A_311, %swap3A_312], %gather3A_300 {strides = array<i32>} : memref<2x48x128xf32, #tpu.memory_space<vmem>>, vector<16xf32>,
        }
        %scan3A_92 = arith.constant 48 : i32
      }
      %scan3A_51 = arith.constant 8 : i32
      %add3A_52 = arith.constant 0 : i32
      %add3A_53 = arith.addi %mul3A_2, %add3A_52 : i32
      %mul3A_54 = arith.constant 8 : i32
      %mul3A_55 = arith.muli %add3A_41, %mul3A_54 : i32
      %add3A_56 = arith.addi %add3A_53, %mul3A_55 : i32
      %mul3A_57 = arith.constant 6 : i32
      %mul3A_58 = arith.muli %add3A_56, %mul3A_57 : i32
      %dma_start3A = arith.constant 0 : i32
      %dma_start3A_59 = arith.constant 0 : i32
      %dma_start3A_60 = tpu.memref_slice %arg9[%and3A_44, %dma_start3A, %dma_start3A_59] : memref<2x48x128xf32, #tpu.memory_space<vmem>> -> memref<1x48x128xf32, #tpu.memory_space<vmem>>
      %dma_start3A_61 = tpu.memref_squeeze %dma_start3A_60 : memref<1x48x128xf32, #tpu.memory_space<vmem>> -> memref<48x128xf32, #tpu.memory_space<vmem>>
      %dma_start3A_62 = arith.constant 0 : i32
      %dma_start3A_63 = tpu.memref_slice %arg5[%mul3A_58, %dma_start3A_62] : memref<6144x128xf32, #tpu.memory_space<hbm>> -> memref<48x128xf32, #tpu.memory_space<hbm>>
      %dma_start3A_64 = arith.constant 0 : i32
      %dma_start3A_65 = tpu.memref_slice %arg5[%mul3A_58, %dma_start3A_64] : memref<6144x128xf32, #tpu.memory_space<hbm>> -> memref<48x128xf32, #tpu.memory_space<hbm>>
      %dma_start3A_66 = arith.constant 0 : i32
      %dma_start3A_67 = arith.constant 0 : i32
      %dma_start3A_68 = tpu.memref_slice %arg9[%and3A_44, %dma_start3A_66, %dma_start3A_67] : memref<2x48x128xf32, #tpu.memory_space<vmem>> -> memref<1x48x128xf32, #tpu.memory_space<vmem>>
      %dma_start3A_69 = tpu.memref_squeeze %dma_start3A_68 : memref<1x48x128xf32, #tpu.memory_space<vmem>> -> memref<48x128xf32, #tpu.memory_space<vmem>>
      tpu.enqueue_dma source(%dma_start3A_69 : memref<48x128xf32, #tpu.memory_space<vmem>>) target(%dma_start3A_65 : memref<48x128xf32, #tpu.memory_space<hbm>>) target_semaphore(%arg12 : memref<!tpu.dma_semaphore, #tpu.memory_space<semaphore_mem>>)
    }
    %scan3A_21 = arith.constant 2 : i32
    %scan3A_22 = arith.constant 0 : i32
    %scan3A_23 = arith.constant 16 : i32
    %scan3A_24 = arith.addi %scan3A_22, %scan3A_23 : i32
    %scan3A_25 = arith.constant 1 : i32
    scf.for %scan3A_37 = %scan3A_22 to %scan3A_24 step %scan3A_25  : i32 {
      %mul3A_38 = arith.constant 1 : i32
      %mul3A_39 = arith.muli %scan3A_37, %mul3A_38 : i32
      %add3A_40 = arith.constant 0 : i32
      %add3A_41 = arith.addi %add3A_40, %mul3A_39 : i32
      %dma_wait3A = arith.constant 0 : i32
      %dma_wait3A_42 = arith.constant 0 : i32
      %dma_wait3A_43 = tpu.memref_slice %arg8[%add3A_41, %dma_wait3A, %dma_wait3A_42] : memref<32x96x16xf32, #tpu.memory_space<vmem>> -> memref<1x96x16xf32, #tpu.memory_space<vmem>>
      %dma_wait3A_44 = tpu.memref_squeeze %dma_wait3A_43 : memref<1x96x16xf32, #tpu.memory_space<vmem>> -> memref<96x16xf32, #tpu.memory_space<vmem>>
      %dma_wait3A_45 = arith.constant 0 : i32
      %dma_wait3A_46 = tpu.memref_slice %arg6[%add3A_41, %dma_wait3A_45] : memref<32x96xi32, #tpu.memory_space<vmem>> -> memref<1x96xi32, #tpu.memory_space<vmem>>
      %dma_wait3A_47 = tpu.memref_squeeze %dma_wait3A_46 : memref<1x96xi32, #tpu.memory_space<vmem>> -> memref<96xi32, #tpu.memory_space<vmem>>
      %dma_wait3A_48 = arith.constant 0 : i32
      %dma_wait3A_49 = arith.constant 0 : i32
      %dma_wait3A_50 = tpu.memref_slice %arg2[%dma_wait3A_48, %dma_wait3A_49] : memref<393216x16xf32, #tpu.memory_space<hbm>> -> memref<393216x16xf32, #tpu.memory_space<hbm>>
      tpu.wait_indirect_dma semaphore(%arg11 : memref<!tpu.dma_semaphore, #tpu.memory_space<semaphore_mem>>) src(%dma_wait3A_50 : memref<393216x16xf32, #tpu.memory_space<hbm>>) dst(%dma_wait3A_44 : memref<96x16xf32, #tpu.memory_space<vmem>>)
    }
    %scan3A_26 = arith.constant 16 : i32
    %scan3A_27 = arith.constant 0 : i32
    %scan3A_28 = arith.constant 2 : i32
    %scan3A_29 = arith.addi %scan3A_27, %scan3A_28 : i32
    %scan3A_30 = arith.constant 1 : i32
    scf.for %scan3A_37 = %scan3A_27 to %scan3A_29 step %scan3A_30  : i32 {
      %mul3A_38 = arith.constant 1 : i32
      %mul3A_39 = arith.muli %scan3A_37, %mul3A_38 : i32
      %add3A_40 = arith.constant 0 : i32
      %add3A_41 = arith.addi %add3A_40, %mul3A_39 : i32
      %add3A_42 = arith.constant 2 : i32
      %add3A_43 = arith.addi %add3A_42, %add3A_41 : i32
      %and3A = arith.constant 1 : i32
      %and3A_44 = arith.andi %add3A_43, %and3A : i32
      %ge3A = arith.constant 2 : i32
      %ge3A_45 = arith.cmpi sge, %add3A_43, %ge3A : i32
      %convert_element_type3A = arith.extui %ge3A_45 : i1 to i32
      %cond3A = arith.constant 0 : i32
      %cond3A_46 = arith.cmpi ne, %convert_element_type3A, %cond3A : i32
      scf.if %cond3A_46 {
        %dma_wait3A = arith.constant 0 : i32
        %dma_wait3A_70 = arith.constant 0 : i32
        %dma_wait3A_71 = tpu.memref_slice %arg9[%and3A_44, %dma_wait3A, %dma_wait3A_70] : memref<2x48x128xf32, #tpu.memory_space<vmem>> -> memref<1x48x128xf32, #tpu.memory_space<vmem>>
        %dma_wait3A_72 = tpu.memref_squeeze %dma_wait3A_71 : memref<1x48x128xf32, #tpu.memory_space<vmem>> -> memref<48x128xf32, #tpu.memory_space<vmem>>
        %dma_wait3A_73 = arith.constant 0 : i32
        %dma_wait3A_74 = arith.constant 0 : i32
        %dma_wait3A_75 = tpu.memref_slice %arg5[%dma_wait3A_73, %dma_wait3A_74] : memref<6144x128xf32, #tpu.memory_space<hbm>> -> memref<48x128xf32, #tpu.memory_space<hbm>>
        %dma_wait3A_76 = arith.constant 0 : i32
        %dma_wait3A_77 = arith.constant 0 : i32
        %dma_wait3A_78 = tpu.memref_slice %arg5[%dma_wait3A_76, %dma_wait3A_77] : memref<6144x128xf32, #tpu.memory_space<hbm>> -> memref<48x128xf32, #tpu.memory_space<hbm>>
        %dma_wait3A_79 = arith.constant 0 : i32
        %dma_wait3A_80 = arith.constant 0 : i32
        %dma_wait3A_81 = tpu.memref_slice %arg9[%and3A_44, %dma_wait3A_79, %dma_wait3A_80] : memref<2x48x128xf32, #tpu.memory_space<vmem>> -> memref<1x48x128xf32, #tpu.memory_space<vmem>>
        %dma_wait3A_82 = tpu.memref_squeeze %dma_wait3A_81 : memref<1x48x128xf32, #tpu.memory_space<vmem>> -> memref<48x128xf32, #tpu.memory_space<vmem>>
        tpu.wait_dma2 semaphore(%arg12 : memref<!tpu.dma_semaphore, #tpu.memory_space<semaphore_mem>>) src(%dma_wait3A_82 : memref<48x128xf32, #tpu.memory_space<vmem>>) dst(%dma_wait3A_78 : memref<48x128xf32, #tpu.memory_space<hbm>>)
      } else {
      }
      %scan3A_47 = arith.constant 0 : i32
      %scan3A_48 = arith.constant 8 : i32
      %scan3A_49 = arith.addi %scan3A_47, %scan3A_48 : i32
      %scan3A_50 = arith.constant 1 : i32
      scf.for %scan3A_70 = %scan3A_47 to %scan3A_49 step %scan3A_50  : i32 {
        %mul3A_71 = arith.constant 1 : i32
        %mul3A_72 = arith.muli %scan3A_70, %mul3A_71 : i32
        %add3A_73 = arith.constant 0 : i32
        %add3A_74 = arith.addi %add3A_73, %mul3A_72 : i32
        %mul3A_75 = arith.constant 8 : i32
        %mul3A_76 = arith.muli %add3A_41, %mul3A_75 : i32
        %add3A_77 = arith.constant 16 : i32
        %add3A_78 = arith.addi %add3A_77, %mul3A_76 : i32
        %add3A_79 = arith.addi %add3A_78, %add3A_74 : i32
        %get3A = arith.index_cast %add3A_79 : i32 to index
        %get3A_80 = arith.constant 0 : index
        %get3A_81 = tpu.vector_load %arg7[%get3A, %get3A_80] {strides = array<i32>} : memref<32x16xi32, #tpu.memory_space<vmem>>, vector<16xi32>,
        %add3A_82 = arith.addi %get3A_81, %iota3A : vector<16xi32>
        %shift_right_arithmetic3A = arith.constant 4 : i32
        %shift_right_arithmetic3A_83 = vector.broadcast %shift_right_arithmetic3A : i32 to vector<16xi32>
        %shift_right_arithmetic3A_84 = arith.shrsi %add3A_82, %shift_right_arithmetic3A_83 : vector<16xi32>
        %and3A_85 = arith.constant 15 : i32
        %and3A_86 = vector.broadcast %and3A_85 : i32 to vector<16xi32>
        %and3A_87 = arith.andi %add3A_82, %and3A_86 : vector<16xi32>
        %scan3A_88 = arith.constant 0 : i32
        %scan3A_89 = arith.constant 48 : i32
        %scan3A_90 = arith.addi %scan3A_88, %scan3A_89 : i32
        %scan3A_91 = arith.constant 8 : i32
        scf.for %scan3A_93 = %scan3A_88 to %scan3A_90 step %scan3A_91  : i32 {
          %mul3A_94 = arith.constant 1 : i32
          %mul3A_95 = arith.muli %scan3A_93, %mul3A_94 : i32
          %add3A_96 = arith.constant 0 : i32
          %add3A_97 = arith.addi %add3A_96, %mul3A_95 : i32
          %mul3A_98 = arith.constant 2 : i32
          %mul3A_99 = arith.muli %add3A_97, %mul3A_98 : i32
          %add3A_100 = vector.broadcast %mul3A_99 : i32 to vector<16xi32>
          %add3A_101 = arith.addi %shift_right_arithmetic3A_84, %add3A_100 : vector<16xi32>
          %gather3A = arith.constant 0 : i32
          %gather3A_102 = arith.constant 0 : i32
          %gather3A_103 = tpu.memref_slice %arg8[%add3A_79, %gather3A, %gather3A_102] : memref<32x96x16xf32, #tpu.memory_space<vmem>> -> memref<1x96x16xf32, #tpu.memory_space<vmem>>
          %gather3A_104 = tpu.memref_squeeze %gather3A_103 : memref<1x96x16xf32, #tpu.memory_space<vmem>> -> memref<96x16xf32, #tpu.memory_space<vmem>>
          %gather3A_105 = tpu.vector_load_idx %gather3A_104[%add3A_101, %and3A_87] : memref<96x16xf32, #tpu.memory_space<vmem>>[vector<16xi32>, vector<16xi32>], vector<16xf32>,
          %shift_right_arithmetic3A_106 = arith.constant 3 : i32
          %shift_right_arithmetic3A_107 = arith.shrsi %add3A_97, %shift_right_arithmetic3A_106 : i32
          %mul3A_108 = arith.constant 8 : i32
          %mul3A_109 = arith.muli %shift_right_arithmetic3A_107, %mul3A_108 : i32
          %add3A_110 = arith.addi %mul3A_109, %add3A_74 : i32
          %and3A_111 = arith.constant 7 : i32
          %and3A_112 = arith.andi %add3A_97, %and3A_111 : i32
          %mul3A_113 = arith.constant 16 : i32
          %mul3A_114 = arith.muli %and3A_112, %mul3A_113 : i32
          %swap3A = arith.index_cast %and3A_44 : i32 to index
          %swap3A_115 = arith.index_cast %add3A_110 : i32 to index
          %swap3A_116 = arith.index_cast %mul3A_114 : i32 to index
          %swap3A_117 = tpu.vector_load %arg9[%swap3A, %swap3A_115, %swap3A_116] {strides = array<i32>} : memref<2x48x128xf32, #tpu.memory_space<vmem>>, vector<16xf32>,
          tpu.vector_store %arg9[%swap3A, %swap3A_115, %swap3A_116], %gather3A_105 {strides = array<i32>} : memref<2x48x128xf32, #tpu.memory_space<vmem>>, vector<16xf32>,
          %scan3A_118 = arith.constant 1 : i32
          %scan3A_119 = arith.addi %scan3A_93, %scan3A_118 : i32
          %mul3A_120 = arith.constant 1 : i32
          %mul3A_121 = arith.muli %scan3A_119, %mul3A_120 : i32
          %add3A_122 = arith.constant 0 : i32
          %add3A_123 = arith.addi %add3A_122, %mul3A_121 : i32
          %mul3A_124 = arith.constant 2 : i32
          %mul3A_125 = arith.muli %add3A_123, %mul3A_124 : i32
          %add3A_126 = vector.broadcast %mul3A_125 : i32 to vector<16xi32>
          %add3A_127 = arith.addi %shift_right_arithmetic3A_84, %add3A_126 : vector<16xi32>
          %gather3A_128 = arith.constant 0 : i32
          %gather3A_129 = arith.constant 0 : i32
          %gather3A_130 = tpu.memref_slice %arg8[%add3A_79, %gather3A_128, %gather3A_129] : memref<32x96x16xf32, #tpu.memory_space<vmem>> -> memref<1x96x16xf32, #tpu.memory_space<vmem>>
          %gather3A_131 = tpu.memref_squeeze %gather3A_130 : memref<1x96x16xf32, #tpu.memory_space<vmem>> -> memref<96x16xf32, #tpu.memory_space<vmem>>
          %gather3A_132 = tpu.vector_load_idx %gather3A_131[%add3A_127, %and3A_87] : memref<96x16xf32, #tpu.memory_space<vmem>>[vector<16xi32>, vector<16xi32>], vector<16xf32>,
          %shift_right_arithmetic3A_133 = arith.constant 3 : i32
          %shift_right_arithmetic3A_134 = arith.shrsi %add3A_123, %shift_right_arithmetic3A_133 : i32
          %mul3A_135 = arith.constant 8 : i32
          %mul3A_136 = arith.muli %shift_right_arithmetic3A_134, %mul3A_135 : i32
          %add3A_137 = arith.addi %mul3A_136, %add3A_74 : i32
          %and3A_138 = arith.constant 7 : i32
          %and3A_139 = arith.andi %add3A_123, %and3A_138 : i32
          %mul3A_140 = arith.constant 16 : i32
          %mul3A_141 = arith.muli %and3A_139, %mul3A_140 : i32
          %swap3A_142 = arith.index_cast %and3A_44 : i32 to index
          %swap3A_143 = arith.index_cast %add3A_137 : i32 to index
          %swap3A_144 = arith.index_cast %mul3A_141 : i32 to index
          %swap3A_145 = tpu.vector_load %arg9[%swap3A_142, %swap3A_143, %swap3A_144] {strides = array<i32>} : memref<2x48x128xf32, #tpu.memory_space<vmem>>, vector<16xf32>,
          tpu.vector_store %arg9[%swap3A_142, %swap3A_143, %swap3A_144], %gather3A_132 {strides = array<i32>} : memref<2x48x128xf32, #tpu.memory_space<vmem>>, vector<16xf32>,
          %scan3A_146 = arith.constant 2 : i32
          %scan3A_147 = arith.addi %scan3A_93, %scan3A_146 : i32
          %mul3A_148 = arith.constant 1 : i32
          %mul3A_149 = arith.muli %scan3A_147, %mul3A_148 : i32
          %add3A_150 = arith.constant 0 : i32
          %add3A_151 = arith.addi %add3A_150, %mul3A_149 : i32
          %mul3A_152 = arith.constant 2 : i32
          %mul3A_153 = arith.muli %add3A_151, %mul3A_152 : i32
          %add3A_154 = vector.broadcast %mul3A_153 : i32 to vector<16xi32>
          %add3A_155 = arith.addi %shift_right_arithmetic3A_84, %add3A_154 : vector<16xi32>
          %gather3A_156 = arith.constant 0 : i32
          %gather3A_157 = arith.constant 0 : i32
          %gather3A_158 = tpu.memref_slice %arg8[%add3A_79, %gather3A_156, %gather3A_157] : memref<32x96x16xf32, #tpu.memory_space<vmem>> -> memref<1x96x16xf32, #tpu.memory_space<vmem>>
          %gather3A_159 = tpu.memref_squeeze %gather3A_158 : memref<1x96x16xf32, #tpu.memory_space<vmem>> -> memref<96x16xf32, #tpu.memory_space<vmem>>
          %gather3A_160 = tpu.vector_load_idx %gather3A_159[%add3A_155, %and3A_87] : memref<96x16xf32, #tpu.memory_space<vmem>>[vector<16xi32>, vector<16xi32>], vector<16xf32>,
          %shift_right_arithmetic3A_161 = arith.constant 3 : i32
          %shift_right_arithmetic3A_162 = arith.shrsi %add3A_151, %shift_right_arithmetic3A_161 : i32
          %mul3A_163 = arith.constant 8 : i32
          %mul3A_164 = arith.muli %shift_right_arithmetic3A_162, %mul3A_163 : i32
          %add3A_165 = arith.addi %mul3A_164, %add3A_74 : i32
          %and3A_166 = arith.constant 7 : i32
          %and3A_167 = arith.andi %add3A_151, %and3A_166 : i32
          %mul3A_168 = arith.constant 16 : i32
          %mul3A_169 = arith.muli %and3A_167, %mul3A_168 : i32
          %swap3A_170 = arith.index_cast %and3A_44 : i32 to index
          %swap3A_171 = arith.index_cast %add3A_165 : i32 to index
          %swap3A_172 = arith.index_cast %mul3A_169 : i32 to index
          %swap3A_173 = tpu.vector_load %arg9[%swap3A_170, %swap3A_171, %swap3A_172] {strides = array<i32>} : memref<2x48x128xf32, #tpu.memory_space<vmem>>, vector<16xf32>,
          tpu.vector_store %arg9[%swap3A_170, %swap3A_171, %swap3A_172], %gather3A_160 {strides = array<i32>} : memref<2x48x128xf32, #tpu.memory_space<vmem>>, vector<16xf32>,
          %scan3A_174 = arith.constant 3 : i32
          %scan3A_175 = arith.addi %scan3A_93, %scan3A_174 : i32
          %mul3A_176 = arith.constant 1 : i32
          %mul3A_177 = arith.muli %scan3A_175, %mul3A_176 : i32
          %add3A_178 = arith.constant 0 : i32
          %add3A_179 = arith.addi %add3A_178, %mul3A_177 : i32
          %mul3A_180 = arith.constant 2 : i32
          %mul3A_181 = arith.muli %add3A_179, %mul3A_180 : i32
          %add3A_182 = vector.broadcast %mul3A_181 : i32 to vector<16xi32>
          %add3A_183 = arith.addi %shift_right_arithmetic3A_84, %add3A_182 : vector<16xi32>
          %gather3A_184 = arith.constant 0 : i32
          %gather3A_185 = arith.constant 0 : i32
          %gather3A_186 = tpu.memref_slice %arg8[%add3A_79, %gather3A_184, %gather3A_185] : memref<32x96x16xf32, #tpu.memory_space<vmem>> -> memref<1x96x16xf32, #tpu.memory_space<vmem>>
          %gather3A_187 = tpu.memref_squeeze %gather3A_186 : memref<1x96x16xf32, #tpu.memory_space<vmem>> -> memref<96x16xf32, #tpu.memory_space<vmem>>
          %gather3A_188 = tpu.vector_load_idx %gather3A_187[%add3A_183, %and3A_87] : memref<96x16xf32, #tpu.memory_space<vmem>>[vector<16xi32>, vector<16xi32>], vector<16xf32>,
          %shift_right_arithmetic3A_189 = arith.constant 3 : i32
          %shift_right_arithmetic3A_190 = arith.shrsi %add3A_179, %shift_right_arithmetic3A_189 : i32
          %mul3A_191 = arith.constant 8 : i32
          %mul3A_192 = arith.muli %shift_right_arithmetic3A_190, %mul3A_191 : i32
          %add3A_193 = arith.addi %mul3A_192, %add3A_74 : i32
          %and3A_194 = arith.constant 7 : i32
          %and3A_195 = arith.andi %add3A_179, %and3A_194 : i32
          %mul3A_196 = arith.constant 16 : i32
          %mul3A_197 = arith.muli %and3A_195, %mul3A_196 : i32
          %swap3A_198 = arith.index_cast %and3A_44 : i32 to index
          %swap3A_199 = arith.index_cast %add3A_193 : i32 to index
          %swap3A_200 = arith.index_cast %mul3A_197 : i32 to index
          %swap3A_201 = tpu.vector_load %arg9[%swap3A_198, %swap3A_199, %swap3A_200] {strides = array<i32>} : memref<2x48x128xf32, #tpu.memory_space<vmem>>, vector<16xf32>,
          tpu.vector_store %arg9[%swap3A_198, %swap3A_199, %swap3A_200], %gather3A_188 {strides = array<i32>} : memref<2x48x128xf32, #tpu.memory_space<vmem>>, vector<16xf32>,
          %scan3A_202 = arith.constant 4 : i32
          %scan3A_203 = arith.addi %scan3A_93, %scan3A_202 : i32
          %mul3A_204 = arith.constant 1 : i32
          %mul3A_205 = arith.muli %scan3A_203, %mul3A_204 : i32
          %add3A_206 = arith.constant 0 : i32
          %add3A_207 = arith.addi %add3A_206, %mul3A_205 : i32
          %mul3A_208 = arith.constant 2 : i32
          %mul3A_209 = arith.muli %add3A_207, %mul3A_208 : i32
          %add3A_210 = vector.broadcast %mul3A_209 : i32 to vector<16xi32>
          %add3A_211 = arith.addi %shift_right_arithmetic3A_84, %add3A_210 : vector<16xi32>
          %gather3A_212 = arith.constant 0 : i32
          %gather3A_213 = arith.constant 0 : i32
          %gather3A_214 = tpu.memref_slice %arg8[%add3A_79, %gather3A_212, %gather3A_213] : memref<32x96x16xf32, #tpu.memory_space<vmem>> -> memref<1x96x16xf32, #tpu.memory_space<vmem>>
          %gather3A_215 = tpu.memref_squeeze %gather3A_214 : memref<1x96x16xf32, #tpu.memory_space<vmem>> -> memref<96x16xf32, #tpu.memory_space<vmem>>
          %gather3A_216 = tpu.vector_load_idx %gather3A_215[%add3A_211, %and3A_87] : memref<96x16xf32, #tpu.memory_space<vmem>>[vector<16xi32>, vector<16xi32>], vector<16xf32>,
          %shift_right_arithmetic3A_217 = arith.constant 3 : i32
          %shift_right_arithmetic3A_218 = arith.shrsi %add3A_207, %shift_right_arithmetic3A_217 : i32
          %mul3A_219 = arith.constant 8 : i32
          %mul3A_220 = arith.muli %shift_right_arithmetic3A_218, %mul3A_219 : i32
          %add3A_221 = arith.addi %mul3A_220, %add3A_74 : i32
          %and3A_222 = arith.constant 7 : i32
          %and3A_223 = arith.andi %add3A_207, %and3A_222 : i32
          %mul3A_224 = arith.constant 16 : i32
          %mul3A_225 = arith.muli %and3A_223, %mul3A_224 : i32
          %swap3A_226 = arith.index_cast %and3A_44 : i32 to index
          %swap3A_227 = arith.index_cast %add3A_221 : i32 to index
          %swap3A_228 = arith.index_cast %mul3A_225 : i32 to index
          %swap3A_229 = tpu.vector_load %arg9[%swap3A_226, %swap3A_227, %swap3A_228] {strides = array<i32>} : memref<2x48x128xf32, #tpu.memory_space<vmem>>, vector<16xf32>,
          tpu.vector_store %arg9[%swap3A_226, %swap3A_227, %swap3A_228], %gather3A_216 {strides = array<i32>} : memref<2x48x128xf32, #tpu.memory_space<vmem>>, vector<16xf32>,
          %scan3A_230 = arith.constant 5 : i32
          %scan3A_231 = arith.addi %scan3A_93, %scan3A_230 : i32
          %mul3A_232 = arith.constant 1 : i32
          %mul3A_233 = arith.muli %scan3A_231, %mul3A_232 : i32
          %add3A_234 = arith.constant 0 : i32
          %add3A_235 = arith.addi %add3A_234, %mul3A_233 : i32
          %mul3A_236 = arith.constant 2 : i32
          %mul3A_237 = arith.muli %add3A_235, %mul3A_236 : i32
          %add3A_238 = vector.broadcast %mul3A_237 : i32 to vector<16xi32>
          %add3A_239 = arith.addi %shift_right_arithmetic3A_84, %add3A_238 : vector<16xi32>
          %gather3A_240 = arith.constant 0 : i32
          %gather3A_241 = arith.constant 0 : i32
          %gather3A_242 = tpu.memref_slice %arg8[%add3A_79, %gather3A_240, %gather3A_241] : memref<32x96x16xf32, #tpu.memory_space<vmem>> -> memref<1x96x16xf32, #tpu.memory_space<vmem>>
          %gather3A_243 = tpu.memref_squeeze %gather3A_242 : memref<1x96x16xf32, #tpu.memory_space<vmem>> -> memref<96x16xf32, #tpu.memory_space<vmem>>
          %gather3A_244 = tpu.vector_load_idx %gather3A_243[%add3A_239, %and3A_87] : memref<96x16xf32, #tpu.memory_space<vmem>>[vector<16xi32>, vector<16xi32>], vector<16xf32>,
          %shift_right_arithmetic3A_245 = arith.constant 3 : i32
          %shift_right_arithmetic3A_246 = arith.shrsi %add3A_235, %shift_right_arithmetic3A_245 : i32
          %mul3A_247 = arith.constant 8 : i32
          %mul3A_248 = arith.muli %shift_right_arithmetic3A_246, %mul3A_247 : i32
          %add3A_249 = arith.addi %mul3A_248, %add3A_74 : i32
          %and3A_250 = arith.constant 7 : i32
          %and3A_251 = arith.andi %add3A_235, %and3A_250 : i32
          %mul3A_252 = arith.constant 16 : i32
          %mul3A_253 = arith.muli %and3A_251, %mul3A_252 : i32
          %swap3A_254 = arith.index_cast %and3A_44 : i32 to index
          %swap3A_255 = arith.index_cast %add3A_249 : i32 to index
          %swap3A_256 = arith.index_cast %mul3A_253 : i32 to index
          %swap3A_257 = tpu.vector_load %arg9[%swap3A_254, %swap3A_255, %swap3A_256] {strides = array<i32>} : memref<2x48x128xf32, #tpu.memory_space<vmem>>, vector<16xf32>,
          tpu.vector_store %arg9[%swap3A_254, %swap3A_255, %swap3A_256], %gather3A_244 {strides = array<i32>} : memref<2x48x128xf32, #tpu.memory_space<vmem>>, vector<16xf32>,
          %scan3A_258 = arith.constant 6 : i32
          %scan3A_259 = arith.addi %scan3A_93, %scan3A_258 : i32
          %mul3A_260 = arith.constant 1 : i32
          %mul3A_261 = arith.muli %scan3A_259, %mul3A_260 : i32
          %add3A_262 = arith.constant 0 : i32
          %add3A_263 = arith.addi %add3A_262, %mul3A_261 : i32
          %mul3A_264 = arith.constant 2 : i32
          %mul3A_265 = arith.muli %add3A_263, %mul3A_264 : i32
          %add3A_266 = vector.broadcast %mul3A_265 : i32 to vector<16xi32>
          %add3A_267 = arith.addi %shift_right_arithmetic3A_84, %add3A_266 : vector<16xi32>
          %gather3A_268 = arith.constant 0 : i32
          %gather3A_269 = arith.constant 0 : i32
          %gather3A_270 = tpu.memref_slice %arg8[%add3A_79, %gather3A_268, %gather3A_269] : memref<32x96x16xf32, #tpu.memory_space<vmem>> -> memref<1x96x16xf32, #tpu.memory_space<vmem>>
          %gather3A_271 = tpu.memref_squeeze %gather3A_270 : memref<1x96x16xf32, #tpu.memory_space<vmem>> -> memref<96x16xf32, #tpu.memory_space<vmem>>
          %gather3A_272 = tpu.vector_load_idx %gather3A_271[%add3A_267, %and3A_87] : memref<96x16xf32, #tpu.memory_space<vmem>>[vector<16xi32>, vector<16xi32>], vector<16xf32>,
          %shift_right_arithmetic3A_273 = arith.constant 3 : i32
          %shift_right_arithmetic3A_274 = arith.shrsi %add3A_263, %shift_right_arithmetic3A_273 : i32
          %mul3A_275 = arith.constant 8 : i32
          %mul3A_276 = arith.muli %shift_right_arithmetic3A_274, %mul3A_275 : i32
          %add3A_277 = arith.addi %mul3A_276, %add3A_74 : i32
          %and3A_278 = arith.constant 7 : i32
          %and3A_279 = arith.andi %add3A_263, %and3A_278 : i32
          %mul3A_280 = arith.constant 16 : i32
          %mul3A_281 = arith.muli %and3A_279, %mul3A_280 : i32
          %swap3A_282 = arith.index_cast %and3A_44 : i32 to index
          %swap3A_283 = arith.index_cast %add3A_277 : i32 to index
          %swap3A_284 = arith.index_cast %mul3A_281 : i32 to index
          %swap3A_285 = tpu.vector_load %arg9[%swap3A_282, %swap3A_283, %swap3A_284] {strides = array<i32>} : memref<2x48x128xf32, #tpu.memory_space<vmem>>, vector<16xf32>,
          tpu.vector_store %arg9[%swap3A_282, %swap3A_283, %swap3A_284], %gather3A_272 {strides = array<i32>} : memref<2x48x128xf32, #tpu.memory_space<vmem>>, vector<16xf32>,
          %scan3A_286 = arith.constant 7 : i32
          %scan3A_287 = arith.addi %scan3A_93, %scan3A_286 : i32
          %mul3A_288 = arith.constant 1 : i32
          %mul3A_289 = arith.muli %scan3A_287, %mul3A_288 : i32
          %add3A_290 = arith.constant 0 : i32
          %add3A_291 = arith.addi %add3A_290, %mul3A_289 : i32
          %mul3A_292 = arith.constant 2 : i32
          %mul3A_293 = arith.muli %add3A_291, %mul3A_292 : i32
          %add3A_294 = vector.broadcast %mul3A_293 : i32 to vector<16xi32>
          %add3A_295 = arith.addi %shift_right_arithmetic3A_84, %add3A_294 : vector<16xi32>
          %gather3A_296 = arith.constant 0 : i32
          %gather3A_297 = arith.constant 0 : i32
          %gather3A_298 = tpu.memref_slice %arg8[%add3A_79, %gather3A_296, %gather3A_297] : memref<32x96x16xf32, #tpu.memory_space<vmem>> -> memref<1x96x16xf32, #tpu.memory_space<vmem>>
          %gather3A_299 = tpu.memref_squeeze %gather3A_298 : memref<1x96x16xf32, #tpu.memory_space<vmem>> -> memref<96x16xf32, #tpu.memory_space<vmem>>
          %gather3A_300 = tpu.vector_load_idx %gather3A_299[%add3A_295, %and3A_87] : memref<96x16xf32, #tpu.memory_space<vmem>>[vector<16xi32>, vector<16xi32>], vector<16xf32>,
          %shift_right_arithmetic3A_301 = arith.constant 3 : i32
          %shift_right_arithmetic3A_302 = arith.shrsi %add3A_291, %shift_right_arithmetic3A_301 : i32
          %mul3A_303 = arith.constant 8 : i32
          %mul3A_304 = arith.muli %shift_right_arithmetic3A_302, %mul3A_303 : i32
          %add3A_305 = arith.addi %mul3A_304, %add3A_74 : i32
          %and3A_306 = arith.constant 7 : i32
          %and3A_307 = arith.andi %add3A_291, %and3A_306 : i32
          %mul3A_308 = arith.constant 16 : i32
          %mul3A_309 = arith.muli %and3A_307, %mul3A_308 : i32
          %swap3A_310 = arith.index_cast %and3A_44 : i32 to index
          %swap3A_311 = arith.index_cast %add3A_305 : i32 to index
          %swap3A_312 = arith.index_cast %mul3A_309 : i32 to index
          %swap3A_313 = tpu.vector_load %arg9[%swap3A_310, %swap3A_311, %swap3A_312] {strides = array<i32>} : memref<2x48x128xf32, #tpu.memory_space<vmem>>, vector<16xf32>,
          tpu.vector_store %arg9[%swap3A_310, %swap3A_311, %swap3A_312], %gather3A_300 {strides = array<i32>} : memref<2x48x128xf32, #tpu.memory_space<vmem>>, vector<16xf32>,
        }
        %scan3A_92 = arith.constant 48 : i32
      }
      %scan3A_51 = arith.constant 8 : i32
      %add3A_52 = arith.constant 16 : i32
      %add3A_53 = arith.addi %mul3A_2, %add3A_52 : i32
      %mul3A_54 = arith.constant 8 : i32
      %mul3A_55 = arith.muli %add3A_41, %mul3A_54 : i32
      %add3A_56 = arith.addi %add3A_53, %mul3A_55 : i32
      %mul3A_57 = arith.constant 6 : i32
      %mul3A_58 = arith.muli %add3A_56, %mul3A_57 : i32
      %dma_start3A = arith.constant 0 : i32
      %dma_start3A_59 = arith.constant 0 : i32
      %dma_start3A_60 = tpu.memref_slice %arg9[%and3A_44, %dma_start3A, %dma_start3A_59] : memref<2x48x128xf32, #tpu.memory_space<vmem>> -> memref<1x48x128xf32, #tpu.memory_space<vmem>>
      %dma_start3A_61 = tpu.memref_squeeze %dma_start3A_60 : memref<1x48x128xf32, #tpu.memory_space<vmem>> -> memref<48x128xf32, #tpu.memory_space<vmem>>
      %dma_start3A_62 = arith.constant 0 : i32
      %dma_start3A_63 = tpu.memref_slice %arg5[%mul3A_58, %dma_start3A_62] : memref<6144x128xf32, #tpu.memory_space<hbm>> -> memref<48x128xf32, #tpu.memory_space<hbm>>
      %dma_start3A_64 = arith.constant 0 : i32
      %dma_start3A_65 = tpu.memref_slice %arg5[%mul3A_58, %dma_start3A_64] : memref<6144x128xf32, #tpu.memory_space<hbm>> -> memref<48x128xf32, #tpu.memory_space<hbm>>
      %dma_start3A_66 = arith.constant 0 : i32
      %dma_start3A_67 = arith.constant 0 : i32
      %dma_start3A_68 = tpu.memref_slice %arg9[%and3A_44, %dma_start3A_66, %dma_start3A_67] : memref<2x48x128xf32, #tpu.memory_space<vmem>> -> memref<1x48x128xf32, #tpu.memory_space<vmem>>
      %dma_start3A_69 = tpu.memref_squeeze %dma_start3A_68 : memref<1x48x128xf32, #tpu.memory_space<vmem>> -> memref<48x128xf32, #tpu.memory_space<vmem>>
      tpu.enqueue_dma source(%dma_start3A_69 : memref<48x128xf32, #tpu.memory_space<vmem>>) target(%dma_start3A_65 : memref<48x128xf32, #tpu.memory_space<hbm>>) target_semaphore(%arg12 : memref<!tpu.dma_semaphore, #tpu.memory_space<semaphore_mem>>)
    }
    %scan3A_31 = arith.constant 2 : i32
    %scan3A_32 = arith.constant 0 : i32
    %scan3A_33 = arith.constant 2 : i32
    %scan3A_34 = arith.addi %scan3A_32, %scan3A_33 : i32
    %scan3A_35 = arith.constant 1 : i32
    scf.for %scan3A_37 = %scan3A_32 to %scan3A_34 step %scan3A_35  : i32 {
      %mul3A_38 = arith.constant 1 : i32
      %mul3A_39 = arith.muli %scan3A_37, %mul3A_38 : i32
      %add3A_40 = arith.constant 0 : i32
      %add3A_41 = arith.addi %add3A_40, %mul3A_39 : i32
      %dma_wait3A = arith.constant 0 : i32
      %dma_wait3A_42 = arith.constant 0 : i32
      %dma_wait3A_43 = tpu.memref_slice %arg9[%add3A_41, %dma_wait3A, %dma_wait3A_42] : memref<2x48x128xf32, #tpu.memory_space<vmem>> -> memref<1x48x128xf32, #tpu.memory_space<vmem>>
      %dma_wait3A_44 = tpu.memref_squeeze %dma_wait3A_43 : memref<1x48x128xf32, #tpu.memory_space<vmem>> -> memref<48x128xf32, #tpu.memory_space<vmem>>
      %dma_wait3A_45 = arith.constant 0 : i32
      %dma_wait3A_46 = arith.constant 0 : i32
      %dma_wait3A_47 = tpu.memref_slice %arg5[%dma_wait3A_45, %dma_wait3A_46] : memref<6144x128xf32, #tpu.memory_space<hbm>> -> memref<48x128xf32, #tpu.memory_space<hbm>>
      %dma_wait3A_48 = arith.constant 0 : i32
      %dma_wait3A_49 = arith.constant 0 : i32
      %dma_wait3A_50 = tpu.memref_slice %arg5[%dma_wait3A_48, %dma_wait3A_49] : memref<6144x128xf32, #tpu.memory_space<hbm>> -> memref<48x128xf32, #tpu.memory_space<hbm>>
      %dma_wait3A_51 = arith.constant 0 : i32
      %dma_wait3A_52 = arith.constant 0 : i32
      %dma_wait3A_53 = tpu.memref_slice %arg9[%add3A_41, %dma_wait3A_51, %dma_wait3A_52] : memref<2x48x128xf32, #tpu.memory_space<vmem>> -> memref<1x48x128xf32, #tpu.memory_space<vmem>>
      %dma_wait3A_54 = tpu.memref_squeeze %dma_wait3A_53 : memref<1x48x128xf32, #tpu.memory_space<vmem>> -> memref<48x128xf32, #tpu.memory_space<vmem>>
      tpu.wait_dma2 semaphore(%arg12 : memref<!tpu.dma_semaphore, #tpu.memory_space<semaphore_mem>>) src(%dma_wait3A_54 : memref<48x128xf32, #tpu.memory_space<vmem>>) dst(%dma_wait3A_50 : memref<48x128xf32, #tpu.memory_space<hbm>>)
    }
    %scan3A_36 = arith.constant 2 : i32
    return
  }
}

#map = affine_map<(d0, d1) -> (0, 0)>
module attributes {stable_mosaic.version = 14 : i64} {
  func.func @k(%arg0: i32, %arg1: i32, %arg2: memref<393216x16xf32, #tpu.memory_space<hbm>>, %arg3: memref<1024x96xi32, #tpu.memory_space<hbm>>, %arg4: memref<1024x16xi32, #tpu.memory_space<hbm>>, %arg5: memref<6144x128xf32, #tpu.memory_space<hbm>>, %arg6: memref<32x96xi32, #tpu.memory_space<vmem>>, %arg7: memref<32x16xi32, #tpu.memory_space<vmem>>, %arg8: memref<32x96x16xf32, #tpu.memory_space<vmem>>, %arg9: memref<2x48x128xf32, #tpu.memory_space<vmem>>, %arg10: memref<!tpu.dma_semaphore, #tpu.memory_space<semaphore_mem>>, %arg11: memref<!tpu.dma_semaphore, #tpu.memory_space<semaphore_mem>>, %arg12: memref<!tpu.dma_semaphore, #tpu.memory_space<semaphore_mem>>) attributes {dimension_semantics = [#tpu.dimension_semantics<core_parallel>, #tpu.dimension_semantics<subcore_parallel>], iteration_bounds = array<i64: 2, 16>, scalar_prefetch = 0 : i64, scratch_operands = 7 : i64, tpu.core_type = #tpu.core_type<sc_vector_subcore>, window_params = [{transform_indices = #map}, {transform_indices = #map}, {transform_indices = #map}, {transform_indices = #map}]} {
    %mul3A = arith.constant 16 : i32
    %mul3A_0 = arith.muli %arg0, %mul3A : i32
    %add3A = arith.addi %mul3A_0, %arg1 : i32
    %mul3A_1 = arith.constant 32 : i32
    %mul3A_2 = arith.muli %add3A, %mul3A_1 : i32
    %iota3A = tpu.iota {dimensions = array<i32: 0>} : vector<16xi32>
    "tpu.region"() ({
      %run_scoped3A = tpu.sem_alloc : memref<!tpu.dma_semaphore, #tpu.memory_space<semaphore_mem>>
      %dma_start3A = arith.constant 0 : i32
      %dma_start3A_37 = tpu.memref_slice %arg3[%mul3A_2, %dma_start3A] : memref<1024x96xi32, #tpu.memory_space<hbm>> -> memref<32x96xi32, #tpu.memory_space<hbm>>
      %dma_start3A_38 = arith.constant 0 : i32
      %dma_start3A_39 = tpu.memref_slice %arg3[%mul3A_2, %dma_start3A_38] : memref<1024x96xi32, #tpu.memory_space<hbm>> -> memref<32x96xi32, #tpu.memory_space<hbm>>
      tpu.enqueue_dma source(%dma_start3A_39 : memref<32x96xi32, #tpu.memory_space<hbm>>) target(%arg6 : memref<32x96xi32, #tpu.memory_space<vmem>>) target_semaphore(%run_scoped3A : memref<!tpu.dma_semaphore, #tpu.memory_space<semaphore_mem>>)
      %dma_wait3A = arith.constant 0 : i32
      %dma_wait3A_40 = tpu.memref_slice %arg3[%mul3A_2, %dma_wait3A] : memref<1024x96xi32, #tpu.memory_space<hbm>> -> memref<32x96xi32, #tpu.memory_space<hbm>>
      %dma_wait3A_41 = arith.constant 0 : i32
      %dma_wait3A_42 = tpu.memref_slice %arg3[%mul3A_2, %dma_wait3A_41] : memref<1024x96xi32, #tpu.memory_space<hbm>> -> memref<32x96xi32, #tpu.memory_space<hbm>>
      tpu.wait_dma2 semaphore(%run_scoped3A : memref<!tpu.dma_semaphore, #tpu.memory_space<semaphore_mem>>) src(%dma_wait3A_42 : memref<32x96xi32, #tpu.memory_space<hbm>>) dst(%arg6 : memref<32x96xi32, #tpu.memory_space<vmem>>)
      tpu.yield
    }) : () -> ()
    "tpu.region"() ({
      %run_scoped3A = tpu.sem_alloc : memref<!tpu.dma_semaphore, #tpu.memory_space<semaphore_mem>>
      %dma_start3A = arith.constant 0 : i32
      %dma_start3A_37 = tpu.memref_slice %arg4[%mul3A_2, %dma_start3A] : memref<1024x16xi32, #tpu.memory_space<hbm>> -> memref<32x16xi32, #tpu.memory_space<hbm>>
      %dma_start3A_38 = arith.constant 0 : i32
      %dma_start3A_39 = tpu.memref_slice %arg4[%mul3A_2, %dma_start3A_38] : memref<1024x16xi32, #tpu.memory_space<hbm>> -> memref<32x16xi32, #tpu.memory_space<hbm>>
      tpu.enqueue_dma source(%dma_start3A_39 : memref<32x16xi32, #tpu.memory_space<hbm>>) target(%arg7 : memref<32x16xi32, #tpu.memory_space<vmem>>) target_semaphore(%run_scoped3A : memref<!tpu.dma_semaphore, #tpu.memory_space<semaphore_mem>>)
      %dma_wait3A = arith.constant 0 : i32
      %dma_wait3A_40 = tpu.memref_slice %arg4[%mul3A_2, %dma_wait3A] : memref<1024x16xi32, #tpu.memory_space<hbm>> -> memref<32x16xi32, #tpu.memory_space<hbm>>
      %dma_wait3A_41 = arith.constant 0 : i32
      %dma_wait3A_42 = tpu.memref_slice %arg4[%mul3A_2, %dma_wait3A_41] : memref<1024x16xi32, #tpu.memory_space<hbm>> -> memref<32x16xi32, #tpu.memory_space<hbm>>
      tpu.wait_dma2 semaphore(%run_scoped3A : memref<!tpu.dma_semaphore, #tpu.memory_space<semaphore_mem>>) src(%dma_wait3A_42 : memref<32x16xi32, #tpu.memory_space<hbm>>) dst(%arg7 : memref<32x16xi32, #tpu.memory_space<vmem>>)
      tpu.yield
    }) : () -> ()
    %scan3A = arith.constant 0 : i32
    %scan3A_3 = arith.constant 16 : i32
    %scan3A_4 = arith.addi %scan3A, %scan3A_3 : i32
    %scan3A_5 = arith.constant 1 : i32
    scf.for %scan3A_37 = %scan3A to %scan3A_4 step %scan3A_5  : i32 {
      %mul3A_38 = arith.constant 1 : i32
      %mul3A_39 = arith.muli %scan3A_37, %mul3A_38 : i32
      %add3A_40 = arith.constant 0 : i32
      %add3A_41 = arith.addi %add3A_40, %mul3A_39 : i32
      %dma_start3A = arith.constant 0 : i32
      %dma_start3A_42 = arith.constant 0 : i32
      %dma_start3A_43 = tpu.memref_slice %arg8[%add3A_41, %dma_start3A, %dma_start3A_42] : memref<32x96x16xf32, #tpu.memory_space<vmem>> -> memref<1x96x16xf32, #tpu.memory_space<vmem>>
      %dma_start3A_44 = tpu.memref_squeeze %dma_start3A_43 : memref<1x96x16xf32, #tpu.memory_space<vmem>> -> memref<96x16xf32, #tpu.memory_space<vmem>>
      %dma_start3A_45 = arith.constant 0 : i32
      %dma_start3A_46 = tpu.memref_slice %arg6[%add3A_41, %dma_start3A_45] : memref<32x96xi32, #tpu.memory_space<vmem>> -> memref<1x96xi32, #tpu.memory_space<vmem>>
      %dma_start3A_47 = tpu.memref_squeeze %dma_start3A_46 : memref<1x96xi32, #tpu.memory_space<vmem>> -> memref<96xi32, #tpu.memory_space<vmem>>
      %dma_start3A_48 = arith.constant 0 : i32
      %dma_start3A_49 = arith.constant 0 : i32
      %dma_start3A_50 = tpu.memref_slice %arg2[%dma_start3A_48, %dma_start3A_49] : memref<393216x16xf32, #tpu.memory_space<hbm>> -> memref<393216x16xf32, #tpu.memory_space<hbm>>
      tpu.enqueue_indirect_dma source(%dma_start3A_50 : memref<393216x16xf32, #tpu.memory_space<hbm>>) target(%dma_start3A_44 : memref<96x16xf32, #tpu.memory_space<vmem>>) offsets(%dma_start3A_47 : memref<96xi32, #tpu.memory_space<vmem>>) semaphore(%arg10 : memref<!tpu.dma_semaphore, #tpu.memory_space<semaphore_mem>>)
    }
    %scan3A_6 = arith.constant 16 : i32
    %scan3A_7 = arith.constant 0 : i32
    %scan3A_8 = arith.constant 16 : i32
    %scan3A_9 = arith.addi %scan3A_7, %scan3A_8 : i32
    %scan3A_10 = arith.constant 1 : i32
    scf.for %scan3A_37 = %scan3A_7 to %scan3A_9 step %scan3A_10  : i32 {
      %mul3A_38 = arith.constant 1 : i32
      %mul3A_39 = arith.muli %scan3A_37, %mul3A_38 : i32
      %add3A_40 = arith.constant 16 : i32
      %add3A_41 = arith.addi %add3A_40, %mul3A_39 : i32
      %dma_start3A = arith.constant 0 : i32
      %dma_start3A_42 = arith.constant 0 : i32
      %dma_start3A_43 = tpu.memref_slice %arg8[%add3A_41, %dma_start3A, %dma_start3A_42] : memref<32x96x16xf32, #tpu.memory_space<vmem>> -> memref<1x96x16xf32, #tpu.memory_space<vmem>>
      %dma_start3A_44 = tpu.memref_squeeze %dma_start3A_43 : memref<1x96x16xf32, #tpu.memory_space<vmem>> -> memref<96x16xf32, #tpu.memory_space<vmem>>
      %dma_start3A_45 = arith.constant 0 : i32
      %dma_start3A_46 = tpu.memref_slice %arg6[%add3A_41, %dma_start3A_45] : memref<32x96xi32, #tpu.memory_space<vmem>> -> memref<1x96xi32, #tpu.memory_space<vmem>>
      %dma_start3A_47 = tpu.memref_squeeze %dma_start3A_46 : memref<1x96xi32, #tpu.memory_space<vmem>> -> memref<96xi32, #tpu.memory_space<vmem>>
      %dma_start3A_48 = arith.constant 0 : i32
      %dma_start3A_49 = arith.constant 0 : i32
      %dma_start3A_50 = tpu.memref_slice %arg2[%dma_start3A_48, %dma_start3A_49] : memref<393216x16xf32, #tpu.memory_space<hbm>> -> memref<393216x16xf32, #tpu.memory_space<hbm>>
      tpu.enqueue_indirect_dma source(%dma_start3A_50 : memref<393216x16xf32, #tpu.memory_space<hbm>>) target(%dma_start3A_44 : memref<96x16xf32, #tpu.memory_space<vmem>>) offsets(%dma_start3A_47 : memref<96xi32, #tpu.memory_space<vmem>>) semaphore(%arg11 : memref<!tpu.dma_semaphore, #tpu.memory_space<semaphore_mem>>)
    }
    %scan3A_11 = arith.constant 16 : i32
    %scan3A_12 = arith.constant 0 : i32
    %scan3A_13 = arith.constant 16 : i32
    %scan3A_14 = arith.addi %scan3A_12, %scan3A_13 : i32
    %scan3A_15 = arith.constant 1 : i32
    scf.for %scan3A_37 = %scan3A_12 to %scan3A_14 step %scan3A_15  : i32 {
      %mul3A_38 = arith.constant 1 : i32
      %mul3A_39 = arith.muli %scan3A_37, %mul3A_38 : i32
      %add3A_40 = arith.constant 0 : i32
      %add3A_41 = arith.addi %add3A_40, %mul3A_39 : i32
      %dma_wait3A = arith.constant 0 : i32
      %dma_wait3A_42 = arith.constant 0 : i32
      %dma_wait3A_43 = tpu.memref_slice %arg8[%add3A_41, %dma_wait3A, %dma_wait3A_42] : memref<32x96x16xf32, #tpu.memory_space<vmem>> -> memref<1x96x16xf32, #tpu.memory_space<vmem>>
      %dma_wait3A_44 = tpu.memref_squeeze %dma_wait3A_43 : memref<1x96x16xf32, #tpu.memory_space<vmem>> -> memref<96x16xf32, #tpu.memory_space<vmem>>
      %dma_wait3A_45 = arith.constant 0 : i32
      %dma_wait3A_46 = tpu.memref_slice %arg6[%add3A_41, %dma_wait3A_45] : memref<32x96xi32, #tpu.memory_space<vmem>> -> memref<1x96xi32, #tpu.memory_space<vmem>>
      %dma_wait3A_47 = tpu.memref_squeeze %dma_wait3A_46 : memref<1x96xi32, #tpu.memory_space<vmem>> -> memref<96xi32, #tpu.memory_space<vmem>>
      %dma_wait3A_48 = arith.constant 0 : i32
      %dma_wait3A_49 = arith.constant 0 : i32
      %dma_wait3A_50 = tpu.memref_slice %arg2[%dma_wait3A_48, %dma_wait3A_49] : memref<393216x16xf32, #tpu.memory_space<hbm>> -> memref<393216x16xf32, #tpu.memory_space<hbm>>
      tpu.wait_indirect_dma semaphore(%arg10 : memref<!tpu.dma_semaphore, #tpu.memory_space<semaphore_mem>>) src(%dma_wait3A_50 : memref<393216x16xf32, #tpu.memory_space<hbm>>) dst(%dma_wait3A_44 : memref<96x16xf32, #tpu.memory_space<vmem>>)
    }
    %scan3A_16 = arith.constant 16 : i32
    %scan3A_17 = arith.constant 0 : i32
    %scan3A_18 = arith.constant 2 : i32
    %scan3A_19 = arith.addi %scan3A_17, %scan3A_18 : i32
    %scan3A_20 = arith.constant 1 : i32
    scf.for %scan3A_37 = %scan3A_17 to %scan3A_19 step %scan3A_20  : i32 {
      %mul3A_38 = arith.constant 1 : i32
      %mul3A_39 = arith.muli %scan3A_37, %mul3A_38 : i32
      %add3A_40 = arith.constant 0 : i32
      %add3A_41 = arith.addi %add3A_40, %mul3A_39 : i32
      %add3A_42 = arith.constant 0 : i32
      %add3A_43 = arith.addi %add3A_42, %add3A_41 : i32
      %and3A = arith.constant 1 : i32
      %and3A_44 = arith.andi %add3A_43, %and3A : i32
      %ge3A = arith.constant 2 : i32
      %ge3A_45 = arith.cmpi sge, %add3A_43, %ge3A : i32
      %convert_element_type3A = arith.extui %ge3A_45 : i1 to i32
      %cond3A = arith.constant 0 : i32
      %cond3A_46 = arith.cmpi ne, %convert_element_type3A, %cond3A : i32
      scf.if %cond3A_46 {
        %dma_wait3A = arith.constant 0 : i32
        %dma_wait3A_70 = arith.constant 0 : i32
        %dma_wait3A_71 = tpu.memref_slice %arg9[%and3A_44, %dma_wait3A, %dma_wait3A_70] : memref<2x48x128xf32, #tpu.memory_space<vmem>> -> memref<1x48x128xf32, #tpu.memory_space<vmem>>
        %dma_wait3A_72 = tpu.memref_squeeze %dma_wait3A_71 : memref<1x48x128xf32, #tpu.memory_space<vmem>> -> memref<48x128xf32, #tpu.memory_space<vmem>>
        %dma_wait3A_73 = arith.constant 0 : i32
        %dma_wait3A_74 = arith.constant 0 : i32
        %dma_wait3A_75 = tpu.memref_slice %arg5[%dma_wait3A_73, %dma_wait3A_74] : memref<6144x128xf32, #tpu.memory_space<hbm>> -> memref<48x128xf32, #tpu.memory_space<hbm>>
        %dma_wait3A_76 = arith.constant 0 : i32
        %dma_wait3A_77 = arith.constant 0 : i32
        %dma_wait3A_78 = tpu.memref_slice %arg5[%dma_wait3A_76, %dma_wait3A_77] : memref<6144x128xf32, #tpu.memory_space<hbm>> -> memref<48x128xf32, #tpu.memory_space<hbm>>
        %dma_wait3A_79 = arith.constant 0 : i32
        %dma_wait3A_80 = arith.constant 0 : i32
        %dma_wait3A_81 = tpu.memref_slice %arg9[%and3A_44, %dma_wait3A_79, %dma_wait3A_80] : memref<2x48x128xf32, #tpu.memory_space<vmem>> -> memref<1x48x128xf32, #tpu.memory_space<vmem>>
        %dma_wait3A_82 = tpu.memref_squeeze %dma_wait3A_81 : memref<1x48x128xf32, #tpu.memory_space<vmem>> -> memref<48x128xf32, #tpu.memory_space<vmem>>
        tpu.wait_dma2 semaphore(%arg12 : memref<!tpu.dma_semaphore, #tpu.memory_space<semaphore_mem>>) src(%dma_wait3A_82 : memref<48x128xf32, #tpu.memory_space<vmem>>) dst(%dma_wait3A_78 : memref<48x128xf32, #tpu.memory_space<hbm>>)
      } else {
      }
      %scan3A_47 = arith.constant 0 : i32
      %scan3A_48 = arith.constant 8 : i32
      %scan3A_49 = arith.addi %scan3A_47, %scan3A_48 : i32
      %scan3A_50 = arith.constant 1 : i32
      scf.for %scan3A_70 = %scan3A_47 to %scan3A_49 step %scan3A_50  : i32 {
        %mul3A_71 = arith.constant 1 : i32
        %mul3A_72 = arith.muli %scan3A_70, %mul3A_71 : i32
        %add3A_73 = arith.constant 0 : i32
        %add3A_74 = arith.addi %add3A_73, %mul3A_72 : i32
        %mul3A_75 = arith.constant 8 : i32
        %mul3A_76 = arith.muli %add3A_41, %mul3A_75 : i32
        %add3A_77 = arith.constant 0 : i32
        %add3A_78 = arith.addi %add3A_77, %mul3A_76 : i32
        %add3A_79 = arith.addi %add3A_78, %add3A_74 : i32
        %get3A = arith.index_cast %add3A_79 : i32 to index
        %get3A_80 = arith.constant 0 : index
        %get3A_81 = tpu.vector_load %arg7[%get3A, %get3A_80] {strides = array<i32>} : memref<32x16xi32, #tpu.memory_space<vmem>>, vector<16xi32>,
        %add3A_82 = arith.addi %get3A_81, %iota3A : vector<16xi32>
        %shift_right_arithmetic3A = arith.constant 4 : i32
        %shift_right_arithmetic3A_83 = vector.broadcast %shift_right_arithmetic3A : i32 to vector<16xi32>
        %shift_right_arithmetic3A_84 = arith.shrsi %add3A_82, %shift_right_arithmetic3A_83 : vector<16xi32>
        %and3A_85 = arith.constant 15 : i32
        %and3A_86 = vector.broadcast %and3A_85 : i32 to vector<16xi32>
        %and3A_87 = arith.andi %add3A_82, %and3A_86 : vector<16xi32>
        %scan3A_88 = arith.constant 0 : i32
        %scan3A_89 = arith.constant 48 : i32
        %scan3A_90 = arith.addi %scan3A_88, %scan3A_89 : i32
        %scan3A_91 = arith.constant 8 : i32
        scf.for %scan3A_93 = %scan3A_88 to %scan3A_90 step %scan3A_91  : i32 {
          %mul3A_94 = arith.constant 1 : i32
          %mul3A_95 = arith.muli %scan3A_93, %mul3A_94 : i32
          %add3A_96 = arith.constant 0 : i32
          %add3A_97 = arith.addi %add3A_96, %mul3A_95 : i32
          %mul3A_98 = arith.constant 2 : i32
          %mul3A_99 = arith.muli %add3A_97, %mul3A_98 : i32
          %add3A_100 = vector.broadcast %mul3A_99 : i32 to vector<16xi32>
          %add3A_101 = arith.addi %shift_right_arithmetic3A_84, %add3A_100 : vector<16xi32>
          %gather3A = arith.constant 0 : i32
          %gather3A_102 = arith.constant 0 : i32
          %gather3A_103 = tpu.memref_slice %arg8[%add3A_79, %gather3A, %gather3A_102] : memref<32x96x16xf32, #tpu.memory_space<vmem>> -> memref<1x96x16xf32, #tpu.memory_space<vmem>>
          %gather3A_104 = tpu.memref_squeeze %gather3A_103 : memref<1x96x16xf32, #tpu.memory_space<vmem>> -> memref<96x16xf32, #tpu.memory_space<vmem>>
          %gather3A_105 = tpu.vector_load_idx %gather3A_104[%add3A_101, %and3A_87] : memref<96x16xf32, #tpu.memory_space<vmem>>[vector<16xi32>, vector<16xi32>], vector<16xf32>,
          %shift_right_arithmetic3A_106 = arith.constant 3 : i32
          %shift_right_arithmetic3A_107 = arith.shrsi %add3A_97, %shift_right_arithmetic3A_106 : i32
          %mul3A_108 = arith.constant 8 : i32
          %mul3A_109 = arith.muli %shift_right_arithmetic3A_107, %mul3A_108 : i32
          %add3A_110 = arith.addi %mul3A_109, %add3A_74 : i32
          %and3A_111 = arith.constant 7 : i32
          %and3A_112 = arith.andi %add3A_97, %and3A_111 : i32
          %mul3A_113 = arith.constant 16 : i32
          %mul3A_114 = arith.muli %and3A_112, %mul3A_113 : i32
          %swap3A = arith.index_cast %and3A_44 : i32 to index
          %swap3A_115 = arith.index_cast %add3A_110 : i32 to index
          %swap3A_116 = arith.index_cast %mul3A_114 : i32 to index
          %swap3A_117 = tpu.vector_load %arg9[%swap3A, %swap3A_115, %swap3A_116] {strides = array<i32>} : memref<2x48x128xf32, #tpu.memory_space<vmem>>, vector<16xf32>,
          tpu.vector_store %arg9[%swap3A, %swap3A_115, %swap3A_116], %gather3A_105 {strides = array<i32>} : memref<2x48x128xf32, #tpu.memory_space<vmem>>, vector<16xf32>,
          %scan3A_118 = arith.constant 1 : i32
          %scan3A_119 = arith.addi %scan3A_93, %scan3A_118 : i32
          %mul3A_120 = arith.constant 1 : i32
          %mul3A_121 = arith.muli %scan3A_119, %mul3A_120 : i32
          %add3A_122 = arith.constant 0 : i32
          %add3A_123 = arith.addi %add3A_122, %mul3A_121 : i32
          %mul3A_124 = arith.constant 2 : i32
          %mul3A_125 = arith.muli %add3A_123, %mul3A_124 : i32
          %add3A_126 = vector.broadcast %mul3A_125 : i32 to vector<16xi32>
          %add3A_127 = arith.addi %shift_right_arithmetic3A_84, %add3A_126 : vector<16xi32>
          %gather3A_128 = arith.constant 0 : i32
          %gather3A_129 = arith.constant 0 : i32
          %gather3A_130 = tpu.memref_slice %arg8[%add3A_79, %gather3A_128, %gather3A_129] : memref<32x96x16xf32, #tpu.memory_space<vmem>> -> memref<1x96x16xf32, #tpu.memory_space<vmem>>
          %gather3A_131 = tpu.memref_squeeze %gather3A_130 : memref<1x96x16xf32, #tpu.memory_space<vmem>> -> memref<96x16xf32, #tpu.memory_space<vmem>>
          %gather3A_132 = tpu.vector_load_idx %gather3A_131[%add3A_127, %and3A_87] : memref<96x16xf32, #tpu.memory_space<vmem>>[vector<16xi32>, vector<16xi32>], vector<16xf32>,
          %shift_right_arithmetic3A_133 = arith.constant 3 : i32
          %shift_right_arithmetic3A_134 = arith.shrsi %add3A_123, %shift_right_arithmetic3A_133 : i32
          %mul3A_135 = arith.constant 8 : i32
          %mul3A_136 = arith.muli %shift_right_arithmetic3A_134, %mul3A_135 : i32
          %add3A_137 = arith.addi %mul3A_136, %add3A_74 : i32
          %and3A_138 = arith.constant 7 : i32
          %and3A_139 = arith.andi %add3A_123, %and3A_138 : i32
          %mul3A_140 = arith.constant 16 : i32
          %mul3A_141 = arith.muli %and3A_139, %mul3A_140 : i32
          %swap3A_142 = arith.index_cast %and3A_44 : i32 to index
          %swap3A_143 = arith.index_cast %add3A_137 : i32 to index
          %swap3A_144 = arith.index_cast %mul3A_141 : i32 to index
          %swap3A_145 = tpu.vector_load %arg9[%swap3A_142, %swap3A_143, %swap3A_144] {strides = array<i32>} : memref<2x48x128xf32, #tpu.memory_space<vmem>>, vector<16xf32>,
          tpu.vector_store %arg9[%swap3A_142, %swap3A_143, %swap3A_144], %gather3A_132 {strides = array<i32>} : memref<2x48x128xf32, #tpu.memory_space<vmem>>, vector<16xf32>,
          %scan3A_146 = arith.constant 2 : i32
          %scan3A_147 = arith.addi %scan3A_93, %scan3A_146 : i32
          %mul3A_148 = arith.constant 1 : i32
          %mul3A_149 = arith.muli %scan3A_147, %mul3A_148 : i32
          %add3A_150 = arith.constant 0 : i32
          %add3A_151 = arith.addi %add3A_150, %mul3A_149 : i32
          %mul3A_152 = arith.constant 2 : i32
          %mul3A_153 = arith.muli %add3A_151, %mul3A_152 : i32
          %add3A_154 = vector.broadcast %mul3A_153 : i32 to vector<16xi32>
          %add3A_155 = arith.addi %shift_right_arithmetic3A_84, %add3A_154 : vector<16xi32>
          %gather3A_156 = arith.constant 0 : i32
          %gather3A_157 = arith.constant 0 : i32
          %gather3A_158 = tpu.memref_slice %arg8[%add3A_79, %gather3A_156, %gather3A_157] : memref<32x96x16xf32, #tpu.memory_space<vmem>> -> memref<1x96x16xf32, #tpu.memory_space<vmem>>
          %gather3A_159 = tpu.memref_squeeze %gather3A_158 : memref<1x96x16xf32, #tpu.memory_space<vmem>> -> memref<96x16xf32, #tpu.memory_space<vmem>>
          %gather3A_160 = tpu.vector_load_idx %gather3A_159[%add3A_155, %and3A_87] : memref<96x16xf32, #tpu.memory_space<vmem>>[vector<16xi32>, vector<16xi32>], vector<16xf32>,
          %shift_right_arithmetic3A_161 = arith.constant 3 : i32
          %shift_right_arithmetic3A_162 = arith.shrsi %add3A_151, %shift_right_arithmetic3A_161 : i32
          %mul3A_163 = arith.constant 8 : i32
          %mul3A_164 = arith.muli %shift_right_arithmetic3A_162, %mul3A_163 : i32
          %add3A_165 = arith.addi %mul3A_164, %add3A_74 : i32
          %and3A_166 = arith.constant 7 : i32
          %and3A_167 = arith.andi %add3A_151, %and3A_166 : i32
          %mul3A_168 = arith.constant 16 : i32
          %mul3A_169 = arith.muli %and3A_167, %mul3A_168 : i32
          %swap3A_170 = arith.index_cast %and3A_44 : i32 to index
          %swap3A_171 = arith.index_cast %add3A_165 : i32 to index
          %swap3A_172 = arith.index_cast %mul3A_169 : i32 to index
          %swap3A_173 = tpu.vector_load %arg9[%swap3A_170, %swap3A_171, %swap3A_172] {strides = array<i32>} : memref<2x48x128xf32, #tpu.memory_space<vmem>>, vector<16xf32>,
          tpu.vector_store %arg9[%swap3A_170, %swap3A_171, %swap3A_172], %gather3A_160 {strides = array<i32>} : memref<2x48x128xf32, #tpu.memory_space<vmem>>, vector<16xf32>,
          %scan3A_174 = arith.constant 3 : i32
          %scan3A_175 = arith.addi %scan3A_93, %scan3A_174 : i32
          %mul3A_176 = arith.constant 1 : i32
          %mul3A_177 = arith.muli %scan3A_175, %mul3A_176 : i32
          %add3A_178 = arith.constant 0 : i32
          %add3A_179 = arith.addi %add3A_178, %mul3A_177 : i32
          %mul3A_180 = arith.constant 2 : i32
          %mul3A_181 = arith.muli %add3A_179, %mul3A_180 : i32
          %add3A_182 = vector.broadcast %mul3A_181 : i32 to vector<16xi32>
          %add3A_183 = arith.addi %shift_right_arithmetic3A_84, %add3A_182 : vector<16xi32>
          %gather3A_184 = arith.constant 0 : i32
          %gather3A_185 = arith.constant 0 : i32
          %gather3A_186 = tpu.memref_slice %arg8[%add3A_79, %gather3A_184, %gather3A_185] : memref<32x96x16xf32, #tpu.memory_space<vmem>> -> memref<1x96x16xf32, #tpu.memory_space<vmem>>
          %gather3A_187 = tpu.memref_squeeze %gather3A_186 : memref<1x96x16xf32, #tpu.memory_space<vmem>> -> memref<96x16xf32, #tpu.memory_space<vmem>>
          %gather3A_188 = tpu.vector_load_idx %gather3A_187[%add3A_183, %and3A_87] : memref<96x16xf32, #tpu.memory_space<vmem>>[vector<16xi32>, vector<16xi32>], vector<16xf32>,
          %shift_right_arithmetic3A_189 = arith.constant 3 : i32
          %shift_right_arithmetic3A_190 = arith.shrsi %add3A_179, %shift_right_arithmetic3A_189 : i32
          %mul3A_191 = arith.constant 8 : i32
          %mul3A_192 = arith.muli %shift_right_arithmetic3A_190, %mul3A_191 : i32
          %add3A_193 = arith.addi %mul3A_192, %add3A_74 : i32
          %and3A_194 = arith.constant 7 : i32
          %and3A_195 = arith.andi %add3A_179, %and3A_194 : i32
          %mul3A_196 = arith.constant 16 : i32
          %mul3A_197 = arith.muli %and3A_195, %mul3A_196 : i32
          %swap3A_198 = arith.index_cast %and3A_44 : i32 to index
          %swap3A_199 = arith.index_cast %add3A_193 : i32 to index
          %swap3A_200 = arith.index_cast %mul3A_197 : i32 to index
          %swap3A_201 = tpu.vector_load %arg9[%swap3A_198, %swap3A_199, %swap3A_200] {strides = array<i32>} : memref<2x48x128xf32, #tpu.memory_space<vmem>>, vector<16xf32>,
          tpu.vector_store %arg9[%swap3A_198, %swap3A_199, %swap3A_200], %gather3A_188 {strides = array<i32>} : memref<2x48x128xf32, #tpu.memory_space<vmem>>, vector<16xf32>,
          %scan3A_202 = arith.constant 4 : i32
          %scan3A_203 = arith.addi %scan3A_93, %scan3A_202 : i32
          %mul3A_204 = arith.constant 1 : i32
          %mul3A_205 = arith.muli %scan3A_203, %mul3A_204 : i32
          %add3A_206 = arith.constant 0 : i32
          %add3A_207 = arith.addi %add3A_206, %mul3A_205 : i32
          %mul3A_208 = arith.constant 2 : i32
          %mul3A_209 = arith.muli %add3A_207, %mul3A_208 : i32
          %add3A_210 = vector.broadcast %mul3A_209 : i32 to vector<16xi32>
          %add3A_211 = arith.addi %shift_right_arithmetic3A_84, %add3A_210 : vector<16xi32>
          %gather3A_212 = arith.constant 0 : i32
          %gather3A_213 = arith.constant 0 : i32
          %gather3A_214 = tpu.memref_slice %arg8[%add3A_79, %gather3A_212, %gather3A_213] : memref<32x96x16xf32, #tpu.memory_space<vmem>> -> memref<1x96x16xf32, #tpu.memory_space<vmem>>
          %gather3A_215 = tpu.memref_squeeze %gather3A_214 : memref<1x96x16xf32, #tpu.memory_space<vmem>> -> memref<96x16xf32, #tpu.memory_space<vmem>>
          %gather3A_216 = tpu.vector_load_idx %gather3A_215[%add3A_211, %and3A_87] : memref<96x16xf32, #tpu.memory_space<vmem>>[vector<16xi32>, vector<16xi32>], vector<16xf32>,
          %shift_right_arithmetic3A_217 = arith.constant 3 : i32
          %shift_right_arithmetic3A_218 = arith.shrsi %add3A_207, %shift_right_arithmetic3A_217 : i32
          %mul3A_219 = arith.constant 8 : i32
          %mul3A_220 = arith.muli %shift_right_arithmetic3A_218, %mul3A_219 : i32
          %add3A_221 = arith.addi %mul3A_220, %add3A_74 : i32
          %and3A_222 = arith.constant 7 : i32
          %and3A_223 = arith.andi %add3A_207, %and3A_222 : i32
          %mul3A_224 = arith.constant 16 : i32
          %mul3A_225 = arith.muli %and3A_223, %mul3A_224 : i32
          %swap3A_226 = arith.index_cast %and3A_44 : i32 to index
          %swap3A_227 = arith.index_cast %add3A_221 : i32 to index
          %swap3A_228 = arith.index_cast %mul3A_225 : i32 to index
          %swap3A_229 = tpu.vector_load %arg9[%swap3A_226, %swap3A_227, %swap3A_228] {strides = array<i32>} : memref<2x48x128xf32, #tpu.memory_space<vmem>>, vector<16xf32>,
          tpu.vector_store %arg9[%swap3A_226, %swap3A_227, %swap3A_228], %gather3A_216 {strides = array<i32>} : memref<2x48x128xf32, #tpu.memory_space<vmem>>, vector<16xf32>,
          %scan3A_230 = arith.constant 5 : i32
          %scan3A_231 = arith.addi %scan3A_93, %scan3A_230 : i32
          %mul3A_232 = arith.constant 1 : i32
          %mul3A_233 = arith.muli %scan3A_231, %mul3A_232 : i32
          %add3A_234 = arith.constant 0 : i32
          %add3A_235 = arith.addi %add3A_234, %mul3A_233 : i32
          %mul3A_236 = arith.constant 2 : i32
          %mul3A_237 = arith.muli %add3A_235, %mul3A_236 : i32
          %add3A_238 = vector.broadcast %mul3A_237 : i32 to vector<16xi32>
          %add3A_239 = arith.addi %shift_right_arithmetic3A_84, %add3A_238 : vector<16xi32>
          %gather3A_240 = arith.constant 0 : i32
          %gather3A_241 = arith.constant 0 : i32
          %gather3A_242 = tpu.memref_slice %arg8[%add3A_79, %gather3A_240, %gather3A_241] : memref<32x96x16xf32, #tpu.memory_space<vmem>> -> memref<1x96x16xf32, #tpu.memory_space<vmem>>
          %gather3A_243 = tpu.memref_squeeze %gather3A_242 : memref<1x96x16xf32, #tpu.memory_space<vmem>> -> memref<96x16xf32, #tpu.memory_space<vmem>>
          %gather3A_244 = tpu.vector_load_idx %gather3A_243[%add3A_239, %and3A_87] : memref<96x16xf32, #tpu.memory_space<vmem>>[vector<16xi32>, vector<16xi32>], vector<16xf32>,
          %shift_right_arithmetic3A_245 = arith.constant 3 : i32
          %shift_right_arithmetic3A_246 = arith.shrsi %add3A_235, %shift_right_arithmetic3A_245 : i32
          %mul3A_247 = arith.constant 8 : i32
          %mul3A_248 = arith.muli %shift_right_arithmetic3A_246, %mul3A_247 : i32
          %add3A_249 = arith.addi %mul3A_248, %add3A_74 : i32
          %and3A_250 = arith.constant 7 : i32
          %and3A_251 = arith.andi %add3A_235, %and3A_250 : i32
          %mul3A_252 = arith.constant 16 : i32
          %mul3A_253 = arith.muli %and3A_251, %mul3A_252 : i32
          %swap3A_254 = arith.index_cast %and3A_44 : i32 to index
          %swap3A_255 = arith.index_cast %add3A_249 : i32 to index
          %swap3A_256 = arith.index_cast %mul3A_253 : i32 to index
          %swap3A_257 = tpu.vector_load %arg9[%swap3A_254, %swap3A_255, %swap3A_256] {strides = array<i32>} : memref<2x48x128xf32, #tpu.memory_space<vmem>>, vector<16xf32>,
          tpu.vector_store %arg9[%swap3A_254, %swap3A_255, %swap3A_256], %gather3A_244 {strides = array<i32>} : memref<2x48x128xf32, #tpu.memory_space<vmem>>, vector<16xf32>,
          %scan3A_258 = arith.constant 6 : i32
          %scan3A_259 = arith.addi %scan3A_93, %scan3A_258 : i32
          %mul3A_260 = arith.constant 1 : i32
          %mul3A_261 = arith.muli %scan3A_259, %mul3A_260 : i32
          %add3A_262 = arith.constant 0 : i32
          %add3A_263 = arith.addi %add3A_262, %mul3A_261 : i32
          %mul3A_264 = arith.constant 2 : i32
          %mul3A_265 = arith.muli %add3A_263, %mul3A_264 : i32
          %add3A_266 = vector.broadcast %mul3A_265 : i32 to vector<16xi32>
          %add3A_267 = arith.addi %shift_right_arithmetic3A_84, %add3A_266 : vector<16xi32>
          %gather3A_268 = arith.constant 0 : i32
          %gather3A_269 = arith.constant 0 : i32
          %gather3A_270 = tpu.memref_slice %arg8[%add3A_79, %gather3A_268, %gather3A_269] : memref<32x96x16xf32, #tpu.memory_space<vmem>> -> memref<1x96x16xf32, #tpu.memory_space<vmem>>
          %gather3A_271 = tpu.memref_squeeze %gather3A_270 : memref<1x96x16xf32, #tpu.memory_space<vmem>> -> memref<96x16xf32, #tpu.memory_space<vmem>>
          %gather3A_272 = tpu.vector_load_idx %gather3A_271[%add3A_267, %and3A_87] : memref<96x16xf32, #tpu.memory_space<vmem>>[vector<16xi32>, vector<16xi32>], vector<16xf32>,
          %shift_right_arithmetic3A_273 = arith.constant 3 : i32
          %shift_right_arithmetic3A_274 = arith.shrsi %add3A_263, %shift_right_arithmetic3A_273 : i32
          %mul3A_275 = arith.constant 8 : i32
          %mul3A_276 = arith.muli %shift_right_arithmetic3A_274, %mul3A_275 : i32
          %add3A_277 = arith.addi %mul3A_276, %add3A_74 : i32
          %and3A_278 = arith.constant 7 : i32
          %and3A_279 = arith.andi %add3A_263, %and3A_278 : i32
          %mul3A_280 = arith.constant 16 : i32
          %mul3A_281 = arith.muli %and3A_279, %mul3A_280 : i32
          %swap3A_282 = arith.index_cast %and3A_44 : i32 to index
          %swap3A_283 = arith.index_cast %add3A_277 : i32 to index
          %swap3A_284 = arith.index_cast %mul3A_281 : i32 to index
          %swap3A_285 = tpu.vector_load %arg9[%swap3A_282, %swap3A_283, %swap3A_284] {strides = array<i32>} : memref<2x48x128xf32, #tpu.memory_space<vmem>>, vector<16xf32>,
          tpu.vector_store %arg9[%swap3A_282, %swap3A_283, %swap3A_284], %gather3A_272 {strides = array<i32>} : memref<2x48x128xf32, #tpu.memory_space<vmem>>, vector<16xf32>,
          %scan3A_286 = arith.constant 7 : i32
          %scan3A_287 = arith.addi %scan3A_93, %scan3A_286 : i32
          %mul3A_288 = arith.constant 1 : i32
          %mul3A_289 = arith.muli %scan3A_287, %mul3A_288 : i32
          %add3A_290 = arith.constant 0 : i32
          %add3A_291 = arith.addi %add3A_290, %mul3A_289 : i32
          %mul3A_292 = arith.constant 2 : i32
          %mul3A_293 = arith.muli %add3A_291, %mul3A_292 : i32
          %add3A_294 = vector.broadcast %mul3A_293 : i32 to vector<16xi32>
          %add3A_295 = arith.addi %shift_right_arithmetic3A_84, %add3A_294 : vector<16xi32>
          %gather3A_296 = arith.constant 0 : i32
          %gather3A_297 = arith.constant 0 : i32
          %gather3A_298 = tpu.memref_slice %arg8[%add3A_79, %gather3A_296, %gather3A_297] : memref<32x96x16xf32, #tpu.memory_space<vmem>> -> memref<1x96x16xf32, #tpu.memory_space<vmem>>
          %gather3A_299 = tpu.memref_squeeze %gather3A_298 : memref<1x96x16xf32, #tpu.memory_space<vmem>> -> memref<96x16xf32, #tpu.memory_space<vmem>>
          %gather3A_300 = tpu.vector_load_idx %gather3A_299[%add3A_295, %and3A_87] : memref<96x16xf32, #tpu.memory_space<vmem>>[vector<16xi32>, vector<16xi32>], vector<16xf32>,
          %shift_right_arithmetic3A_301 = arith.constant 3 : i32
          %shift_right_arithmetic3A_302 = arith.shrsi %add3A_291, %shift_right_arithmetic3A_301 : i32
          %mul3A_303 = arith.constant 8 : i32
          %mul3A_304 = arith.muli %shift_right_arithmetic3A_302, %mul3A_303 : i32
          %add3A_305 = arith.addi %mul3A_304, %add3A_74 : i32
          %and3A_306 = arith.constant 7 : i32
          %and3A_307 = arith.andi %add3A_291, %and3A_306 : i32
          %mul3A_308 = arith.constant 16 : i32
          %mul3A_309 = arith.muli %and3A_307, %mul3A_308 : i32
          %swap3A_310 = arith.index_cast %and3A_44 : i32 to index
          %swap3A_311 = arith.index_cast %add3A_305 : i32 to index
          %swap3A_312 = arith.index_cast %mul3A_309 : i32 to index
          %swap3A_313 = tpu.vector_load %arg9[%swap3A_310, %swap3A_311, %swap3A_312] {strides = array<i32>} : memref<2x48x128xf32, #tpu.memory_space<vmem>>, vector<16xf32>,
          tpu.vector_store %arg9[%swap3A_310, %swap3A_311, %swap3A_312], %gather3A_300 {strides = array<i32>} : memref<2x48x128xf32, #tpu.memory_space<vmem>>, vector<16xf32>,
        }
        %scan3A_92 = arith.constant 48 : i32
      }
      %scan3A_51 = arith.constant 8 : i32
      %add3A_52 = arith.constant 0 : i32
      %add3A_53 = arith.addi %mul3A_2, %add3A_52 : i32
      %mul3A_54 = arith.constant 8 : i32
      %mul3A_55 = arith.muli %add3A_41, %mul3A_54 : i32
      %add3A_56 = arith.addi %add3A_53, %mul3A_55 : i32
      %mul3A_57 = arith.constant 6 : i32
      %mul3A_58 = arith.muli %add3A_56, %mul3A_57 : i32
      %dma_start3A = arith.constant 0 : i32
      %dma_start3A_59 = arith.constant 0 : i32
      %dma_start3A_60 = tpu.memref_slice %arg9[%and3A_44, %dma_start3A, %dma_start3A_59] : memref<2x48x128xf32, #tpu.memory_space<vmem>> -> memref<1x48x128xf32, #tpu.memory_space<vmem>>
      %dma_start3A_61 = tpu.memref_squeeze %dma_start3A_60 : memref<1x48x128xf32, #tpu.memory_space<vmem>> -> memref<48x128xf32, #tpu.memory_space<vmem>>
      %dma_start3A_62 = arith.constant 0 : i32
      %dma_start3A_63 = tpu.memref_slice %arg5[%mul3A_58, %dma_start3A_62] : memref<6144x128xf32, #tpu.memory_space<hbm>> -> memref<48x128xf32, #tpu.memory_space<hbm>>
      %dma_start3A_64 = arith.constant 0 : i32
      %dma_start3A_65 = tpu.memref_slice %arg5[%mul3A_58, %dma_start3A_64] : memref<6144x128xf32, #tpu.memory_space<hbm>> -> memref<48x128xf32, #tpu.memory_space<hbm>>
      %dma_start3A_66 = arith.constant 0 : i32
      %dma_start3A_67 = arith.constant 0 : i32
      %dma_start3A_68 = tpu.memref_slice %arg9[%and3A_44, %dma_start3A_66, %dma_start3A_67] : memref<2x48x128xf32, #tpu.memory_space<vmem>> -> memref<1x48x128xf32, #tpu.memory_space<vmem>>
      %dma_start3A_69 = tpu.memref_squeeze %dma_start3A_68 : memref<1x48x128xf32, #tpu.memory_space<vmem>> -> memref<48x128xf32, #tpu.memory_space<vmem>>
      tpu.enqueue_dma source(%dma_start3A_69 : memref<48x128xf32, #tpu.memory_space<vmem>>) target(%dma_start3A_65 : memref<48x128xf32, #tpu.memory_space<hbm>>) target_semaphore(%arg12 : memref<!tpu.dma_semaphore, #tpu.memory_space<semaphore_mem>>)
    }
    %scan3A_21 = arith.constant 2 : i32
    %scan3A_22 = arith.constant 0 : i32
    %scan3A_23 = arith.constant 16 : i32
    %scan3A_24 = arith.addi %scan3A_22, %scan3A_23 : i32
    %scan3A_25 = arith.constant 1 : i32
    scf.for %scan3A_37 = %scan3A_22 to %scan3A_24 step %scan3A_25  : i32 {
      %mul3A_38 = arith.constant 1 : i32
      %mul3A_39 = arith.muli %scan3A_37, %mul3A_38 : i32
      %add3A_40 = arith.constant 0 : i32
      %add3A_41 = arith.addi %add3A_40, %mul3A_39 : i32
      %dma_wait3A = arith.constant 0 : i32
      %dma_wait3A_42 = arith.constant 0 : i32
      %dma_wait3A_43 = tpu.memref_slice %arg8[%add3A_41, %dma_wait3A, %dma_wait3A_42] : memref<32x96x16xf32, #tpu.memory_space<vmem>> -> memref<1x96x16xf32, #tpu.memory_space<vmem>>
      %dma_wait3A_44 = tpu.memref_squeeze %dma_wait3A_43 : memref<1x96x16xf32, #tpu.memory_space<vmem>> -> memref<96x16xf32, #tpu.memory_space<vmem>>
      %dma_wait3A_45 = arith.constant 0 : i32
      %dma_wait3A_46 = tpu.memref_slice %arg6[%add3A_41, %dma_wait3A_45] : memref<32x96xi32, #tpu.memory_space<vmem>> -> memref<1x96xi32, #tpu.memory_space<vmem>>
      %dma_wait3A_47 = tpu.memref_squeeze %dma_wait3A_46 : memref<1x96xi32, #tpu.memory_space<vmem>> -> memref<96xi32, #tpu.memory_space<vmem>>
      %dma_wait3A_48 = arith.constant 0 : i32
      %dma_wait3A_49 = arith.constant 0 : i32
      %dma_wait3A_50 = tpu.memref_slice %arg2[%dma_wait3A_48, %dma_wait3A_49] : memref<393216x16xf32, #tpu.memory_space<hbm>> -> memref<393216x16xf32, #tpu.memory_space<hbm>>
      tpu.wait_indirect_dma semaphore(%arg11 : memref<!tpu.dma_semaphore, #tpu.memory_space<semaphore_mem>>) src(%dma_wait3A_50 : memref<393216x16xf32, #tpu.memory_space<hbm>>) dst(%dma_wait3A_44 : memref<96x16xf32, #tpu.memory_space<vmem>>)
    }
    %scan3A_26 = arith.constant 16 : i32
    %scan3A_27 = arith.constant 0 : i32
    %scan3A_28 = arith.constant 2 : i32
    %scan3A_29 = arith.addi %scan3A_27, %scan3A_28 : i32
    %scan3A_30 = arith.constant 1 : i32
    scf.for %scan3A_37 = %scan3A_27 to %scan3A_29 step %scan3A_30  : i32 {
      %mul3A_38 = arith.constant 1 : i32
      %mul3A_39 = arith.muli %scan3A_37, %mul3A_38 : i32
      %add3A_40 = arith.constant 0 : i32
      %add3A_41 = arith.addi %add3A_40, %mul3A_39 : i32
      %add3A_42 = arith.constant 2 : i32
      %add3A_43 = arith.addi %add3A_42, %add3A_41 : i32
      %and3A = arith.constant 1 : i32
      %and3A_44 = arith.andi %add3A_43, %and3A : i32
      %ge3A = arith.constant 2 : i32
      %ge3A_45 = arith.cmpi sge, %add3A_43, %ge3A : i32
      %convert_element_type3A = arith.extui %ge3A_45 : i1 to i32
      %cond3A = arith.constant 0 : i32
      %cond3A_46 = arith.cmpi ne, %convert_element_type3A, %cond3A : i32
      scf.if %cond3A_46 {
        %dma_wait3A = arith.constant 0 : i32
        %dma_wait3A_70 = arith.constant 0 : i32
        %dma_wait3A_71 = tpu.memref_slice %arg9[%and3A_44, %dma_wait3A, %dma_wait3A_70] : memref<2x48x128xf32, #tpu.memory_space<vmem>> -> memref<1x48x128xf32, #tpu.memory_space<vmem>>
        %dma_wait3A_72 = tpu.memref_squeeze %dma_wait3A_71 : memref<1x48x128xf32, #tpu.memory_space<vmem>> -> memref<48x128xf32, #tpu.memory_space<vmem>>
        %dma_wait3A_73 = arith.constant 0 : i32
        %dma_wait3A_74 = arith.constant 0 : i32
        %dma_wait3A_75 = tpu.memref_slice %arg5[%dma_wait3A_73, %dma_wait3A_74] : memref<6144x128xf32, #tpu.memory_space<hbm>> -> memref<48x128xf32, #tpu.memory_space<hbm>>
        %dma_wait3A_76 = arith.constant 0 : i32
        %dma_wait3A_77 = arith.constant 0 : i32
        %dma_wait3A_78 = tpu.memref_slice %arg5[%dma_wait3A_76, %dma_wait3A_77] : memref<6144x128xf32, #tpu.memory_space<hbm>> -> memref<48x128xf32, #tpu.memory_space<hbm>>
        %dma_wait3A_79 = arith.constant 0 : i32
        %dma_wait3A_80 = arith.constant 0 : i32
        %dma_wait3A_81 = tpu.memref_slice %arg9[%and3A_44, %dma_wait3A_79, %dma_wait3A_80] : memref<2x48x128xf32, #tpu.memory_space<vmem>> -> memref<1x48x128xf32, #tpu.memory_space<vmem>>
        %dma_wait3A_82 = tpu.memref_squeeze %dma_wait3A_81 : memref<1x48x128xf32, #tpu.memory_space<vmem>> -> memref<48x128xf32, #tpu.memory_space<vmem>>
        tpu.wait_dma2 semaphore(%arg12 : memref<!tpu.dma_semaphore, #tpu.memory_space<semaphore_mem>>) src(%dma_wait3A_82 : memref<48x128xf32, #tpu.memory_space<vmem>>) dst(%dma_wait3A_78 : memref<48x128xf32, #tpu.memory_space<hbm>>)
      } else {
      }
      %scan3A_47 = arith.constant 0 : i32
      %scan3A_48 = arith.constant 8 : i32
      %scan3A_49 = arith.addi %scan3A_47, %scan3A_48 : i32
      %scan3A_50 = arith.constant 1 : i32
      scf.for %scan3A_70 = %scan3A_47 to %scan3A_49 step %scan3A_50  : i32 {
        %mul3A_71 = arith.constant 1 : i32
        %mul3A_72 = arith.muli %scan3A_70, %mul3A_71 : i32
        %add3A_73 = arith.constant 0 : i32
        %add3A_74 = arith.addi %add3A_73, %mul3A_72 : i32
        %mul3A_75 = arith.constant 8 : i32
        %mul3A_76 = arith.muli %add3A_41, %mul3A_75 : i32
        %add3A_77 = arith.constant 16 : i32
        %add3A_78 = arith.addi %add3A_77, %mul3A_76 : i32
        %add3A_79 = arith.addi %add3A_78, %add3A_74 : i32
        %get3A = arith.index_cast %add3A_79 : i32 to index
        %get3A_80 = arith.constant 0 : index
        %get3A_81 = tpu.vector_load %arg7[%get3A, %get3A_80] {strides = array<i32>} : memref<32x16xi32, #tpu.memory_space<vmem>>, vector<16xi32>,
        %add3A_82 = arith.addi %get3A_81, %iota3A : vector<16xi32>
        %shift_right_arithmetic3A = arith.constant 4 : i32
        %shift_right_arithmetic3A_83 = vector.broadcast %shift_right_arithmetic3A : i32 to vector<16xi32>
        %shift_right_arithmetic3A_84 = arith.shrsi %add3A_82, %shift_right_arithmetic3A_83 : vector<16xi32>
        %and3A_85 = arith.constant 15 : i32
        %and3A_86 = vector.broadcast %and3A_85 : i32 to vector<16xi32>
        %and3A_87 = arith.andi %add3A_82, %and3A_86 : vector<16xi32>
        %scan3A_88 = arith.constant 0 : i32
        %scan3A_89 = arith.constant 48 : i32
        %scan3A_90 = arith.addi %scan3A_88, %scan3A_89 : i32
        %scan3A_91 = arith.constant 8 : i32
        scf.for %scan3A_93 = %scan3A_88 to %scan3A_90 step %scan3A_91  : i32 {
          %mul3A_94 = arith.constant 1 : i32
          %mul3A_95 = arith.muli %scan3A_93, %mul3A_94 : i32
          %add3A_96 = arith.constant 0 : i32
          %add3A_97 = arith.addi %add3A_96, %mul3A_95 : i32
          %mul3A_98 = arith.constant 2 : i32
          %mul3A_99 = arith.muli %add3A_97, %mul3A_98 : i32
          %add3A_100 = vector.broadcast %mul3A_99 : i32 to vector<16xi32>
          %add3A_101 = arith.addi %shift_right_arithmetic3A_84, %add3A_100 : vector<16xi32>
          %gather3A = arith.constant 0 : i32
          %gather3A_102 = arith.constant 0 : i32
          %gather3A_103 = tpu.memref_slice %arg8[%add3A_79, %gather3A, %gather3A_102] : memref<32x96x16xf32, #tpu.memory_space<vmem>> -> memref<1x96x16xf32, #tpu.memory_space<vmem>>
          %gather3A_104 = tpu.memref_squeeze %gather3A_103 : memref<1x96x16xf32, #tpu.memory_space<vmem>> -> memref<96x16xf32, #tpu.memory_space<vmem>>
          %gather3A_105 = tpu.vector_load_idx %gather3A_104[%add3A_101, %and3A_87] : memref<96x16xf32, #tpu.memory_space<vmem>>[vector<16xi32>, vector<16xi32>], vector<16xf32>,
          %shift_right_arithmetic3A_106 = arith.constant 3 : i32
          %shift_right_arithmetic3A_107 = arith.shrsi %add3A_97, %shift_right_arithmetic3A_106 : i32
          %mul3A_108 = arith.constant 8 : i32
          %mul3A_109 = arith.muli %shift_right_arithmetic3A_107, %mul3A_108 : i32
          %add3A_110 = arith.addi %mul3A_109, %add3A_74 : i32
          %and3A_111 = arith.constant 7 : i32
          %and3A_112 = arith.andi %add3A_97, %and3A_111 : i32
          %mul3A_113 = arith.constant 16 : i32
          %mul3A_114 = arith.muli %and3A_112, %mul3A_113 : i32
          %swap3A = arith.index_cast %and3A_44 : i32 to index
          %swap3A_115 = arith.index_cast %add3A_110 : i32 to index
          %swap3A_116 = arith.index_cast %mul3A_114 : i32 to index
          %swap3A_117 = tpu.vector_load %arg9[%swap3A, %swap3A_115, %swap3A_116] {strides = array<i32>} : memref<2x48x128xf32, #tpu.memory_space<vmem>>, vector<16xf32>,
          tpu.vector_store %arg9[%swap3A, %swap3A_115, %swap3A_116], %gather3A_105 {strides = array<i32>} : memref<2x48x128xf32, #tpu.memory_space<vmem>>, vector<16xf32>,
          %scan3A_118 = arith.constant 1 : i32
          %scan3A_119 = arith.addi %scan3A_93, %scan3A_118 : i32
          %mul3A_120 = arith.constant 1 : i32
          %mul3A_121 = arith.muli %scan3A_119, %mul3A_120 : i32
          %add3A_122 = arith.constant 0 : i32
          %add3A_123 = arith.addi %add3A_122, %mul3A_121 : i32
          %mul3A_124 = arith.constant 2 : i32
          %mul3A_125 = arith.muli %add3A_123, %mul3A_124 : i32
          %add3A_126 = vector.broadcast %mul3A_125 : i32 to vector<16xi32>
          %add3A_127 = arith.addi %shift_right_arithmetic3A_84, %add3A_126 : vector<16xi32>
          %gather3A_128 = arith.constant 0 : i32
          %gather3A_129 = arith.constant 0 : i32
          %gather3A_130 = tpu.memref_slice %arg8[%add3A_79, %gather3A_128, %gather3A_129] : memref<32x96x16xf32, #tpu.memory_space<vmem>> -> memref<1x96x16xf32, #tpu.memory_space<vmem>>
          %gather3A_131 = tpu.memref_squeeze %gather3A_130 : memref<1x96x16xf32, #tpu.memory_space<vmem>> -> memref<96x16xf32, #tpu.memory_space<vmem>>
          %gather3A_132 = tpu.vector_load_idx %gather3A_131[%add3A_127, %and3A_87] : memref<96x16xf32, #tpu.memory_space<vmem>>[vector<16xi32>, vector<16xi32>], vector<16xf32>,
          %shift_right_arithmetic3A_133 = arith.constant 3 : i32
          %shift_right_arithmetic3A_134 = arith.shrsi %add3A_123, %shift_right_arithmetic3A_133 : i32
          %mul3A_135 = arith.constant 8 : i32
          %mul3A_136 = arith.muli %shift_right_arithmetic3A_134, %mul3A_135 : i32
          %add3A_137 = arith.addi %mul3A_136, %add3A_74 : i32
          %and3A_138 = arith.constant 7 : i32
          %and3A_139 = arith.andi %add3A_123, %and3A_138 : i32
          %mul3A_140 = arith.constant 16 : i32
          %mul3A_141 = arith.muli %and3A_139, %mul3A_140 : i32
          %swap3A_142 = arith.index_cast %and3A_44 : i32 to index
          %swap3A_143 = arith.index_cast %add3A_137 : i32 to index
          %swap3A_144 = arith.index_cast %mul3A_141 : i32 to index
          %swap3A_145 = tpu.vector_load %arg9[%swap3A_142, %swap3A_143, %swap3A_144] {strides = array<i32>} : memref<2x48x128xf32, #tpu.memory_space<vmem>>, vector<16xf32>,
          tpu.vector_store %arg9[%swap3A_142, %swap3A_143, %swap3A_144], %gather3A_132 {strides = array<i32>} : memref<2x48x128xf32, #tpu.memory_space<vmem>>, vector<16xf32>,
          %scan3A_146 = arith.constant 2 : i32
          %scan3A_147 = arith.addi %scan3A_93, %scan3A_146 : i32
          %mul3A_148 = arith.constant 1 : i32
          %mul3A_149 = arith.muli %scan3A_147, %mul3A_148 : i32
          %add3A_150 = arith.constant 0 : i32
          %add3A_151 = arith.addi %add3A_150, %mul3A_149 : i32
          %mul3A_152 = arith.constant 2 : i32
          %mul3A_153 = arith.muli %add3A_151, %mul3A_152 : i32
          %add3A_154 = vector.broadcast %mul3A_153 : i32 to vector<16xi32>
          %add3A_155 = arith.addi %shift_right_arithmetic3A_84, %add3A_154 : vector<16xi32>
          %gather3A_156 = arith.constant 0 : i32
          %gather3A_157 = arith.constant 0 : i32
          %gather3A_158 = tpu.memref_slice %arg8[%add3A_79, %gather3A_156, %gather3A_157] : memref<32x96x16xf32, #tpu.memory_space<vmem>> -> memref<1x96x16xf32, #tpu.memory_space<vmem>>
          %gather3A_159 = tpu.memref_squeeze %gather3A_158 : memref<1x96x16xf32, #tpu.memory_space<vmem>> -> memref<96x16xf32, #tpu.memory_space<vmem>>
          %gather3A_160 = tpu.vector_load_idx %gather3A_159[%add3A_155, %and3A_87] : memref<96x16xf32, #tpu.memory_space<vmem>>[vector<16xi32>, vector<16xi32>], vector<16xf32>,
          %shift_right_arithmetic3A_161 = arith.constant 3 : i32
          %shift_right_arithmetic3A_162 = arith.shrsi %add3A_151, %shift_right_arithmetic3A_161 : i32
          %mul3A_163 = arith.constant 8 : i32
          %mul3A_164 = arith.muli %shift_right_arithmetic3A_162, %mul3A_163 : i32
          %add3A_165 = arith.addi %mul3A_164, %add3A_74 : i32
          %and3A_166 = arith.constant 7 : i32
          %and3A_167 = arith.andi %add3A_151, %and3A_166 : i32
          %mul3A_168 = arith.constant 16 : i32
          %mul3A_169 = arith.muli %and3A_167, %mul3A_168 : i32
          %swap3A_170 = arith.index_cast %and3A_44 : i32 to index
          %swap3A_171 = arith.index_cast %add3A_165 : i32 to index
          %swap3A_172 = arith.index_cast %mul3A_169 : i32 to index
          %swap3A_173 = tpu.vector_load %arg9[%swap3A_170, %swap3A_171, %swap3A_172] {strides = array<i32>} : memref<2x48x128xf32, #tpu.memory_space<vmem>>, vector<16xf32>,
          tpu.vector_store %arg9[%swap3A_170, %swap3A_171, %swap3A_172], %gather3A_160 {strides = array<i32>} : memref<2x48x128xf32, #tpu.memory_space<vmem>>, vector<16xf32>,
          %scan3A_174 = arith.constant 3 : i32
          %scan3A_175 = arith.addi %scan3A_93, %scan3A_174 : i32
          %mul3A_176 = arith.constant 1 : i32
          %mul3A_177 = arith.muli %scan3A_175, %mul3A_176 : i32
          %add3A_178 = arith.constant 0 : i32
          %add3A_179 = arith.addi %add3A_178, %mul3A_177 : i32
          %mul3A_180 = arith.constant 2 : i32
          %mul3A_181 = arith.muli %add3A_179, %mul3A_180 : i32
          %add3A_182 = vector.broadcast %mul3A_181 : i32 to vector<16xi32>
          %add3A_183 = arith.addi %shift_right_arithmetic3A_84, %add3A_182 : vector<16xi32>
          %gather3A_184 = arith.constant 0 : i32
          %gather3A_185 = arith.constant 0 : i32
          %gather3A_186 = tpu.memref_slice %arg8[%add3A_79, %gather3A_184, %gather3A_185] : memref<32x96x16xf32, #tpu.memory_space<vmem>> -> memref<1x96x16xf32, #tpu.memory_space<vmem>>
          %gather3A_187 = tpu.memref_squeeze %gather3A_186 : memref<1x96x16xf32, #tpu.memory_space<vmem>> -> memref<96x16xf32, #tpu.memory_space<vmem>>
          %gather3A_188 = tpu.vector_load_idx %gather3A_187[%add3A_183, %and3A_87] : memref<96x16xf32, #tpu.memory_space<vmem>>[vector<16xi32>, vector<16xi32>], vector<16xf32>,
          %shift_right_arithmetic3A_189 = arith.constant 3 : i32
          %shift_right_arithmetic3A_190 = arith.shrsi %add3A_179, %shift_right_arithmetic3A_189 : i32
          %mul3A_191 = arith.constant 8 : i32
          %mul3A_192 = arith.muli %shift_right_arithmetic3A_190, %mul3A_191 : i32
          %add3A_193 = arith.addi %mul3A_192, %add3A_74 : i32
          %and3A_194 = arith.constant 7 : i32
          %and3A_195 = arith.andi %add3A_179, %and3A_194 : i32
          %mul3A_196 = arith.constant 16 : i32
          %mul3A_197 = arith.muli %and3A_195, %mul3A_196 : i32
          %swap3A_198 = arith.index_cast %and3A_44 : i32 to index
          %swap3A_199 = arith.index_cast %add3A_193 : i32 to index
          %swap3A_200 = arith.index_cast %mul3A_197 : i32 to index
          %swap3A_201 = tpu.vector_load %arg9[%swap3A_198, %swap3A_199, %swap3A_200] {strides = array<i32>} : memref<2x48x128xf32, #tpu.memory_space<vmem>>, vector<16xf32>,
          tpu.vector_store %arg9[%swap3A_198, %swap3A_199, %swap3A_200], %gather3A_188 {strides = array<i32>} : memref<2x48x128xf32, #tpu.memory_space<vmem>>, vector<16xf32>,
          %scan3A_202 = arith.constant 4 : i32
          %scan3A_203 = arith.addi %scan3A_93, %scan3A_202 : i32
          %mul3A_204 = arith.constant 1 : i32
          %mul3A_205 = arith.muli %scan3A_203, %mul3A_204 : i32
          %add3A_206 = arith.constant 0 : i32
          %add3A_207 = arith.addi %add3A_206, %mul3A_205 : i32
          %mul3A_208 = arith.constant 2 : i32
          %mul3A_209 = arith.muli %add3A_207, %mul3A_208 : i32
          %add3A_210 = vector.broadcast %mul3A_209 : i32 to vector<16xi32>
          %add3A_211 = arith.addi %shift_right_arithmetic3A_84, %add3A_210 : vector<16xi32>
          %gather3A_212 = arith.constant 0 : i32
          %gather3A_213 = arith.constant 0 : i32
          %gather3A_214 = tpu.memref_slice %arg8[%add3A_79, %gather3A_212, %gather3A_213] : memref<32x96x16xf32, #tpu.memory_space<vmem>> -> memref<1x96x16xf32, #tpu.memory_space<vmem>>
          %gather3A_215 = tpu.memref_squeeze %gather3A_214 : memref<1x96x16xf32, #tpu.memory_space<vmem>> -> memref<96x16xf32, #tpu.memory_space<vmem>>
          %gather3A_216 = tpu.vector_load_idx %gather3A_215[%add3A_211, %and3A_87] : memref<96x16xf32, #tpu.memory_space<vmem>>[vector<16xi32>, vector<16xi32>], vector<16xf32>,
          %shift_right_arithmetic3A_217 = arith.constant 3 : i32
          %shift_right_arithmetic3A_218 = arith.shrsi %add3A_207, %shift_right_arithmetic3A_217 : i32
          %mul3A_219 = arith.constant 8 : i32
          %mul3A_220 = arith.muli %shift_right_arithmetic3A_218, %mul3A_219 : i32
          %add3A_221 = arith.addi %mul3A_220, %add3A_74 : i32
          %and3A_222 = arith.constant 7 : i32
          %and3A_223 = arith.andi %add3A_207, %and3A_222 : i32
          %mul3A_224 = arith.constant 16 : i32
          %mul3A_225 = arith.muli %and3A_223, %mul3A_224 : i32
          %swap3A_226 = arith.index_cast %and3A_44 : i32 to index
          %swap3A_227 = arith.index_cast %add3A_221 : i32 to index
          %swap3A_228 = arith.index_cast %mul3A_225 : i32 to index
          %swap3A_229 = tpu.vector_load %arg9[%swap3A_226, %swap3A_227, %swap3A_228] {strides = array<i32>} : memref<2x48x128xf32, #tpu.memory_space<vmem>>, vector<16xf32>,
          tpu.vector_store %arg9[%swap3A_226, %swap3A_227, %swap3A_228], %gather3A_216 {strides = array<i32>} : memref<2x48x128xf32, #tpu.memory_space<vmem>>, vector<16xf32>,
          %scan3A_230 = arith.constant 5 : i32
          %scan3A_231 = arith.addi %scan3A_93, %scan3A_230 : i32
          %mul3A_232 = arith.constant 1 : i32
          %mul3A_233 = arith.muli %scan3A_231, %mul3A_232 : i32
          %add3A_234 = arith.constant 0 : i32
          %add3A_235 = arith.addi %add3A_234, %mul3A_233 : i32
          %mul3A_236 = arith.constant 2 : i32
          %mul3A_237 = arith.muli %add3A_235, %mul3A_236 : i32
          %add3A_238 = vector.broadcast %mul3A_237 : i32 to vector<16xi32>
          %add3A_239 = arith.addi %shift_right_arithmetic3A_84, %add3A_238 : vector<16xi32>
          %gather3A_240 = arith.constant 0 : i32
          %gather3A_241 = arith.constant 0 : i32
          %gather3A_242 = tpu.memref_slice %arg8[%add3A_79, %gather3A_240, %gather3A_241] : memref<32x96x16xf32, #tpu.memory_space<vmem>> -> memref<1x96x16xf32, #tpu.memory_space<vmem>>
          %gather3A_243 = tpu.memref_squeeze %gather3A_242 : memref<1x96x16xf32, #tpu.memory_space<vmem>> -> memref<96x16xf32, #tpu.memory_space<vmem>>
          %gather3A_244 = tpu.vector_load_idx %gather3A_243[%add3A_239, %and3A_87] : memref<96x16xf32, #tpu.memory_space<vmem>>[vector<16xi32>, vector<16xi32>], vector<16xf32>,
          %shift_right_arithmetic3A_245 = arith.constant 3 : i32
          %shift_right_arithmetic3A_246 = arith.shrsi %add3A_235, %shift_right_arithmetic3A_245 : i32
          %mul3A_247 = arith.constant 8 : i32
          %mul3A_248 = arith.muli %shift_right_arithmetic3A_246, %mul3A_247 : i32
          %add3A_249 = arith.addi %mul3A_248, %add3A_74 : i32
          %and3A_250 = arith.constant 7 : i32
          %and3A_251 = arith.andi %add3A_235, %and3A_250 : i32
          %mul3A_252 = arith.constant 16 : i32
          %mul3A_253 = arith.muli %and3A_251, %mul3A_252 : i32
          %swap3A_254 = arith.index_cast %and3A_44 : i32 to index
          %swap3A_255 = arith.index_cast %add3A_249 : i32 to index
          %swap3A_256 = arith.index_cast %mul3A_253 : i32 to index
          %swap3A_257 = tpu.vector_load %arg9[%swap3A_254, %swap3A_255, %swap3A_256] {strides = array<i32>} : memref<2x48x128xf32, #tpu.memory_space<vmem>>, vector<16xf32>,
          tpu.vector_store %arg9[%swap3A_254, %swap3A_255, %swap3A_256], %gather3A_244 {strides = array<i32>} : memref<2x48x128xf32, #tpu.memory_space<vmem>>, vector<16xf32>,
          %scan3A_258 = arith.constant 6 : i32
          %scan3A_259 = arith.addi %scan3A_93, %scan3A_258 : i32
          %mul3A_260 = arith.constant 1 : i32
          %mul3A_261 = arith.muli %scan3A_259, %mul3A_260 : i32
          %add3A_262 = arith.constant 0 : i32
          %add3A_263 = arith.addi %add3A_262, %mul3A_261 : i32
          %mul3A_264 = arith.constant 2 : i32
          %mul3A_265 = arith.muli %add3A_263, %mul3A_264 : i32
          %add3A_266 = vector.broadcast %mul3A_265 : i32 to vector<16xi32>
          %add3A_267 = arith.addi %shift_right_arithmetic3A_84, %add3A_266 : vector<16xi32>
          %gather3A_268 = arith.constant 0 : i32
          %gather3A_269 = arith.constant 0 : i32
          %gather3A_270 = tpu.memref_slice %arg8[%add3A_79, %gather3A_268, %gather3A_269] : memref<32x96x16xf32, #tpu.memory_space<vmem>> -> memref<1x96x16xf32, #tpu.memory_space<vmem>>
          %gather3A_271 = tpu.memref_squeeze %gather3A_270 : memref<1x96x16xf32, #tpu.memory_space<vmem>> -> memref<96x16xf32, #tpu.memory_space<vmem>>
          %gather3A_272 = tpu.vector_load_idx %gather3A_271[%add3A_267, %and3A_87] : memref<96x16xf32, #tpu.memory_space<vmem>>[vector<16xi32>, vector<16xi32>], vector<16xf32>,
          %shift_right_arithmetic3A_273 = arith.constant 3 : i32
          %shift_right_arithmetic3A_274 = arith.shrsi %add3A_263, %shift_right_arithmetic3A_273 : i32
          %mul3A_275 = arith.constant 8 : i32
          %mul3A_276 = arith.muli %shift_right_arithmetic3A_274, %mul3A_275 : i32
          %add3A_277 = arith.addi %mul3A_276, %add3A_74 : i32
          %and3A_278 = arith.constant 7 : i32
          %and3A_279 = arith.andi %add3A_263, %and3A_278 : i32
          %mul3A_280 = arith.constant 16 : i32
          %mul3A_281 = arith.muli %and3A_279, %mul3A_280 : i32
          %swap3A_282 = arith.index_cast %and3A_44 : i32 to index
          %swap3A_283 = arith.index_cast %add3A_277 : i32 to index
          %swap3A_284 = arith.index_cast %mul3A_281 : i32 to index
          %swap3A_285 = tpu.vector_load %arg9[%swap3A_282, %swap3A_283, %swap3A_284] {strides = array<i32>} : memref<2x48x128xf32, #tpu.memory_space<vmem>>, vector<16xf32>,
          tpu.vector_store %arg9[%swap3A_282, %swap3A_283, %swap3A_284], %gather3A_272 {strides = array<i32>} : memref<2x48x128xf32, #tpu.memory_space<vmem>>, vector<16xf32>,
          %scan3A_286 = arith.constant 7 : i32
          %scan3A_287 = arith.addi %scan3A_93, %scan3A_286 : i32
          %mul3A_288 = arith.constant 1 : i32
          %mul3A_289 = arith.muli %scan3A_287, %mul3A_288 : i32
          %add3A_290 = arith.constant 0 : i32
          %add3A_291 = arith.addi %add3A_290, %mul3A_289 : i32
          %mul3A_292 = arith.constant 2 : i32
          %mul3A_293 = arith.muli %add3A_291, %mul3A_292 : i32
          %add3A_294 = vector.broadcast %mul3A_293 : i32 to vector<16xi32>
          %add3A_295 = arith.addi %shift_right_arithmetic3A_84, %add3A_294 : vector<16xi32>
          %gather3A_296 = arith.constant 0 : i32
          %gather3A_297 = arith.constant 0 : i32
          %gather3A_298 = tpu.memref_slice %arg8[%add3A_79, %gather3A_296, %gather3A_297] : memref<32x96x16xf32, #tpu.memory_space<vmem>> -> memref<1x96x16xf32, #tpu.memory_space<vmem>>
          %gather3A_299 = tpu.memref_squeeze %gather3A_298 : memref<1x96x16xf32, #tpu.memory_space<vmem>> -> memref<96x16xf32, #tpu.memory_space<vmem>>
          %gather3A_300 = tpu.vector_load_idx %gather3A_299[%add3A_295, %and3A_87] : memref<96x16xf32, #tpu.memory_space<vmem>>[vector<16xi32>, vector<16xi32>], vector<16xf32>,
          %shift_right_arithmetic3A_301 = arith.constant 3 : i32
          %shift_right_arithmetic3A_302 = arith.shrsi %add3A_291, %shift_right_arithmetic3A_301 : i32
          %mul3A_303 = arith.constant 8 : i32
          %mul3A_304 = arith.muli %shift_right_arithmetic3A_302, %mul3A_303 : i32
          %add3A_305 = arith.addi %mul3A_304, %add3A_74 : i32
          %and3A_306 = arith.constant 7 : i32
          %and3A_307 = arith.andi %add3A_291, %and3A_306 : i32
          %mul3A_308 = arith.constant 16 : i32
          %mul3A_309 = arith.muli %and3A_307, %mul3A_308 : i32
          %swap3A_310 = arith.index_cast %and3A_44 : i32 to index
          %swap3A_311 = arith.index_cast %add3A_305 : i32 to index
          %swap3A_312 = arith.index_cast %mul3A_309 : i32 to index
          %swap3A_313 = tpu.vector_load %arg9[%swap3A_310, %swap3A_311, %swap3A_312] {strides = array<i32>} : memref<2x48x128xf32, #tpu.memory_space<vmem>>, vector<16xf32>,
          tpu.vector_store %arg9[%swap3A_310, %swap3A_311, %swap3A_312], %gather3A_300 {strides = array<i32>} : memref<2x48x128xf32, #tpu.memory_space<vmem>>, vector<16xf32>,
        }
        %scan3A_92 = arith.constant 48 : i32
      }
      %scan3A_51 = arith.constant 8 : i32
      %add3A_52 = arith.constant 16 : i32
      %add3A_53 = arith.addi %mul3A_2, %add3A_52 : i32
      %mul3A_54 = arith.constant 8 : i32
      %mul3A_55 = arith.muli %add3A_41, %mul3A_54 : i32
      %add3A_56 = arith.addi %add3A_53, %mul3A_55 : i32
      %mul3A_57 = arith.constant 6 : i32
      %mul3A_58 = arith.muli %add3A_56, %mul3A_57 : i32
      %dma_start3A = arith.constant 0 : i32
      %dma_start3A_59 = arith.constant 0 : i32
      %dma_start3A_60 = tpu.memref_slice %arg9[%and3A_44, %dma_start3A, %dma_start3A_59] : memref<2x48x128xf32, #tpu.memory_space<vmem>> -> memref<1x48x128xf32, #tpu.memory_space<vmem>>
      %dma_start3A_61 = tpu.memref_squeeze %dma_start3A_60 : memref<1x48x128xf32, #tpu.memory_space<vmem>> -> memref<48x128xf32, #tpu.memory_space<vmem>>
      %dma_start3A_62 = arith.constant 0 : i32
      %dma_start3A_63 = tpu.memref_slice %arg5[%mul3A_58, %dma_start3A_62] : memref<6144x128xf32, #tpu.memory_space<hbm>> -> memref<48x128xf32, #tpu.memory_space<hbm>>
      %dma_start3A_64 = arith.constant 0 : i32
      %dma_start3A_65 = tpu.memref_slice %arg5[%mul3A_58, %dma_start3A_64] : memref<6144x128xf32, #tpu.memory_space<hbm>> -> memref<48x128xf32, #tpu.memory_space<hbm>>
      %dma_start3A_66 = arith.constant 0 : i32
      %dma_start3A_67 = arith.constant 0 : i32
      %dma_start3A_68 = tpu.memref_slice %arg9[%and3A_44, %dma_start3A_66, %dma_start3A_67] : memref<2x48x128xf32, #tpu.memory_space<vmem>> -> memref<1x48x128xf32, #tpu.memory_space<vmem>>
      %dma_start3A_69 = tpu.memref_squeeze %dma_start3A_68 : memref<1x48x128xf32, #tpu.memory_space<vmem>> -> memref<48x128xf32, #tpu.memory_space<vmem>>
      tpu.enqueue_dma source(%dma_start3A_69 : memref<48x128xf32, #tpu.memory_space<vmem>>) target(%dma_start3A_65 : memref<48x128xf32, #tpu.memory_space<hbm>>) target_semaphore(%arg12 : memref<!tpu.dma_semaphore, #tpu.memory_space<semaphore_mem>>)
    }
    %scan3A_31 = arith.constant 2 : i32
    %scan3A_32 = arith.constant 0 : i32
    %scan3A_33 = arith.constant 2 : i32
    %scan3A_34 = arith.addi %scan3A_32, %scan3A_33 : i32
    %scan3A_35 = arith.constant 1 : i32
    scf.for %scan3A_37 = %scan3A_32 to %scan3A_34 step %scan3A_35  : i32 {
      %mul3A_38 = arith.constant 1 : i32
      %mul3A_39 = arith.muli %scan3A_37, %mul3A_38 : i32
      %add3A_40 = arith.constant 0 : i32
      %add3A_41 = arith.addi %add3A_40, %mul3A_39 : i32
      %dma_wait3A = arith.constant 0 : i32
      %dma_wait3A_42 = arith.constant 0 : i32
      %dma_wait3A_43 = tpu.memref_slice %arg9[%add3A_41, %dma_wait3A, %dma_wait3A_42] : memref<2x48x128xf32, #tpu.memory_space<vmem>> -> memref<1x48x128xf32, #tpu.memory_space<vmem>>
      %dma_wait3A_44 = tpu.memref_squeeze %dma_wait3A_43 : memref<1x48x128xf32, #tpu.memory_space<vmem>> -> memref<48x128xf32, #tpu.memory_space<vmem>>
      %dma_wait3A_45 = arith.constant 0 : i32
      %dma_wait3A_46 = arith.constant 0 : i32
      %dma_wait3A_47 = tpu.memref_slice %arg5[%dma_wait3A_45, %dma_wait3A_46] : memref<6144x128xf32, #tpu.memory_space<hbm>> -> memref<48x128xf32, #tpu.memory_space<hbm>>
      %dma_wait3A_48 = arith.constant 0 : i32
      %dma_wait3A_49 = arith.constant 0 : i32
      %dma_wait3A_50 = tpu.memref_slice %arg5[%dma_wait3A_48, %dma_wait3A_49] : memref<6144x128xf32, #tpu.memory_space<hbm>> -> memref<48x128xf32, #tpu.memory_space<hbm>>
      %dma_wait3A_51 = arith.constant 0 : i32
      %dma_wait3A_52 = arith.constant 0 : i32
      %dma_wait3A_53 = tpu.memref_slice %arg9[%add3A_41, %dma_wait3A_51, %dma_wait3A_52] : memref<2x48x128xf32, #tpu.memory_space<vmem>> -> memref<1x48x128xf32, #tpu.memory_space<vmem>>
      %dma_wait3A_54 = tpu.memref_squeeze %dma_wait3A_53 : memref<1x48x128xf32, #tpu.memory_space<vmem>> -> memref<48x128xf32, #tpu.memory_space<vmem>>
      tpu.wait_dma2 semaphore(%arg12 : memref<!tpu.dma_semaphore, #tpu.memory_space<semaphore_mem>>) src(%dma_wait3A_54 : memref<48x128xf32, #tpu.memory_space<vmem>>) dst(%dma_wait3A_50 : memref<48x128xf32, #tpu.memory_space<hbm>>)
    }
    %scan3A_36 = arith.constant 2 : i32
    return
  }
}

module attributes {stable_mosaic.version = 14 : i64} {
  func.func @mm(%arg0: i32, %arg1: memref<256x768xf32, #tpu.memory_space<vmem>>, %arg2: memref<768x768xbf16, #tpu.memory_space<vmem>>, %arg3: memref<1x768xf32, #tpu.memory_space<vmem>>, %arg4: memref<256x768xf32, #tpu.memory_space<vmem>>) attributes {dimension_semantics = [#tpu.dimension_semantics<arbitrary>], iteration_bounds = array<i64: 4>, scalar_prefetch = 0 : i64, scratch_operands = 0 : i64, tpu.core_type = #tpu.core_type<tc>, window_params = [{transform_indices = @transform_0, window_bounds = array<i64: 256, 768>}, {pipeline_mode = #tpu.pipeline_mode<synchronous>, transform_indices = @transform_1, window_bounds = array<i64: 768, 768>}, {pipeline_mode = #tpu.pipeline_mode<synchronous>, transform_indices = @transform_2, window_bounds = array<i64: 1, 768>}, {transform_indices = @transform_3, window_bounds = array<i64: 256, 768>}]} {
    %get3A = arith.constant 0 : index
    %get3A_0 = arith.constant 0 : index
    %get3A_1 = vector.load %arg1[%get3A, %get3A_0] : memref<256x768xf32, #tpu.memory_space<vmem>>, vector<256x768xf32>
    %convert_element_type3A = arith.truncf %get3A_1 : vector<256x768xf32> to vector<256x768xbf16>
    %get3A_2 = arith.constant 0 : index
    %get3A_3 = arith.constant 0 : index
    %get3A_4 = vector.load %arg2[%get3A_2, %get3A_3] : memref<768x768xbf16, #tpu.memory_space<vmem>>, vector<768x768xbf16>
    %dot_general3A = arith.constant dense<0.000000e+00> : vector<256x768xf32>
    %dot_general3A_5 = tpu.matmul %convert_element_type3A, %get3A_4, %dot_general3A {dimension_numbers = #tpu.dot_dimension_numbers<[1], [1], [0], [0], [0, 0, 1, 0], [], []>, transpose_lhs_hint = false} : vector<256x768xbf16>, vector<768x768xbf16>, vector<256x768xf32> -> vector<256x768xf32>
    %get3A_6 = arith.constant 0 : index
    %get3A_7 = arith.constant 0 : index
    %get3A_8 = vector.load %arg3[%get3A_6, %get3A_7] : memref<1x768xf32, #tpu.memory_space<vmem>>, vector<1x768xf32>
    %add3A = vector.broadcast %get3A_8 : vector<1x768xf32> to vector<256x768xf32>
    %add3A_9 = arith.addf %dot_general3A_5, %add3A : vector<256x768xf32>
    %swap3A = arith.constant 0 : index
    %swap3A_10 = arith.constant 0 : index
    %swap3A_11 = vector.load %arg4[%swap3A, %swap3A_10] : memref<256x768xf32, #tpu.memory_space<vmem>>, vector<256x768xf32>
    tpu.vector_store %arg4[%swap3A, %swap3A_10], %add3A_9 {strides = array<i32>} : memref<256x768xf32, #tpu.memory_space<vmem>>, vector<256x768xf32>,
    return
  }
  func.func @transform_0(%arg0: i32) -> (i32, i32) {
    %c0_i32 = arith.constant 0 : i32
    %c0_i32_0 = arith.constant 0 : i32
    return %arg0, %c0_i32 : i32, i32
  }
  func.func @transform_1(%arg0: i32) -> (i32, i32) {
    %c0_i32 = arith.constant 0 : i32
    %c0_i32_0 = arith.constant 0 : i32
    %c0_i32_1 = arith.constant 0 : i32
    return %c0_i32, %c0_i32_0 : i32, i32
  }
  func.func @transform_2(%arg0: i32) -> (i32, i32) {
    %c0_i32 = arith.constant 0 : i32
    %c0_i32_0 = arith.constant 0 : i32
    %c0_i32_1 = arith.constant 0 : i32
    return %c0_i32, %c0_i32_0 : i32, i32
  }
  func.func @transform_3(%arg0: i32) -> (i32, i32) {
    %c0_i32 = arith.constant 0 : i32
    %c0_i32_0 = arith.constant 0 : i32
    return %arg0, %c0_i32 : i32, i32
  }
}

</mosaic_0001>

<sc_bundles>
// kernel: kernel.6.cloned.1.call-start
scs
__scs_entry_jumppad:
0x0: {  	(pc) =	sbr.rel $0x88, $3  }
0x1: {  	(tag) =	ssettag $0x0;
	lr =	simm.s32 $0x1  }
0x2: {  	[smem:$0x3F9D] =	sst lr;
	_ =	strace $0xD0000000  }
0x3: {  	_ = 	snop  }
0x4: {  	_ = 	snop  }
0x5: {  	_ = 	snop  }
0x6: {  	_ = 	snop  }
0x7: {  	_ = 	snop  }
__scs_overlays_trampoline_lowered:
0x8: {  	[smem:$0x3FAC] =	sst s0  }
0x9: {  	[smem:$0x3FAD] =	sst s1  }
0xa: {  	[smem:$0x3FAE] =	sst s2  }
0xb: {  	[smem:$0x3FAF] =	sst s3  }
0xc: {  	[smem:$0x3FB0] =	sst s4  }
0xd: {  	[smem:$0x3FB1] =	sst s5  }
0xe: {  	[smem:$0x3FB2] =	sst s6  }
0xf: {  	[smem:$0x3FB3] =	sst s7  }
0x10: {  	[smem:$0x3FB4] =	sst s8  }
0x11: {  	[smem:$0x3FB5] =	sst s9;
	s0 =	simm.s32 @!p0 $0x0  }
0x12: {  	s1 =	sld [smem:$0x3F9B];
	s0 =	simm.s32 @p0 $0x1  }
0x13: {  	[smem:$0x3FB6] =	sst s0;
	s0 =	simm.s32 @!p1 $0x0  }
0x14: {  	s2 =	sld [smem:$0x3F9A];
	s0 =	simm.s32 @p1 $0x1  }
0x15: {  	[smem:$0x3FB7] =	sst s0;
	s0 =	simm.s32 @!p2 $0x0  }
0x16: {  	s3 =	sld [smem:$0x3FDB];
	s0 =	simm.s32 @p2 $0x1  }
0x17: {  	s4 =	simm.s32 $0x1BF5;
	[smem:$0x3FB9] =	sst s0  }
0x18: {  	s0 =	sld [smem:$0x3F9C];
	_ =	swait.ge [sflag:s4], $0x0  }
0x19: {  	s7 =	sld [smem:$0x3F9D]  }
0x1a: {  	s8 =	sadd.s32 $0xFFFFE003, lr  }
0x1b: {  	s9 =	sadd.s32 $0xFFFFFEF7, lr;
	s5 =	simm.s32 $0xFFFFFFFF;
	p2 =	slt.u32 s8, $0xFFFFF086  }
0x1c: {  	p1 =	slt.u32 s9, $0xF7A;
	s5 =	simm.s32 @!p2 $0x0  }
0x1d: {  	s5 =	simm.s32 @p1 $0x1;
	p0 =	seq.s32 s7, s2  }
0x1e: {  	s7 =	smul.u32 @!p0 $0xF7A, s2;
	p2 =	seq.s32 @!p0 s5, $0x0  }
0x1f: {  	s9 =	smul.u32 $0xF7A, s1;
	s8 =	simm.s32 @!p0 $0x1BF5;
	p2 =	por !p2, p0  }
0x20: {  	[sflag:s8] =	ssyncset.s32 @!p0 $0xFFFFF086;
	s6 =	sadd.s32 @!p0 s3, s7;
	s7 =	simm.s32 @!p0 $0x108  }
0x21: {  	s3 =	sadd.s32 s3, s9;
	s6 =	sadd.s32 @!p0 $0x88, s6;
	s7 =	simm.s32 @p2 $0x1082  }
0x22: {  	[simem:s7], [sflag:s8] =	dma.local @!p0 [hbm:s6], $0xF7A  }
0x23: {  	s9 =	sor.u32 $0xD0000000, s2;
	s6 =	simm.s32 $0x108;
	_ =	swait.ge @!p0 [sflag:s8], $0x0  }
0x24: {  	s3 =	sadd.s32 $0x88, s3;
	s6 =	simm.s32 @!p1 $0x1082;
	[sflag:s4] =	ssyncset.s32 $0xFFFFF086  }
0x25: {  	[simem:s6], [sflag:s4] =	dma.local [hbm:s3], $0xF7A  }
0x26: {  	[smem:$0x3F9D] =	sst s1;
	(tag) =	ssettag s2;
	_ =	strace s9  }
0x27: {  	s1 =	sld [smem:$0x3FAD]  }
0x28: {  	s2 =	sld [smem:$0x3FAE]  }
0x29: {  	s4 =	sld [smem:$0x3FB0]  }
0x2a: {  	p0 =	seq.s32 s5, $0x0;
	s5 =	sld [smem:$0x3FB1]  }
0x2b: {  	s6 =	sld [smem:$0x3FB2]  }
0x2c: {  	s7 =	sld [smem:$0x3FB3]  }
0x2d: {  	s3 =	simm.s32 $0x108;
	s8 =	sld [smem:$0x3FB4]  }
0x2e: {  	s3 =	simm.s32 @!p0 $0x1082;
	s9 =	sld [smem:$0x3FB5]  }
0x2f: {  	lr =	sadd.s32 s0, s3;
	s0 =	sld [smem:$0x3FAC]  }
0x30: {  	s3 =	sld [smem:$0x3FAF]  }
0x31: {  	[smem:$0x3FB8] =	sst s10  }
0x32: {  	s10 =	sld [smem:$0x3FB6];
	_ =	sdelay $0x3  }
0x33: {  	p0 =	seq.s32 s10, $0x1;
	s10 =	sld [smem:$0x3FB8];
	_ =	sdelay $0x3  }
0x34: {  	[smem:$0x3FB8] =	sst s10  }
0x35: {  	s10 =	sld [smem:$0x3FB7];
	_ =	sdelay $0x3  }
0x36: {  	p1 =	seq.s32 s10, $0x1;
	s10 =	sld [smem:$0x3FB8];
	_ =	sdelay $0x3  }
0x37: {  	[smem:$0x3FB8] =	sst s10  }
0x38: {  	s10 =	sld [smem:$0x3FB9]  }
0x39: {  	_ = 	snop;
	(pc) =	sbr.ind lr, $3  }
0x3a: {  	_ = 	snop  }
0x3b: {  	_ = 	snop  }
0x3c: {  	p2 =	seq.s32 s10, $0x1;
	s10 =	sld [smem:$0x3FB8]  }
0x3d: {  	_ =	shalt  }
0x3e: {  	_ =	shalt  }
0x3f: {  	_ =	shalt  }
0x40: {  	_ =	shalt  }
0x41: {  	_ =	shalt  }
0x42: {  	_ =	shalt  }
0x43: {  	_ =	shalt  }
0x44: {  	_ =	shalt  }
0x45: {  	_ =	shalt  }
0x46: {  	_ =	shalt  }
0x47: {  	_ =	shalt  }
0x48: {  	_ =	shalt  }
0x49: {  	_ =	shalt  }
0x4a: {  	_ =	shalt  }
0x4b: {  	_ =	shalt  }
0x4c: {  	_ =	shalt  }
0x4d: {  	_ =	shalt  }
0x4e: {  	_ =	shalt  }
0x4f: {  	_ =	shalt  }
0x50: {  	_ =	shalt  }
0x51: {  	_ =	shalt  }
0x52: {  	_ =	shalt  }
0x53: {  	_ =	shalt  }
0x54: {  	_ =	shalt  }
0x55: {  	_ =	shalt  }
0x56: {  	_ =	shalt  }
0x57: {  	_ =	shalt  }
0x58: {  	_ =	shalt  }
0x59: {  	_ =	shalt  }
0x5a: {  	_ =	shalt  }
0x5b: {  	_ =	shalt  }
0x5c: {  	_ =	shalt  }
0x5d: {  	_ =	shalt  }
0x5e: {  	_ =	shalt  }
0x5f: {  	_ =	shalt  }
0x60: {  	_ =	shalt  }
0x61: {  	_ =	shalt  }
0x62: {  	_ =	shalt  }
0x63: {  	_ =	shalt  }
0x64: {  	_ =	shalt  }
0x65: {  	_ =	shalt  }
0x66: {  	_ =	shalt  }
0x67: {  	_ =	shalt  }
0x68: {  	_ =	shalt  }
0x69: {  	_ =	shalt  }
0x6a: {  	_ =	shalt  }
0x6b: {  	_ =	shalt  }
0x6c: {  	_ =	shalt  }
0x6d: {  	_ =	shalt  }
0x6e: {  	_ =	shalt  }
0x6f: {  	_ =	shalt  }
0x70: {  	_ =	shalt  }
0x71: {  	_ =	shalt  }
0x72: {  	_ =	shalt  }
0x73: {  	_ =	shalt  }
0x74: {  	_ =	shalt  }
0x75: {  	_ =	shalt  }
0x76: {  	_ =	shalt  }
0x77: {  	_ =	shalt  }
0x78: {  	_ =	shalt  }
0x79: {  	_ =	shalt  }
0x7a: {  	_ =	shalt  }
0x7b: {  	_ =	shalt  }
0x7c: {  	_ =	shalt  }
0x7d: {  	_ =	shalt  }
0x7e: {  	_ =	shalt  }
0x7f: {  	_ =	shalt  }
0x80: {  	_ =	shalt  }
0x81: {  	_ =	shalt  }
0x82: {  	_ =	shalt  }
0x83: {  	_ =	shalt  }
0x84: {  	_ =	shalt  }
0x85: {  	_ =	shalt  }
0x86: {  	_ =	shalt  }
0x87: {  	_ =	shalt  }
.Lfunc_end0:
.L_simem_size_0:
called_computation_lowered:
.L_overlay_start_0:
0x88: {  	s2 =	sld [smem:$0x3FD9]  }
0x89: {  	s3 =	sld [smem:$0x3FFE];
	_ =	sdelay $0x1  }
0x8a: {  	s1 =	srdreg.scid  }
0x8b: {  	s0 =	sand.u32 $0x1, s1  }
0x8c: {  	s17 =	sshll.u32 s0, $0xA;
	s2 =	sadd.s32 s3, s2  }
0x8d: {  	s2 =	sadd.s32 s2, s17  }
0x8e: {  	[smem:$0x3FC4] =	sst s2  }
0x8f: {  	_ = 	snop  }
0x90: {  	s4 =	sld [smem:$0x3FC9]  }
0x91: {  	s18 =	sld [smem:$0x3FD0];
	(tm) =	ssettm $0x1  }
0x92: {  	s19 =	sld [smem:$0x3FFB];
	_ =	sdelay $0x3  }
0x93: {  	_ =	strace s19  }
0x94: {  	s2 =	sld [smem:$0x3FFC];
	_ =	sdelay $0x3  }
0x95: {  	_ =	strace s2  }
0x96: {  	s2 =	sld [smem:$0x3FFD];
	_ =	sdelay $0x3  }
0x97: {  	_ =	strace s2  }
0x98: {  	_ =	strace $0x8FFFFFFF  }
0x99: {  	s20 =	sld [smem:$0x3FDB];
	_ =	sdelay $0x1  }
0x9a: {  	s5 =	simm.s32 $_scs_section_size  }
0x9b: {  	s6 =	simm.s32 $_size__tile_overlayer_lowered;
	s7 =	simm.s32 $_tile_overlayer_lowered  }
0x9c: {  	s8 =	simm.s32 $0x1BFF;
	s21 =	sshll.u32 s7, $0x1;
	s5 =	sadd.s32 s5, s20  }
0x9d: {  	s22 =	simm.s32 $0x0;
	s6 =	sshll.u32 s6, $0x1;
	s7 =	sadd.s32 s21, s5  }
0x9e: {  	[timem:s22], [sflag:s8] =	dma.local [hbm:s7], s6  }
0x9f: {  	_ =	swait.ge [sflag:s8], s6  }
0xa0: {  	s6 =	ssub.s32 $0x0, s6;
	[sflag:s8] =	ssyncset.done $0x0  }
0xa1: {  	[sflag:s8] =	ssyncadd.s32 s6;
	_ =	sdelay $0x1  }
0xa2: {  	s23 =	simm.s32 $0x1B8B  }
0xa3: {  	_ =	swait.ge [sflag:s23], $0x1  }
0xa4: {  	[sflag:s23] =	ssyncset.done $0x0  }
0xa5: {  	[sflag:s23] =	ssyncadd.s32 $0xFFFFFFFF  }
0xa6: {  	s6 =	sld [smem:$0x0]  }
0xa7: {  	s7 =	sand.u32 $0xFFFFFFFE, s1  }
0xa8: {  	p0 =	sne.s32 s1, s7  }
0xa9: {  	s7 =	sshll.u32 @p0 s7, $0xE  }
0xaa: {  	s7 =	sadd.s32 @p0 $0x11B8D, s7;
	s8 =	sshll.u32 @p0 s6, $0x11  }
0xab: {  	s7 =	sor.u32 @p0 s8, s7  }
0xac: {  	[sflag:s7] =	ssyncadd.remote.s32 @p0 $0x1;
	_ =	sdelay $0x1  }
0xad: {  	s7 =	simm.s32 @p0 $0x1B8D  }
0xae: {  	_ =	swait.eq @p0 [sflag:s7], $0x1  }
0xaf: {  	[sflag:s7] =	ssyncadd.s32 @p0 $0xFFFFFFFF  }
0xb0: {  	s8 =	sshll.u32 @!p0 s1, $0xE  }
0xb1: {  	s8 =	sor.u32 @!p0 $0x4000, s8;
	s7 =	simm.s32 @!p0 $0x1B8D  }
0xb2: {  	s6 =	sshll.u32 @!p0 s6, $0x11;
	s8 =	sadd.s32 @!p0 $0x11B8D, s8;
	_ =	swait.eq @!p0 [sflag:s7], $0x1  }
0xb3: {  	s6 =	sor.u32 @!p0 s6, s8;
	[sflag:s7] =	ssyncadd.s32 @!p0 $0xFFFFFFFF  }
0xb4: {  	s25 =	simm.s32 $0x1B8E;
	s24 =	sld [smem:$0x3FFE];
	[sflag:s6] =	ssyncadd.remote.s32 @!p0 $0x1  }
0xb5: {  	s26 =	simm.s32 $execute0_lowered;
	[smem:$0x3FD2] =	sst s25  }
0xb6: {  	s7 =	sshll.u32 s26, $0x1;
	_ =	strace $0x80000049;
	[dreg:$0x1] =	wrdreg $0xFFFFFFFF  }
0xb7: {  	s28 =	simm.s32 $_size_execute0_lowered;
	s5 =	sadd.s32 s5, s7;
	[dreg:$0x0] =	wrdreg $0x0  }
0xb8: {  	s7 =	sshll.u32 s28, $0x1;
	[dreg:$0x2] =	wrdreg s5  }
0xb9: {  	[dreg:$0x3] =	wrdreg s7  }
0xba: {  	[dreg:$0x4] =	wrdreg $0xC0  }
0xbb: {  	_ =	task [dreg:s22], $0x5FFFF  }
0xbc: {  	[dreg:$0x1] =	wrdreg $0xFFFFFFFF  }
0xbd: {  	[dreg:$0x0] =	wrdreg $0x60  }
0xbe: {  	[dreg:$0x2] =	wrdreg s4  }
0xbf: {  	[dreg:$0x3] =	wrdreg s24  }
0xc0: {  	[dreg:$0x4] =	wrdreg s18  }
0xc1: {  	[dreg:$0x5] =	wrdreg $0x9  }
0xc2: {  	_ =	task.clear_ibuf [dreg:s22], $0x6FFFF;
	_ =	strace $0x90000049  }
0xc3: {  	s29 =	simm.s32 $0x9;
	_ =	strace $0x8000004B  }
0xc4: {  	_ =	swait.ge [sflag:s29], $0x1  }
0xc5: {  	[sflag:s29] =	ssyncadd.s32 $0xFFFFFFFF  }
0xc6: {  	_ =	strace $0x9000004B  }
0xc7: {  	_ =	sfence  }
0xc8: {  	s30 =	sld [smem:$0x0];
	_ =	sdelay $0x2  }
0xc9: {  	s31 =	sshll.u32 s1, $0xD;
	s1 =	sshrl.u32 s1, $0x2  }
0xca: {  	s4 =	sand.u32 $0x4000, s31;
	s1 =	sadd.s32 s1, s30  }
0xcb: {  	s0 =	sor.u32 s4, s0;
	s1 =	sshll.u32 s1, $0x11  }
0xcc: {  	s0 =	sor.u32 s1, s0  }
0xcd: {  	s0 =	sadd.s32 $0x8F2B, s0  }
0xce: {  	[sflag:s0] =	ssyncadd.remote.s32 $0x1  }
0xcf: {  	_ =	sfence.sel $0xFFFF  }
0xd0: {  	[dreg:$0x0] =	wrdreg $0xFFFFFFFF;
	(pc) =	sbr.abs _section_cstart, $3  }
0xd1: {  	[dreg:$0x1] =	wrdreg $0xFFFFFFFF  }
0xd2: {  	_ =	task.clear_ibuf [dreg:s22], $0x2FFFF;
	_ =	strace $0x9FFFFFFF  }
0xd3: {  	(tm) =	ssettm $0x7FFFFFFF  }
tec
execute0_lowered:
.L_overlay_start_1:
0x0: {  	(tag) =	ssettag $0x1  }
0x1: {  	s1 =	rddreg [dreg:$0x0]  }
0x2: {  	s0 =	srdreg.scid;
	s2 =	rddreg [dreg:$0x1]  }
0x3: {  	s4 =	stileid.u32;
	s3 =	rddreg [dreg:$0x2];
	s9 =	simm.s32 $0x4  }
0x4: {  	s11 =	simm.s32 $0x60;
	s22 =	simm.s32 $0xA80;
	s23 =	simm.s32 $0xB600  }
0x5: {  	s24 =	simm.s32 $0xAE0;
	s25 =	simm.s32 $0xBC00;
	s26 =	simm.s32 $0xB40  }
0x6: {  	s28 =	simm.s32 $0xC200;
	s29 =	simm.s32 $0xBA0;
	s30 =	simm.s32 $0xC800  }
0x7: {  	s31 =	simm.s32 $0x1;
	s10 =	simm.s32 $0x0;
	s0 =	sand.u32 $0x1, s0  }
0x8: {  	s6 =	sshll.u32 s4, $0x5;
	s5 =	sshll.u32 s0, $0x9;
	s0 =	ssub.s32 $0x2, s0  }
0x9: {  	s4 =	simm.s32 $0x0;
	s5 =	sor.u32 s6, s5;
	s8 =	sshrl.u32 s0, $0x1  }
0xa: {  	[smem:$0x7FF] =	sst s4;
	s6 =	smul.u32 $0xC, s5;
	s0 =	ssub.s32 s0, s8  }
0xb: {  	_ =	strace $0x8000004A;
	s7 =	sshll.u32 s5, $0x1;
	s8 =	smax.u32 s0, $0x1  }
0xc: {  	s0 =	simm.s32 $0x3;
	s6 =	sadd.s32 s6, s2;
	s2 =	sadd.s32 s7, s2  }
0xd: {  	v0 =	vlaneseq.u32;
	s6 =	sadd.s32 $0x1D800, s6;
	s7 =	sadd.s32 $0x1D000, s2;
	s2 =	simm.s32 $0x2  }
.LBB2_1:
0xe: {  	[tilespmem:s4], [sflag:$0x4] =	stream.linear.gather [hbm4b:s6+s4], $0xC00, $0x38;
	[tilespmem:$0xFE00] =	vst v63  }
0xf: {  	_ =	swait.ge [sflag:s9], $0xC00  }
0x10: {  	[sflag:s9] =	ssyncset.done $0x0  }
0x11: {  	s12 =	simm.s32 $0xC00;
	[sflag:s9] =	ssyncadd.s32 $0xFFFFF400  }
0x12: {  	[tilespmem:s12], [sflag:$0x4] =	stream.linear.gather [hbm4b:s7+s4], $0x200, $0x38;
	[tilespmem:$0xFE00] =	vst v63  }
0x13: {  	_ =	swait.ge [sflag:s9], $0x200  }
0x14: {  	[sflag:s9] =	ssyncset.done $0x0  }
0x15: {  	s17 =	simm.s32 $0xE00;
	[sflag:s9] =	ssyncadd.s32 $0xFFFFFE00  }
0x16: {  	[tilespmem:s17], [sflag:$0x1] =	stream.indirect.gather [hbm4b:s1+s11], $0x10, s4, s11, $0xb8;
	[tilespmem:$0xFE00] =	vst v63  }
0x17: {  	s18 =	simm.s32 $0x1400  }
0x18: {  	[tilespmem:s18], [sflag:$0x1] =	stream.indirect.gather [hbm4b:s1+s11], $0x10, s11, s11, $0xb8;
	[tilespmem:$0xFE00] =	vst v63  }
0x19: {  	s19 =	simm.s32 $0xC0;
	s13 =	simm.s32 $0x1A00  }
0x1a: {  	[tilespmem:s13], [sflag:$0x1] =	stream.indirect.gather [hbm4b:s1+s11], $0x10, s19, s11, $0xb8;
	[tilespmem:$0xFE00] =	vst v63  }
0x1b: {  	s20 =	simm.s32 $0x120;
	s21 =	simm.s32 $0x2000  }
0x1c: {  	[tilespmem:s21], [sflag:$0x1] =	stream.indirect.gather [hbm4b:s1+s11], $0x10, s20, s11, $0xb8;
	[tilespmem:$0xFE00] =	vst v63  }
0x1d: {  	s14 =	simm.s32 $0x180;
	s15 =	simm.s32 $0x2600  }
0x1e: {  	[tilespmem:s15], [sflag:$0x1] =	stream.indirect.gather [hbm4b:s1+s11], $0x10, s14, s11, $0xb8;
	[tilespmem:$0xFE00] =	vst v63  }
0x1f: {  	s16 =	simm.s32 $0x1E0;
	s17 =	simm.s32 $0x2C00  }
0x20: {  	[tilespmem:s17], [sflag:$0x1] =	stream.indirect.gather [hbm4b:s1+s11], $0x10, s16, s11, $0xb8;
	[tilespmem:$0xFE00] =	vst v63  }
0x21: {  	s18 =	simm.s32 $0x240;
	s19 =	simm.s32 $0x3200  }
0x22: {  	[tilespmem:s19], [sflag:$0x1] =	stream.indirect.gather [hbm4b:s1+s11], $0x10, s18, s11, $0xb8;
	[tilespmem:$0xFE00] =	vst v63  }
0x23: {  	s20 =	simm.s32 $0x2A0;
	s21 =	simm.s32 $0x3800  }
0x24: {  	[tilespmem:s21], [sflag:$0x1] =	stream.indirect.gather [hbm4b:s1+s11], $0x10, s20, s11, $0xb8;
	[tilespmem:$0xFE00] =	vst v63  }
0x25: {  	s14 =	simm.s32 $0x300;
	s15 =	simm.s32 $0x3E00  }
0x26: {  	[tilespmem:s15], [sflag:$0x1] =	stream.indirect.gather [hbm4b:s1+s11], $0x10, s14, s11, $0xb8;
	[tilespmem:$0xFE00] =	vst v63  }
0x27: {  	s16 =	simm.s32 $0x360;
	s17 =	simm.s32 $0x4400  }
0x28: {  	[tilespmem:s17], [sflag:$0x1] =	stream.indirect.gather [hbm4b:s1+s11], $0x10, s16, s11, $0xb8;
	[tilespmem:$0xFE00] =	vst v63  }
0x29: {  	s18 =	simm.s32 $0x3C0;
	s19 =	simm.s32 $0x4A00  }
0x2a: {  	[tilespmem:s19], [sflag:$0x1] =	stream.indirect.gather [hbm4b:s1+s11], $0x10, s18, s11, $0xb8;
	[tilespmem:$0xFE00] =	vst v63  }
0x2b: {  	s20 =	simm.s32 $0x420;
	s21 =	simm.s32 $0x5000  }
0x2c: {  	[tilespmem:s21], [sflag:$0x1] =	stream.indirect.gather [hbm4b:s1+s11], $0x10, s20, s11, $0xb8;
	[tilespmem:$0xFE00] =	vst v63  }
0x2d: {  	s14 =	simm.s32 $0x480;
	s15 =	simm.s32 $0x5600  }
0x2e: {  	[tilespmem:s15], [sflag:$0x1] =	stream.indirect.gather [hbm4b:s1+s11], $0x10, s14, s11, $0xb8;
	[tilespmem:$0xFE00] =	vst v63  }
0x2f: {  	s16 =	simm.s32 $0x4E0;
	s17 =	simm.s32 $0x5C00  }
0x30: {  	[tilespmem:s17], [sflag:$0x1] =	stream.indirect.gather [hbm4b:s1+s11], $0x10, s16, s11, $0xb8;
	[tilespmem:$0xFE00] =	vst v63  }
0x31: {  	s18 =	simm.s32 $0x540;
	s19 =	simm.s32 $0x6200  }
0x32: {  	[tilespmem:s19], [sflag:$0x1] =	stream.indirect.gather [hbm4b:s1+s11], $0x10, s18, s11, $0xb8;
	[tilespmem:$0xFE00] =	vst v63  }
0x33: {  	s20 =	simm.s32 $0x5A0;
	s21 =	simm.s32 $0x6800  }
0x34: {  	[tilespmem:s21], [sflag:$0x1] =	stream.indirect.gather [hbm4b:s1+s11], $0x10, s20, s11, $0xb8;
	[tilespmem:$0xFE00] =	vst v63  }
0x35: {  	s14 =	simm.s32 $0x600;
	s15 =	simm.s32 $0x6E00  }
0x36: {  	[tilespmem:s15], [sflag:$0x2] =	stream.indirect.gather [hbm4b:s1+s11], $0x10, s14, s11, $0xb8;
	[tilespmem:$0xFE00] =	vst v63  }
0x37: {  	s16 =	simm.s32 $0x660;
	s17 =	simm.s32 $0x7400  }
0x38: {  	[tilespmem:s17], [sflag:$0x2] =	stream.indirect.gather [hbm4b:s1+s11], $0x10, s16, s11, $0xb8;
	[tilespmem:$0xFE00] =	vst v63  }
0x39: {  	s18 =	simm.s32 $0x6C0;
	s19 =	simm.s32 $0x7A00  }
0x3a: {  	[tilespmem:s19], [sflag:$0x2] =	stream.indirect.gather [hbm4b:s1+s11], $0x10, s18, s11, $0xb8;
	[tilespmem:$0xFE00] =	vst v63  }
0x3b: {  	s20 =	simm.s32 $0x720;
	s21 =	simm.s32 $0x8000  }
0x3c: {  	[tilespmem:s21], [sflag:$0x2] =	stream.indirect.gather [hbm4b:s1+s11], $0x10, s20, s11, $0xb8;
	[tilespmem:$0xFE00] =	vst v63  }
0x3d: {  	s14 =	simm.s32 $0x780;
	s15 =	simm.s32 $0x8600  }
0x3e: {  	[tilespmem:s15], [sflag:$0x2] =	stream.indirect.gather [hbm4b:s1+s11], $0x10, s14, s11, $0xb8;
	[tilespmem:$0xFE00] =	vst v63  }
0x3f: {  	s16 =	simm.s32 $0x7E0;
	s17 =	simm.s32 $0x8C00  }
0x40: {  	[tilespmem:s17], [sflag:$0x2] =	stream.indirect.gather [hbm4b:s1+s11], $0x10, s16, s11, $0xb8;
	[tilespmem:$0xFE00] =	vst v63  }
0x41: {  	s18 =	simm.s32 $0x840;
	s19 =	simm.s32 $0x9200  }
0x42: {  	[tilespmem:s19], [sflag:$0x2] =	stream.indirect.gather [hbm4b:s1+s11], $0x10, s18, s11, $0xb8;
	[tilespmem:$0xFE00] =	vst v63  }
0x43: {  	s20 =	simm.s32 $0x8A0;
	s21 =	simm.s32 $0x9800  }
0x44: {  	[tilespmem:s21], [sflag:$0x2] =	stream.indirect.gather [hbm4b:s1+s11], $0x10, s20, s11, $0xb8;
	[tilespmem:$0xFE00] =	vst v63  }
0x45: {  	s14 =	simm.s32 $0x900;
	s15 =	simm.s32 $0x9E00  }
0x46: {  	[tilespmem:s15], [sflag:$0x2] =	stream.indirect.gather [hbm4b:s1+s11], $0x10, s14, s11, $0xb8;
	[tilespmem:$0xFE00] =	vst v63  }
0x47: {  	s16 =	simm.s32 $0x960;
	s17 =	simm.s32 $0xA400  }
0x48: {  	[tilespmem:s17], [sflag:$0x2] =	stream.indirect.gather [hbm4b:s1+s11], $0x10, s16, s11, $0xb8;
	[tilespmem:$0xFE00] =	vst v63  }
0x49: {  	s18 =	simm.s32 $0x9C0;
	s19 =	simm.s32 $0xAA00  }
0x4a: {  	[tilespmem:s19], [sflag:$0x2] =	stream.indirect.gather [hbm4b:s1+s11], $0x10, s18, s11, $0xb8;
	[tilespmem:$0xFE00] =	vst v63  }
0x4b: {  	s20 =	simm.s32 $0xA20;
	s21 =	simm.s32 $0xB000  }
0x4c: {  	[tilespmem:s21], [sflag:$0x2] =	stream.indirect.gather [hbm4b:s1+s11], $0x10, s20, s11, $0xb8;
	[tilespmem:$0xFE00] =	vst v63  }
0x4d: {  	_ = 	snop  }
0x4e: {  	[tilespmem:s23], [sflag:$0x2] =	stream.indirect.gather [hbm4b:s1+s11], $0x10, s22, s11, $0xb8;
	[tilespmem:$0xFE00] =	vst v63  }
0x4f: {  	_ = 	snop  }
0x50: {  	[tilespmem:s25], [sflag:$0x2] =	stream.indirect.gather [hbm4b:s1+s11], $0x10, s24, s11, $0xb8;
	[tilespmem:$0xFE00] =	vst v63  }
0x51: {  	_ = 	snop  }
0x52: {  	[tilespmem:s28], [sflag:$0x2] =	stream.indirect.gather [hbm4b:s1+s11], $0x10, s26, s11, $0xb8;
	[tilespmem:$0xFE00] =	vst v63  }
0x53: {  	_ = 	snop  }
0x54: {  	[tilespmem:s30], [sflag:$0x2] =	stream.indirect.gather [hbm4b:s1+s11], $0x10, s29, s11, $0xb8;
	[tilespmem:$0xFE00] =	vst v63  }
0x55: {  	_ =	swait.ge [sflag:s31], $0x600  }
0x56: {  	[sflag:s31] =	ssyncset.done $0x0  }
0x57: {  	[sflag:s31] =	ssyncadd.s32 $0xFFFFFA00  }
0x58: {  	_ =	swait.ge [sflag:s31], $0x600  }
0x59: {  	[sflag:s31] =	ssyncset.done $0x0  }
0x5a: {  	[sflag:s31] =	ssyncadd.s32 $0xFFFFFA00  }
0x5b: {  	_ =	swait.ge [sflag:s31], $0x600  }
0x5c: {  	[sflag:s31] =	ssyncset.done $0x0  }
0x5d: {  	[sflag:s31] =	ssyncadd.s32 $0xFFFFFA00  }
0x5e: {  	_ =	swait.ge [sflag:s31], $0x600  }
0x5f: {  	[sflag:s31] =	ssyncset.done $0x0  }
0x60: {  	[sflag:s31] =	ssyncadd.s32 $0xFFFFFA00  }
0x61: {  	_ =	swait.ge [sflag:s31], $0x600  }
0x62: {  	[sflag:s31] =	ssyncset.done $0x0  }
0x63: {  	[sflag:s31] =	ssyncadd.s32 $0xFFFFFA00  }
0x64: {  	_ =	swait.ge [sflag:s31], $0x600  }
0x65: {  	[sflag:s31] =	ssyncset.done $0x0  }
0x66: {  	[sflag:s31] =	ssyncadd.s32 $0xFFFFFA00  }
0x67: {  	_ =	swait.ge [sflag:s31], $0x600  }
0x68: {  	[sflag:s31] =	ssyncset.done $0x0  }
0x69: {  	[sflag:s31] =	ssyncadd.s32 $0xFFFFFA00  }
0x6a: {  	_ =	swait.ge [sflag:s31], $0x600  }
0x6b: {  	[sflag:s31] =	ssyncset.done $0x0  }
0x6c: {  	[sflag:s31] =	ssyncadd.s32 $0xFFFFFA00  }
0x6d: {  	_ =	swait.ge [sflag:s31], $0x600  }
0x6e: {  	[sflag:s31] =	ssyncset.done $0x0  }
0x6f: {  	[sflag:s31] =	ssyncadd.s32 $0xFFFFFA00  }
0x70: {  	_ =	swait.ge [sflag:s31], $0x600  }
0x71: {  	[sflag:s31] =	ssyncset.done $0x0  }
0x72: {  	[sflag:s31] =	ssyncadd.s32 $0xFFFFFA00  }
0x73: {  	_ =	swait.ge [sflag:s31], $0x600  }
0x74: {  	[sflag:s31] =	ssyncset.done $0x0  }
0x75: {  	[sflag:s31] =	ssyncadd.s32 $0xFFFFFA00  }
0x76: {  	_ =	swait.ge [sflag:s31], $0x600  }
0x77: {  	[sflag:s31] =	ssyncset.done $0x0  }
0x78: {  	[sflag:s31] =	ssyncadd.s32 $0xFFFFFA00  }
0x79: {  	_ =	swait.ge [sflag:s31], $0x600  }
0x7a: {  	[sflag:s31] =	ssyncset.done $0x0  }
0x7b: {  	[sflag:s31] =	ssyncadd.s32 $0xFFFFFA00  }
0x7c: {  	_ =	swait.ge [sflag:s31], $0x600  }
0x7d: {  	[sflag:s31] =	ssyncset.done $0x0  }
0x7e: {  	[sflag:s31] =	ssyncadd.s32 $0xFFFFFA00  }
0x7f: {  	_ =	swait.ge [sflag:s31], $0x600  }
0x80: {  	[sflag:s31] =	ssyncset.done $0x0  }
0x81: {  	[sflag:s31] =	ssyncadd.s32 $0xFFFFFA00  }
0x82: {  	_ =	swait.ge [sflag:s31], $0x600  }
0x83: {  	[sflag:s31] =	ssyncset.done $0x0  }
0x84: {  	p1 =	por $0x1, $0x1;
	s12 =	simm.s32 $0x0;
	[sflag:s31] =	ssyncadd.s32 $0xFFFFFA00  }
.LBB2_2:
0x85: {  	s13 =	smul.u32 $0x6000, s12;
	_ =	sdelay $0x1  }
0x86: {  	s12 =	sshll.u32 s12, $0x3;
	p0 =	por p1, p1;
	s14 =	sshra.s32 s13, $0x2  }
0x87: {  	s15 =	simm.s32 $0x0;
	s13 =	sadd.s32 $0xCE00, s14;
	s14 =	sadd.s32 $0xCE40, s14  }
.LBB2_3:
0x88: {  	s16 =	sadd.s32 s12, s15  }
0x89: {  	s17 =	sshll.u32 s16, $0x4  }
0x8a: {  	s17 =	sand.u32 $0x3FFFFFF0, s17  }
0x8b: {  	v1 =	vld [tilespmem:s17+$0xC00];
	_ =	sdelay $0x4  }
0x8c: {  	v2 =	vadd.s32 v0, v1  }
0x8d: {  	s18 =	simm.s32 $0x0;
	v1 =	vshra.s32 v2, $0x4  }
0x8e: {  	v3 =	vadd.s32 s18, v1  }
0x8f: {  	v2 =	vand.u32 $0xF, v2;
	v3 =	vshll.u32 v3, $0x4  }
0x90: {  	v3 =	vor.u32 v2, v3  }
0x91: {  	s16 =	smul.u32 $0x1800, s16;
	_ =	sdelay $0x1  }
0x92: {  	s19 =	simm.s32 $0x2;
	s16 =	sshra.s32 s16, $0x2  }
0x93: {  	s16 =	sadd.s32 $0xE00, s16;
	v4 =	vadd.s32 s19, v1  }
0x94: {  	v4 =	vshll.u32 v4, $0x4;
	v3 =	vld.idx.msk [tilespmem:v3+s16+$0x0], $0xffff  }
0x95: {  	v4 =	vor.u32 v2, v4;
	_ =	sdelay $0x2  }
0x96: {  	s20 =	simm.s32 $0x4  }
0x97: {  	[tilespmem:s14+$0xFFFFFFC0] =	vst v3;
	v3 =	vadd.s32 s20, v1  }
0x98: {  	v4 =	vld.idx.msk [tilespmem:v4+s16+$0x0], $0xffff;
	v3 =	vshll.u32 v3, $0x4  }
0x99: {  	v3 =	vor.u32 v2, v3;
	_ =	sdelay $0x2  }
0x9a: {  	s21 =	simm.s32 $0x6  }
0x9b: {  	[tilespmem:s14+$0xFFFFFFD0] =	vst v4;
	v4 =	vadd.s32 s21, v1  }
0x9c: {  	v3 =	vld.idx.msk [tilespmem:v3+s16+$0x0], $0xffff;
	v4 =	vshll.u32 v4, $0x4  }
0x9d: {  	v4 =	vor.u32 v2, v4;
	_ =	sdelay $0x2  }
0x9e: {  	s18 =	simm.s32 $0x8  }
0x9f: {  	[tilespmem:s14+$0xFFFFFFE0] =	vst v3;
	v3 =	vadd.s32 s18, v1  }
0xa0: {  	v4 =	vld.idx.msk [tilespmem:v4+s16+$0x0], $0xffff;
	v3 =	vshll.u32 v3, $0x4  }
0xa1: {  	v3 =	vor.u32 v2, v3;
	_ =	sdelay $0x2  }
0xa2: {  	s19 =	simm.s32 $0xA  }
0xa3: {  	[tilespmem:s14+$0xFFFFFFF0] =	vst v4;
	v4 =	vadd.s32 s19, v1  }
0xa4: {  	v3 =	vld.idx.msk [tilespmem:v3+s16+$0x0], $0xffff;
	v4 =	vshll.u32 v4, $0x4  }
0xa5: {  	v4 =	vor.u32 v2, v4;
	_ =	sdelay $0x2  }
0xa6: {  	s20 =	simm.s32 $0xC  }
0xa7: {  	[tilespmem:s14+$0x0] =	vst v3;
	v3 =	vadd.s32 s20, v1  }
0xa8: {  	v4 =	vld.idx.msk [tilespmem:v4+s16+$0x0], $0xffff;
	v3 =	vshll.u32 v3, $0x4  }
0xa9: {  	v3 =	vor.u32 v2, v3;
	_ =	sdelay $0x2  }
0xaa: {  	s21 =	simm.s32 $0xE  }
0xab: {  	v5 =	vadd.s32 s21, v1;
	[tilespmem:s14+$0x10] =	vst v4  }
0xac: {  	v4 =	vshll.u32 v5, $0x4;
	v3 =	vld.idx.msk [tilespmem:v3+s16+$0x0], $0xffff  }
0xad: {  	v4 =	vor.u32 v2, v4;
	_ =	sdelay $0x2  }
0xae: {  	s17 =	smov.u32 s14;
	s18 =	simm.s32 $0x0;
	s19 =	simm.s32 $0x1E  }
.LBB2_4:
0xaf: {  	s20 =	sadd.s32 $0xFFFFFFF2, s19;
	s18 =	sadd.s32 $0x8, s18;
	[tilespmem:s17+$0x20] =	vst v3  }
0xb0: {  	v3 =	vadd.s32 s20, v1;
	p1 =	slt.u32 s18, $0x28;
	v4 =	vld.idx.msk [tilespmem:v4+s16+$0x0], $0xffff  }
0xb1: {  	v3 =	vshll.u32 v3, $0x4  }
0xb2: {  	v3 =	vor.u32 v2, v3;
	_ =	sdelay $0x3  }
0xb3: {  	s20 =	sadd.s32 $0xFFFFFFF4, s19;
	[tilespmem:s17+$0x30] =	vst v4  }
0xb4: {  	v4 =	vadd.s32 s20, v1;
	v3 =	vld.idx.msk [tilespmem:v3+s16+$0x0], $0xffff  }
0xb5: {  	v4 =	vshll.u32 v4, $0x4  }
0xb6: {  	v4 =	vor.u32 v2, v4;
	_ =	sdelay $0x2  }
0xb7: {  	s17 =	sadd.s32 $0x400, s17  }
0xb8: {  	s20 =	sadd.s32 $0xFFFFFFF6, s19;
	[tilespmem:s17+$0xFFFFFFC0] =	vst v3  }
0xb9: {  	v3 =	vld.idx.msk [tilespmem:v4+s16+$0x0], $0xffff;
	v4 =	vadd.s32 s20, v1  }
0xba: {  	v4 =	vshll.u32 v4, $0x4  }
0xbb: {  	v4 =	vor.u32 v2, v4;
	_ =	sdelay $0x3  }
0xbc: {  	s20 =	sadd.s32 $0xFFFFFFF8, s19;
	[tilespmem:s17+$0xFFFFFFD0] =	vst v3  }
0xbd: {  	v3 =	vld.idx.msk [tilespmem:v4+s16+$0x0], $0xffff;
	v4 =	vadd.s32 s20, v1  }
0xbe: {  	v4 =	vshll.u32 v4, $0x4  }
0xbf: {  	v4 =	vor.u32 v2, v4;
	_ =	sdelay $0x3  }
0xc0: {  	s20 =	sadd.s32 $0xFFFFFFFA, s19;
	[tilespmem:s17+$0xFFFFFFE0] =	vst v3  }
0xc1: {  	v3 =	vld.idx.msk [tilespmem:v4+s16+$0x0], $0xffff;
	v4 =	vadd.s32 s20, v1  }
0xc2: {  	v4 =	vshll.u32 v4, $0x4  }
0xc3: {  	v4 =	vor.u32 v2, v4;
	_ =	sdelay $0x3  }
0xc4: {  	s20 =	sadd.s32 $0xFFFFFFFC, s19;
	[tilespmem:s17+$0xFFFFFFF0] =	vst v3  }
0xc5: {  	v3 =	vld.idx.msk [tilespmem:v4+s16+$0x0], $0xffff;
	v4 =	vadd.s32 s20, v1  }
0xc6: {  	v4 =	vshll.u32 v4, $0x4  }
0xc7: {  	v4 =	vor.u32 v2, v4;
	_ =	sdelay $0x3  }
0xc8: {  	s20 =	sadd.s32 $0xFFFFFFFE, s19;
	[tilespmem:s17+$0x0] =	vst v3  }
0xc9: {  	v3 =	vld.idx.msk [tilespmem:v4+s16+$0x0], $0xffff;
	v4 =	vadd.s32 s20, v1  }
0xca: {  	v4 =	vshll.u32 v4, $0x4  }
0xcb: {  	v4 =	vor.u32 v2, v4;
	_ =	sdelay $0x3  }
0xcc: {  	[tilespmem:s17+$0x10] =	vst v3  }
0xcd: {  	v3 =	vld.idx.msk [tilespmem:v4+s16+$0x0], $0xffff;
	v4 =	vadd.s32 s19, v1  }
.Ltmp0:
0xce: {  	v4 =	vshll.u32 v4, $0x4;
	(pc) =	sbr.rel @p1 .LBB2_4-.Ltmp0, $2  }
0xcf: {  	v4 =	vor.u32 v2, v4;
	_ =	sdelay $0x2  }
0xd0: {  	s19 =	sadd.s32 $0x10, s19  }
0xd1: {  	_ =	sdelay $0x2  }
0xd2: {  	[tilespmem:s17+$0x20] =	vst v3;
	s15 =	sadd.s32 $0x1, s15  }
0xd3: {  	v1 =	vld.idx.msk [tilespmem:v4+s16+$0x0], $0xffff;
	p1 =	sne.s32 s15, $0x8  }
.Ltmp1:
0xd4: {  	_ = 	snop;
	(pc) =	sbr.rel @p1 .LBB2_3-.Ltmp1, $2  }
0xd5: {  	_ =	sdelay $0x2  }
0xd6: {  	s14 =	sadd.s32 $0x80, s14;
	[tilespmem:s17+$0x30] =	vst v1  }
0xd7: {  	s12 =	sor.u32 s5, s12  }
0xd8: {  	s12 =	smul.u32 $0x60, s12  }
.Ltmp2:
0xd9: {  	_ = 	snop;
	(pc) =	sbr.rel @p0 .LBB2_2-.Ltmp2, $4  }
0xda: {  	_ = 	snop  }
0xdb: {  	s12 =	sadd.s32 s3, s12  }
0xdc: {  	[hbm4b:s12+s4] =	stream.linear.scatter [tilespmem:s13], [sflag:$0x3], $0x1800, $0x38;
	[tilespmem:$0xFE00] =	vst v63  }
0xdd: {  	p1 =	por $0x0, $0x0;
	s12 =	simm.s32 $0x1  }
0xde: {  	_ =	swait.ge [sflag:s2], $0x600  }
0xdf: {  	[sflag:s2] =	ssyncset.done $0x0  }
0xe0: {  	[sflag:s2] =	ssyncadd.s32 $0xFFFFFA00  }
0xe1: {  	_ =	swait.ge [sflag:s2], $0x600  }
0xe2: {  	[sflag:s2] =	ssyncset.done $0x0  }
0xe3: {  	[sflag:s2] =	ssyncadd.s32 $0xFFFFFA00  }
0xe4: {  	_ =	swait.ge [sflag:s2], $0x600  }
0xe5: {  	[sflag:s2] =	ssyncset.done $0x0  }
0xe6: {  	[sflag:s2] =	ssyncadd.s32 $0xFFFFFA00  }
0xe7: {  	_ =	swait.ge [sflag:s2], $0x600  }
0xe8: {  	[sflag:s2] =	ssyncset.done $0x0  }
0xe9: {  	[sflag:s2] =	ssyncadd.s32 $0xFFFFFA00  }
0xea: {  	_ =	swait.ge [sflag:s2], $0x600  }
0xeb: {  	[sflag:s2] =	ssyncset.done $0x0  }
0xec: {  	[sflag:s2] =	ssyncadd.s32 $0xFFFFFA00  }
0xed: {  	_ =	swait.ge [sflag:s2], $0x600  }
0xee: {  	[sflag:s2] =	ssyncset.done $0x0  }
0xef: {  	[sflag:s2] =	ssyncadd.s32 $0xFFFFFA00  }
0xf0: {  	_ =	swait.ge [sflag:s2], $0x600  }
0xf1: {  	[sflag:s2] =	ssyncset.done $0x0  }
0xf2: {  	[sflag:s2] =	ssyncadd.s32 $0xFFFFFA00  }
0xf3: {  	_ =	swait.ge [sflag:s2], $0x600  }
0xf4: {  	[sflag:s2] =	ssyncset.done $0x0  }
0xf5: {  	[sflag:s2] =	ssyncadd.s32 $0xFFFFFA00  }
0xf6: {  	_ =	swait.ge [sflag:s2], $0x600  }
0xf7: {  	[sflag:s2] =	ssyncset.done $0x0  }
0xf8: {  	[sflag:s2] =	ssyncadd.s32 $0xFFFFFA00  }
0xf9: {  	_ =	swait.ge [sflag:s2], $0x600  }
0xfa: {  	[sflag:s2] =	ssyncset.done $0x0  }
0xfb: {  	[sflag:s2] =	ssyncadd.s32 $0xFFFFFA00  }
0xfc: {  	_ =	swait.ge [sflag:s2], $0x600  }
0xfd: {  	[sflag:s2] =	ssyncset.done $0x0  }
0xfe: {  	[sflag:s2] =	ssyncadd.s32 $0xFFFFFA00  }
0xff: {  	_ =	swait.ge [sflag:s2], $0x600  }
0x100: {  	[sflag:s2] =	ssyncset.done $0x0  }
0x101: {  	[sflag:s2] =	ssyncadd.s32 $0xFFFFFA00  }
0x102: {  	_ =	swait.ge [sflag:s2], $0x600  }
0x103: {  	[sflag:s2] =	ssyncset.done $0x0  }
0x104: {  	[sflag:s2] =	ssyncadd.s32 $0xFFFFFA00  }
0x105: {  	_ =	swait.ge [sflag:s2], $0x600  }
0x106: {  	[sflag:s2] =	ssyncset.done $0x0  }
0x107: {  	[sflag:s2] =	ssyncadd.s32 $0xFFFFFA00  }
0x108: {  	_ =	swait.ge [sflag:s2], $0x600  }
0x109: {  	[sflag:s2] =	ssyncset.done $0x0  }
0x10a: {  	[sflag:s2] =	ssyncadd.s32 $0xFFFFFA00  }
0x10b: {  	_ =	swait.ge [sflag:s2], $0x600  }
0x10c: {  	[sflag:s2] =	ssyncset.done $0x0  }
0x10d: {  	s12 =	simm.s32 $0x0;
	p1 =	por $0x1, $0x1;
	[sflag:s2] =	ssyncadd.s32 $0xFFFFFA00  }
.LBB2_8:
0x10e: {  	_ =	swait.ge [sflag:s0], $0x1800;
	s13 =	smul.u32 $0x6000, s12  }
0x10f: {  	s12 =	sshll.u32 s12, $0x3;
	p0 =	por p1, p1;
	s16 =	simm.s32 $0x0  }
0x110: {  	[sflag:s0] =	ssyncset.done $0x0;
	s14 =	sor.u32 $0x10, s12;
	s15 =	sshra.s32 s13, $0x2  }
0x111: {  	[sflag:s0] =	ssyncadd.s32 $0xFFFFE800;
	s13 =	sadd.s32 $0xCE00, s15;
	s18 =	sadd.s32 $0xCE40, s15  }
.LBB2_9:
0x112: {  	s15 =	sadd.s32 s14, s16  }
0x113: {  	s17 =	sshll.u32 s15, $0x4  }
0x114: {  	s17 =	sand.u32 $0x3FFFFFF0, s17  }
0x115: {  	v1 =	vld [tilespmem:s17+$0xC00];
	_ =	sdelay $0x4  }
0x116: {  	v2 =	vadd.s32 v0, v1  }
0x117: {  	s21 =	simm.s32 $0x0;
	v1 =	vshra.s32 v2, $0x4  }
0x118: {  	v3 =	vadd.s32 s21, v1  }
0x119: {  	v2 =	vand.u32 $0xF, v2;
	v3 =	vshll.u32 v3, $0x4  }
0x11a: {  	v3 =	vor.u32 v2, v3  }
0x11b: {  	s15 =	smul.u32 $0x1800, s15;
	_ =	sdelay $0x1  }
0x11c: {  	s19 =	simm.s32 $0x2;
	s15 =	sshra.s32 s15, $0x2  }
0x11d: {  	s17 =	sadd.s32 $0xE00, s15;
	v4 =	vadd.s32 s19, v1  }
0x11e: {  	v4 =	vshll.u32 v4, $0x4;
	v3 =	vld.idx.msk [tilespmem:v3+s17+$0x0], $0xffff  }
0x11f: {  	v4 =	vor.u32 v2, v4;
	_ =	sdelay $0x2  }
0x120: {  	s19 =	simm.s32 $0x4  }
0x121: {  	[tilespmem:s18+$0xFFFFFFC0] =	vst v3;
	v3 =	vadd.s32 s19, v1  }
0x122: {  	v4 =	vld.idx.msk [tilespmem:v4+s17+$0x0], $0xffff;
	v3 =	vshll.u32 v3, $0x4  }
0x123: {  	v3 =	vor.u32 v2, v3;
	_ =	sdelay $0x2  }
0x124: {  	s20 =	simm.s32 $0x6  }
0x125: {  	[tilespmem:s18+$0xFFFFFFD0] =	vst v4;
	v4 =	vadd.s32 s20, v1  }
0x126: {  	v3 =	vld.idx.msk [tilespmem:v3+s17+$0x0], $0xffff;
	v4 =	vshll.u32 v4, $0x4  }
0x127: {  	v4 =	vor.u32 v2, v4;
	_ =	sdelay $0x2  }
0x128: {  	s21 =	simm.s32 $0x8  }
0x129: {  	[tilespmem:s18+$0xFFFFFFE0] =	vst v3;
	v3 =	vadd.s32 s21, v1  }
0x12a: {  	v4 =	vld.idx.msk [tilespmem:v4+s17+$0x0], $0xffff;
	v3 =	vshll.u32 v3, $0x4  }
0x12b: {  	v3 =	vor.u32 v2, v3;
	_ =	sdelay $0x2  }
0x12c: {  	s19 =	simm.s32 $0xA  }
0x12d: {  	[tilespmem:s18+$0xFFFFFFF0] =	vst v4;
	v4 =	vadd.s32 s19, v1  }
0x12e: {  	v3 =	vld.idx.msk [tilespmem:v3+s17+$0x0], $0xffff;
	v4 =	vshll.u32 v4, $0x4  }
0x12f: {  	v4 =	vor.u32 v2, v4;
	_ =	sdelay $0x2  }
0x130: {  	s20 =	simm.s32 $0xC  }
0x131: {  	[tilespmem:s18+$0x0] =	vst v3;
	v3 =	vadd.s32 s20, v1  }
0x132: {  	v4 =	vld.idx.msk [tilespmem:v4+s17+$0x0], $0xffff;
	v3 =	vshll.u32 v3, $0x4  }
0x133: {  	v3 =	vor.u32 v2, v3;
	_ =	sdelay $0x2  }
0x134: {  	s21 =	simm.s32 $0xE  }
0x135: {  	v5 =	vadd.s32 s21, v1;
	[tilespmem:s18+$0x10] =	vst v4  }
0x136: {  	v4 =	vshll.u32 v5, $0x4;
	v3 =	vld.idx.msk [tilespmem:v3+s17+$0x0], $0xffff  }
0x137: {  	v4 =	vor.u32 v2, v4;
	_ =	sdelay $0x2  }
0x138: {  	s15 =	smov.u32 s18;
	s19 =	simm.s32 $0x0;
	s20 =	simm.s32 $0x1E  }
.LBB2_10:
0x139: {  	s21 =	sadd.s32 $0xFFFFFFF2, s20;
	s19 =	sadd.s32 $0x8, s19;
	[tilespmem:s15+$0x20] =	vst v3  }
0x13a: {  	v3 =	vadd.s32 s21, v1;
	p1 =	slt.u32 s19, $0x28;
	v4 =	vld.idx.msk [tilespmem:v4+s17+$0x0], $0xffff  }
0x13b: {  	v3 =	vshll.u32 v3, $0x4  }
0x13c: {  	v3 =	vor.u32 v2, v3;
	_ =	sdelay $0x3  }
0x13d: {  	s21 =	sadd.s32 $0xFFFFFFF4, s20;
	[tilespmem:s15+$0x30] =	vst v4  }
0x13e: {  	v4 =	vadd.s32 s21, v1;
	v3 =	vld.idx.msk [tilespmem:v3+s17+$0x0], $0xffff  }
0x13f: {  	v4 =	vshll.u32 v4, $0x4  }
0x140: {  	v4 =	vor.u32 v2, v4;
	_ =	sdelay $0x2  }
0x141: {  	s15 =	sadd.s32 $0x400, s15  }
0x142: {  	s21 =	sadd.s32 $0xFFFFFFF6, s20;
	[tilespmem:s15+$0xFFFFFFC0] =	vst v3  }
0x143: {  	v3 =	vld.idx.msk [tilespmem:v4+s17+$0x0], $0xffff;
	v4 =	vadd.s32 s21, v1  }
0x144: {  	v4 =	vshll.u32 v4, $0x4  }
0x145: {  	v4 =	vor.u32 v2, v4;
	_ =	sdelay $0x3  }
0x146: {  	s21 =	sadd.s32 $0xFFFFFFF8, s20;
	[tilespmem:s15+$0xFFFFFFD0] =	vst v3  }
0x147: {  	v3 =	vld.idx.msk [tilespmem:v4+s17+$0x0], $0xffff;
	v4 =	vadd.s32 s21, v1  }
0x148: {  	v4 =	vshll.u32 v4, $0x4  }
0x149: {  	v4 =	vor.u32 v2, v4;
	_ =	sdelay $0x3  }
0x14a: {  	s21 =	sadd.s32 $0xFFFFFFFA, s20;
	[tilespmem:s15+$0xFFFFFFE0] =	vst v3  }
0x14b: {  	v3 =	vld.idx.msk [tilespmem:v4+s17+$0x0], $0xffff;
	v4 =	vadd.s32 s21, v1  }
0x14c: {  	v4 =	vshll.u32 v4, $0x4  }
0x14d: {  	v4 =	vor.u32 v2, v4;
	_ =	sdelay $0x3  }
0x14e: {  	s21 =	sadd.s32 $0xFFFFFFFC, s20;
	[tilespmem:s15+$0xFFFFFFF0] =	vst v3  }
0x14f: {  	v3 =	vld.idx.msk [tilespmem:v4+s17+$0x0], $0xffff;
	v4 =	vadd.s32 s21, v1  }
0x150: {  	v4 =	vshll.u32 v4, $0x4  }
0x151: {  	v4 =	vor.u32 v2, v4;
	_ =	sdelay $0x3  }
0x152: {  	s21 =	sadd.s32 $0xFFFFFFFE, s20;
	[tilespmem:s15+$0x0] =	vst v3  }
0x153: {  	v3 =	vld.idx.msk [tilespmem:v4+s17+$0x0], $0xffff;
	v4 =	vadd.s32 s21, v1  }
0x154: {  	v4 =	vshll.u32 v4, $0x4  }
0x155: {  	v4 =	vor.u32 v2, v4;
	_ =	sdelay $0x3  }
0x156: {  	[tilespmem:s15+$0x10] =	vst v3  }
0x157: {  	v3 =	vld.idx.msk [tilespmem:v4+s17+$0x0], $0xffff;
	v4 =	vadd.s32 s20, v1  }
.Ltmp3:
0x158: {  	v4 =	vshll.u32 v4, $0x4;
	(pc) =	sbr.rel @p1 .LBB2_10-.Ltmp3, $2  }
0x159: {  	v4 =	vor.u32 v2, v4;
	_ =	sdelay $0x2  }
0x15a: {  	s20 =	sadd.s32 $0x10, s20  }
0x15b: {  	_ =	sdelay $0x2  }
0x15c: {  	[tilespmem:s15+$0x20] =	vst v3;
	s16 =	sadd.s32 $0x1, s16  }
0x15d: {  	v1 =	vld.idx.msk [tilespmem:v4+s17+$0x0], $0xffff;
	p1 =	sne.s32 s16, $0x8  }
.Ltmp4:
0x15e: {  	_ = 	snop;
	(pc) =	sbr.rel @p1 .LBB2_9-.Ltmp4, $2  }
0x15f: {  	_ =	sdelay $0x2  }
0x160: {  	s18 =	sadd.s32 $0x80, s18;
	[tilespmem:s15+$0x30] =	vst v1  }
0x161: {  	s12 =	sor.u32 s5, s12  }
0x162: {  	s12 =	smul.u32 $0x300, s12;
	_ =	sdelay $0x1  }
.Ltmp5:
0x163: {  	s12 =	sshrl.u32 s12, $0x3;
	(pc) =	sbr.rel @p0 .LBB2_8-.Ltmp5, $4  }
0x164: {  	s12 =	sadd.s32 s3, s12  }
0x165: {  	s12 =	sadd.s32 $0x600, s12  }
0x166: {  	[hbm4b:s12+s4] =	stream.linear.scatter [tilespmem:s13], [sflag:$0x3], $0x1800, $0x38;
	[tilespmem:$0xFE00] =	vst v63  }
0x167: {  	p1 =	por $0x0, $0x0;
	s12 =	simm.s32 $0x1  }
0x168: {  	s10 =	sadd.s32 $0x1, s10  }
0x169: {  	_ =	swait.ge [sflag:s0], $0x1800;
	p0 =	sne.s32 s10, s8  }
.Ltmp6:
0x16a: {  	[sflag:s0] =	ssyncset.done $0x0;
	(pc) =	sbr.rel @p0 .LBB2_1-.Ltmp6, $4  }
0x16b: {  	[sflag:s0] =	ssyncadd.s32 $0xFFFFE800  }
0x16c: {  	_ =	swait.ge [sflag:s0], $0x1800  }
0x16d: {  	[sflag:s0] =	ssyncset.done $0x0  }
0x16e: {  	[sflag:s0] =	ssyncadd.s32 $0xFFFFE800  }
0x16f: {  	_ =	sfence.sel $0x180000  }
0x170: {  	[bflag:$0x0] =	sbarrier.arrive $0xFFFF  }
0x171: {  	_ =	strace $0x9000004A  }
0x172: {  	s0 =	stileid.u32;
	[bflag:$0x2] =	sbarrier.arrive $0xFFFF  }
0x173: {  	p0 =	sne.s32 s0, $0x0;
	s0 =	rddreg [dreg:$0x3]  }
0x174: {  	s0 =	sadd.s32 @!p0 $0x100000, s0  }
0x175: {  	[sflag:s0] =	ssyncadd.tile.s32 @!p0 $0x1;
	_ =	shalt  }
.Lfunc_end2:
_tile_overlayer_lowered:
.L_overlay_start_2:
0x176: {  	(tag) =	ssettag $0x2  }
0x177: {  	s0 =	rddreg [dreg:$0x0];
	s2 =	stileid.u32  }
0x178: {  	s1 =	rddreg [dreg:$0x1];
	p0 =	sne.s32 s2, $0x0  }
0x179: {  	s3 =	rddreg [dreg:$0x2];
	[bflag:$0x3] =	sbarrier.arrive $0xFFFF;
	s2 =	simm.s32 @!p0 $0x1C04  }
0x17a: {  	[timem:s3], [sflag:s2] =	dma.local @!p0 [hbm:s0], s1  }
0x17b: {  	s0 =	simm.s32 @!p0 $0x4  }
0x17c: {  	_ =	swait.ge @!p0 [sflag:s0], s1  }
0x17d: {  	s1 =	ssub.s32 @!p0 $0x0, s1;
	[sflag:s0] =	ssyncset.done @!p0 $0x0  }
0x17e: {  	[sflag:s0] =	ssyncadd.s32 @!p0 s1  }
0x17f: {  	[bflag:$0x3] =	sbarrier.arrive $0xFFFF  }
0x180: {  	_ =	shalt  }

// kernel: kernel.9.cloned.1.call-start
scs
__scs_entry_jumppad:
0x0: {  	(pc) =	sbr.rel $0x88, $3  }
0x1: {  	(tag) =	ssettag $0x0;
	lr =	simm.s32 $0x1  }
0x2: {  	[smem:$0x3F9D] =	sst lr;
	_ =	strace $0xD0000000  }
0x3: {  	_ = 	snop  }
0x4: {  	_ = 	snop  }
0x5: {  	_ = 	snop  }
0x6: {  	_ = 	snop  }
0x7: {  	_ = 	snop  }
__scs_overlays_trampoline_lowered:
0x8: {  	[smem:$0x3FAC] =	sst s0  }
0x9: {  	[smem:$0x3FAD] =	sst s1  }
0xa: {  	[smem:$0x3FAE] =	sst s2  }
0xb: {  	[smem:$0x3FAF] =	sst s3  }
0xc: {  	[smem:$0x3FB0] =	sst s4  }
0xd: {  	[smem:$0x3FB1] =	sst s5  }
0xe: {  	[smem:$0x3FB2] =	sst s6  }
0xf: {  	[smem:$0x3FB3] =	sst s7  }
0x10: {  	[smem:$0x3FB4] =	sst s8  }
0x11: {  	[smem:$0x3FB5] =	sst s9;
	s0 =	simm.s32 @!p0 $0x0  }
0x12: {  	s1 =	sld [smem:$0x3F9B];
	s0 =	simm.s32 @p0 $0x1  }
0x13: {  	[smem:$0x3FB6] =	sst s0;
	s0 =	simm.s32 @!p1 $0x0  }
0x14: {  	s2 =	sld [smem:$0x3F9A];
	s0 =	simm.s32 @p1 $0x1  }
0x15: {  	[smem:$0x3FB7] =	sst s0;
	s0 =	simm.s32 @!p2 $0x0  }
0x16: {  	s3 =	sld [smem:$0x3FDB];
	s0 =	simm.s32 @p2 $0x1  }
0x17: {  	s4 =	simm.s32 $0x1BF5;
	[smem:$0x3FB9] =	sst s0  }
0x18: {  	s0 =	sld [smem:$0x3F9C];
	_ =	swait.ge [sflag:s4], $0x0  }
0x19: {  	s7 =	sld [smem:$0x3F9D]  }
0x1a: {  	s8 =	sadd.s32 $0xFFFFE003, lr  }
0x1b: {  	s9 =	sadd.s32 $0xFFFFFEF7, lr;
	s5 =	simm.s32 $0xFFFFFFFF;
	p2 =	slt.u32 s8, $0xFFFFF086  }
0x1c: {  	p1 =	slt.u32 s9, $0xF7A;
	s5 =	simm.s32 @!p2 $0x0  }
0x1d: {  	s5 =	simm.s32 @p1 $0x1;
	p0 =	seq.s32 s7, s2  }
0x1e: {  	s7 =	smul.u32 @!p0 $0xF7A, s2;
	p2 =	seq.s32 @!p0 s5, $0x0  }
0x1f: {  	s9 =	smul.u32 $0xF7A, s1;
	s8 =	simm.s32 @!p0 $0x1BF5;
	p2 =	por !p2, p0  }
0x20: {  	[sflag:s8] =	ssyncset.s32 @!p0 $0xFFFFF086;
	s6 =	sadd.s32 @!p0 s3, s7;
	s7 =	simm.s32 @!p0 $0x108  }
0x21: {  	s3 =	sadd.s32 s3, s9;
	s6 =	sadd.s32 @!p0 $0x88, s6;
	s7 =	simm.s32 @p2 $0x1082  }
0x22: {  	[simem:s7], [sflag:s8] =	dma.local @!p0 [hbm:s6], $0xF7A  }
0x23: {  	s9 =	sor.u32 $0xD0000000, s2;
	s6 =	simm.s32 $0x108;
	_ =	swait.ge @!p0 [sflag:s8], $0x0  }
0x24: {  	s3 =	sadd.s32 $0x88, s3;
	s6 =	simm.s32 @!p1 $0x1082;
	[sflag:s4] =	ssyncset.s32 $0xFFFFF086  }
0x25: {  	[simem:s6], [sflag:s4] =	dma.local [hbm:s3], $0xF7A  }
0x26: {  	[smem:$0x3F9D] =	sst s1;
	(tag) =	ssettag s2;
	_ =	strace s9  }
0x27: {  	s1 =	sld [smem:$0x3FAD]  }
0x28: {  	s2 =	sld [smem:$0x3FAE]  }
0x29: {  	s4 =	sld [smem:$0x3FB0]  }
0x2a: {  	p0 =	seq.s32 s5, $0x0;
	s5 =	sld [smem:$0x3FB1]  }
0x2b: {  	s6 =	sld [smem:$0x3FB2]  }
0x2c: {  	s7 =	sld [smem:$0x3FB3]  }
0x2d: {  	s3 =	simm.s32 $0x108;
	s8 =	sld [smem:$0x3FB4]  }
0x2e: {  	s3 =	simm.s32 @!p0 $0x1082;
	s9 =	sld [smem:$0x3FB5]  }
0x2f: {  	lr =	sadd.s32 s0, s3;
	s0 =	sld [smem:$0x3FAC]  }
0x30: {  	s3 =	sld [smem:$0x3FAF]  }
0x31: {  	[smem:$0x3FB8] =	sst s10  }
0x32: {  	s10 =	sld [smem:$0x3FB6];
	_ =	sdelay $0x3  }
0x33: {  	p0 =	seq.s32 s10, $0x1;
	s10 =	sld [smem:$0x3FB8];
	_ =	sdelay $0x3  }
0x34: {  	[smem:$0x3FB8] =	sst s10  }
0x35: {  	s10 =	sld [smem:$0x3FB7];
	_ =	sdelay $0x3  }
0x36: {  	p1 =	seq.s32 s10, $0x1;
	s10 =	sld [smem:$0x3FB8];
	_ =	sdelay $0x3  }
0x37: {  	[smem:$0x3FB8] =	sst s10  }
0x38: {  	s10 =	sld [smem:$0x3FB9]  }
0x39: {  	_ = 	snop;
	(pc) =	sbr.ind lr, $3  }
0x3a: {  	_ = 	snop  }
0x3b: {  	_ = 	snop  }
0x3c: {  	p2 =	seq.s32 s10, $0x1;
	s10 =	sld [smem:$0x3FB8]  }
0x3d: {  	_ =	shalt  }
0x3e: {  	_ =	shalt  }
0x3f: {  	_ =	shalt  }
0x40: {  	_ =	shalt  }
0x41: {  	_ =	shalt  }
0x42: {  	_ =	shalt  }
0x43: {  	_ =	shalt  }
0x44: {  	_ =	shalt  }
0x45: {  	_ =	shalt  }
0x46: {  	_ =	shalt  }
0x47: {  	_ =	shalt  }
0x48: {  	_ =	shalt  }
0x49: {  	_ =	shalt  }
0x4a: {  	_ =	shalt  }
0x4b: {  	_ =	shalt  }
0x4c: {  	_ =	shalt  }
0x4d: {  	_ =	shalt  }
0x4e: {  	_ =	shalt  }
0x4f: {  	_ =	shalt  }
0x50: {  	_ =	shalt  }
0x51: {  	_ =	shalt  }
0x52: {  	_ =	shalt  }
0x53: {  	_ =	shalt  }
0x54: {  	_ =	shalt  }
0x55: {  	_ =	shalt  }
0x56: {  	_ =	shalt  }
0x57: {  	_ =	shalt  }
0x58: {  	_ =	shalt  }
0x59: {  	_ =	shalt  }
0x5a: {  	_ =	shalt  }
0x5b: {  	_ =	shalt  }
0x5c: {  	_ =	shalt  }
0x5d: {  	_ =	shalt  }
0x5e: {  	_ =	shalt  }
0x5f: {  	_ =	shalt  }
0x60: {  	_ =	shalt  }
0x61: {  	_ =	shalt  }
0x62: {  	_ =	shalt  }
0x63: {  	_ =	shalt  }
0x64: {  	_ =	shalt  }
0x65: {  	_ =	shalt  }
0x66: {  	_ =	shalt  }
0x67: {  	_ =	shalt  }
0x68: {  	_ =	shalt  }
0x69: {  	_ =	shalt  }
0x6a: {  	_ =	shalt  }
0x6b: {  	_ =	shalt  }
0x6c: {  	_ =	shalt  }
0x6d: {  	_ =	shalt  }
0x6e: {  	_ =	shalt  }
0x6f: {  	_ =	shalt  }
0x70: {  	_ =	shalt  }
0x71: {  	_ =	shalt  }
0x72: {  	_ =	shalt  }
0x73: {  	_ =	shalt  }
0x74: {  	_ =	shalt  }
0x75: {  	_ =	shalt  }
0x76: {  	_ =	shalt  }
0x77: {  	_ =	shalt  }
0x78: {  	_ =	shalt  }
0x79: {  	_ =	shalt  }
0x7a: {  	_ =	shalt  }
0x7b: {  	_ =	shalt  }
0x7c: {  	_ =	shalt  }
0x7d: {  	_ =	shalt  }
0x7e: {  	_ =	shalt  }
0x7f: {  	_ =	shalt  }
0x80: {  	_ =	shalt  }
0x81: {  	_ =	shalt  }
0x82: {  	_ =	shalt  }
0x83: {  	_ =	shalt  }
0x84: {  	_ =	shalt  }
0x85: {  	_ =	shalt  }
0x86: {  	_ =	shalt  }
0x87: {  	_ =	shalt  }
.Lfunc_end0:
.L_simem_size_0:
called_computation.1_lowered:
.L_overlay_start_0:
0x88: {  	s2 =	sld [smem:$0x3FD9]  }
0x89: {  	s3 =	sld [smem:$0x3FFE];
	_ =	sdelay $0x1  }
0x8a: {  	s1 =	srdreg.scid  }
0x8b: {  	s0 =	sand.u32 $0x1, s1  }
0x8c: {  	s17 =	sshll.u32 s0, $0xA;
	s2 =	sadd.s32 s3, s2  }
0x8d: {  	s2 =	sadd.s32 s2, s17  }
0x8e: {  	[smem:$0x3FC4] =	sst s2  }
0x8f: {  	_ = 	snop  }
0x90: {  	s2 =	sld [smem:$0x3FC9];
	(tm) =	ssettm $0x1  }
0x91: {  	s18 =	sld [smem:$0x3FFB];
	_ =	sdelay $0x3  }
0x92: {  	_ =	strace s18  }
0x93: {  	s3 =	sld [smem:$0x3FFC];
	_ =	sdelay $0x3  }
0x94: {  	_ =	strace s3  }
0x95: {  	s3 =	sld [smem:$0x3FFD];
	_ =	sdelay $0x3  }
0x96: {  	_ =	strace s3  }
0x97: {  	_ =	strace $0x8FFFFFFF  }
0x98: {  	s19 =	sld [smem:$0x3FDB];
	_ =	sdelay $0x1  }
0x99: {  	s4 =	simm.s32 $_scs_section_size  }
0x9a: {  	s5 =	simm.s32 $_size__tile_overlayer_lowered;
	s6 =	simm.s32 $_tile_overlayer_lowered  }
0x9b: {  	s22 =	simm.s32 $0x1BFF;
	s21 =	sshll.u32 s6, $0x1;
	s3 =	sadd.s32 s4, s19  }
0x9c: {  	s7 =	simm.s32 $0x0;
	s20 =	sshll.u32 s5, $0x1;
	s5 =	sadd.s32 s21, s3  }
0x9d: {  	[timem:s7], [sflag:s22] =	dma.local [hbm:s5], s20  }
0x9e: {  	_ =	swait.ge [sflag:s22], s20  }
0x9f: {  	s4 =	ssub.s32 $0x0, s20;
	[sflag:s22] =	ssyncset.done $0x0  }
0xa0: {  	[sflag:s22] =	ssyncadd.s32 s4;
	_ =	sdelay $0x1  }
0xa1: {  	s23 =	simm.s32 $0x1B8B  }
0xa2: {  	_ =	swait.ge [sflag:s23], $0x1  }
0xa3: {  	[sflag:s23] =	ssyncset.done $0x0  }
0xa4: {  	s25 =	simm.s32 $0x1B8E;
	s24 =	sld [smem:$0x3FFE];
	[sflag:s23] =	ssyncadd.s32 $0xFFFFFFFF  }
0xa5: {  	s26 =	simm.s32 $execute0_lowered;
	[smem:$0x3FD2] =	sst s25  }
0xa6: {  	s5 =	sshll.u32 s26, $0x1;
	_ =	strace $0x80000046;
	[dreg:$0x1] =	wrdreg $0xFFFFFFFF  }
0xa7: {  	s28 =	simm.s32 $_size_execute0_lowered;
	s3 =	sadd.s32 s3, s5;
	[dreg:$0x0] =	wrdreg $0x0  }
0xa8: {  	s5 =	sshll.u32 s28, $0x1;
	[dreg:$0x2] =	wrdreg s3  }
0xa9: {  	[dreg:$0x3] =	wrdreg s5  }
0xaa: {  	[dreg:$0x4] =	wrdreg $0xC0  }
0xab: {  	_ =	task [dreg:s7], $0x5FFFF  }
0xac: {  	[dreg:$0x1] =	wrdreg $0xFFFFFFFF  }
0xad: {  	[dreg:$0x0] =	wrdreg $0x60  }
0xae: {  	[dreg:$0x2] =	wrdreg s2  }
0xaf: {  	[dreg:$0x3] =	wrdreg s24  }
0xb0: {  	[dreg:$0x4] =	wrdreg $0xA  }
0xb1: {  	_ =	task.clear_ibuf [dreg:s7], $0x5FFFF;
	_ =	strace $0x90000046  }
0xb2: {  	s29 =	simm.s32 $0xA;
	_ =	strace $0x80000048  }
0xb3: {  	_ =	swait.ge [sflag:s29], $0x1  }
0xb4: {  	[sflag:s29] =	ssyncadd.s32 $0xFFFFFFFF  }
0xb5: {  	_ =	strace $0x90000048  }
0xb6: {  	_ =	sfence  }
0xb7: {  	s30 =	sld [smem:$0x0];
	_ =	sdelay $0x2  }
0xb8: {  	s31 =	sshll.u32 s1, $0xD;
	s1 =	sshrl.u32 s1, $0x2  }
0xb9: {  	s3 =	sand.u32 $0x4000, s31;
	s1 =	sadd.s32 s1, s30  }
0xba: {  	s0 =	sor.u32 s3, s0;
	s1 =	sshll.u32 s1, $0x11  }
0xbb: {  	s0 =	sor.u32 s1, s0  }
0xbc: {  	s0 =	sadd.s32 $0x8F2B, s0  }
0xbd: {  	[sflag:s0] =	ssyncadd.remote.s32 $0x1  }
0xbe: {  	_ =	sfence.sel $0xFFFF  }
0xbf: {  	[dreg:$0x0] =	wrdreg $0xFFFFFFFF;
	(pc) =	sbr.abs _section_cstart, $3  }
0xc0: {  	[dreg:$0x1] =	wrdreg $0xFFFFFFFF  }
0xc1: {  	_ =	task.clear_ibuf [dreg:s7], $0x2FFFF;
	_ =	strace $0x9FFFFFFF  }
0xc2: {  	(tm) =	ssettm $0x7FFFFFFF  }
0xc3: {  	_ =	shalt  }
tec
execute0_lowered:
.L_overlay_start_1:
0x0: {  	(tag) =	ssettag $0x1  }
0x1: {  	s0 =	srdreg.scid  }
0x2: {  	s2 =	rddreg [dreg:$0x0];
	s3 =	stileid.u32  }
0x3: {  	s1 =	rddreg [dreg:$0x1];
	s9 =	simm.s32 $0x4;
	s11 =	simm.s32 $0x60  }
0x4: {  	s22 =	simm.s32 $0xA80;
	s23 =	simm.s32 $0xB600;
	s24 =	simm.s32 $0xAE0  }
0x5: {  	s25 =	simm.s32 $0xBC00;
	s28 =	simm.s32 $0xC200;
	s29 =	simm.s32 $0xBA0  }
0x6: {  	s30 =	simm.s32 $0xC800;
	s31 =	simm.s32 $0x1;
	s0 =	sand.u32 $0x1, s0  }
0x7: {  	s10 =	simm.s32 $0x0;
	s5 =	sshll.u32 s3, $0x5;
	s4 =	sshll.u32 s0, $0x9  }
0x8: {  	s3 =	simm.s32 $0x0;
	s0 =	ssub.s32 $0x2, s0;
	s4 =	sor.u32 s5, s4  }
0x9: {  	[smem:$0x7FF] =	sst s3;
	s7 =	sshrl.u32 s0, $0x1;
	s5 =	smul.u32 $0xC, s4  }
0xa: {  	_ =	strace $0x80000047;
	s26 =	sshll.u32 s4, $0x1;
	s0 =	ssub.s32 s0, s7  }
0xb: {  	s8 =	sadd.s32 s26, s1;
	s26 =	simm.s32 $0xB40;
	s6 =	sadd.s32 s5, s1  }
0xc: {  	s5 =	sadd.s32 $0x5000, s1;
	s7 =	sadd.s32 $0x1800, s8;
	s8 =	smax.u32 s0, $0x1  }
0xd: {  	v0 =	vlaneseq.u32;
	s1 =	simm.s32 $0x2;
	s0 =	simm.s32 $0x3;
	s6 =	sadd.s32 $0x2000, s6  }
.LBB2_1:
0xe: {  	[tilespmem:s3], [sflag:$0x4] =	stream.linear.gather [hbm4b:s6+s3], $0xC00, $0x38;
	[tilespmem:$0xFE00] =	vst v63  }
0xf: {  	_ =	swait.ge [sflag:s9], $0xC00  }
0x10: {  	[sflag:s9] =	ssyncset.done $0x0  }
0x11: {  	s12 =	simm.s32 $0xC00;
	[sflag:s9] =	ssyncadd.s32 $0xFFFFF400  }
0x12: {  	[tilespmem:s12], [sflag:$0x4] =	stream.linear.gather [hbm4b:s7+s3], $0x200, $0x38;
	[tilespmem:$0xFE00] =	vst v63  }
0x13: {  	_ =	swait.ge [sflag:s9], $0x200  }
0x14: {  	[sflag:s9] =	ssyncset.done $0x0  }
0x15: {  	s17 =	simm.s32 $0xE00;
	[sflag:s9] =	ssyncadd.s32 $0xFFFFFE00  }
0x16: {  	[tilespmem:s17], [sflag:$0x1] =	stream.indirect.gather [hbm4b:s2+s11], $0x10, s3, s11, $0xb8;
	[tilespmem:$0xFE00] =	vst v63  }
0x17: {  	s18 =	simm.s32 $0x1400  }
0x18: {  	[tilespmem:s18], [sflag:$0x1] =	stream.indirect.gather [hbm4b:s2+s11], $0x10, s11, s11, $0xb8;
	[tilespmem:$0xFE00] =	vst v63  }
0x19: {  	s19 =	simm.s32 $0xC0;
	s13 =	simm.s32 $0x1A00  }
0x1a: {  	[tilespmem:s13], [sflag:$0x1] =	stream.indirect.gather [hbm4b:s2+s11], $0x10, s19, s11, $0xb8;
	[tilespmem:$0xFE00] =	vst v63  }
0x1b: {  	s20 =	simm.s32 $0x120;
	s21 =	simm.s32 $0x2000  }
0x1c: {  	[tilespmem:s21], [sflag:$0x1] =	stream.indirect.gather [hbm4b:s2+s11], $0x10, s20, s11, $0xb8;
	[tilespmem:$0xFE00] =	vst v63  }
0x1d: {  	s14 =	simm.s32 $0x180;
	s15 =	simm.s32 $0x2600  }
0x1e: {  	[tilespmem:s15], [sflag:$0x1] =	stream.indirect.gather [hbm4b:s2+s11], $0x10, s14, s11, $0xb8;
	[tilespmem:$0xFE00] =	vst v63  }
0x1f: {  	s16 =	simm.s32 $0x1E0;
	s17 =	simm.s32 $0x2C00  }
0x20: {  	[tilespmem:s17], [sflag:$0x1] =	stream.indirect.gather [hbm4b:s2+s11], $0x10, s16, s11, $0xb8;
	[tilespmem:$0xFE00] =	vst v63  }
0x21: {  	s18 =	simm.s32 $0x240;
	s19 =	simm.s32 $0x3200  }
0x22: {  	[tilespmem:s19], [sflag:$0x1] =	stream.indirect.gather [hbm4b:s2+s11], $0x10, s18, s11, $0xb8;
	[tilespmem:$0xFE00] =	vst v63  }
0x23: {  	s20 =	simm.s32 $0x2A0;
	s21 =	simm.s32 $0x3800  }
0x24: {  	[tilespmem:s21], [sflag:$0x1] =	stream.indirect.gather [hbm4b:s2+s11], $0x10, s20, s11, $0xb8;
	[tilespmem:$0xFE00] =	vst v63  }
0x25: {  	s14 =	simm.s32 $0x300;
	s15 =	simm.s32 $0x3E00  }
0x26: {  	[tilespmem:s15], [sflag:$0x1] =	stream.indirect.gather [hbm4b:s2+s11], $0x10, s14, s11, $0xb8;
	[tilespmem:$0xFE00] =	vst v63  }
0x27: {  	s16 =	simm.s32 $0x360;
	s17 =	simm.s32 $0x4400  }
0x28: {  	[tilespmem:s17], [sflag:$0x1] =	stream.indirect.gather [hbm4b:s2+s11], $0x10, s16, s11, $0xb8;
	[tilespmem:$0xFE00] =	vst v63  }
0x29: {  	s18 =	simm.s32 $0x3C0;
	s19 =	simm.s32 $0x4A00  }
0x2a: {  	[tilespmem:s19], [sflag:$0x1] =	stream.indirect.gather [hbm4b:s2+s11], $0x10, s18, s11, $0xb8;
	[tilespmem:$0xFE00] =	vst v63  }
0x2b: {  	s20 =	simm.s32 $0x420;
	s21 =	simm.s32 $0x5000  }
0x2c: {  	[tilespmem:s21], [sflag:$0x1] =	stream.indirect.gather [hbm4b:s2+s11], $0x10, s20, s11, $0xb8;
	[tilespmem:$0xFE00] =	vst v63  }
0x2d: {  	s14 =	simm.s32 $0x480;
	s15 =	simm.s32 $0x5600  }
0x2e: {  	[tilespmem:s15], [sflag:$0x1] =	stream.indirect.gather [hbm4b:s2+s11], $0x10, s14, s11, $0xb8;
	[tilespmem:$0xFE00] =	vst v63  }
0x2f: {  	s16 =	simm.s32 $0x4E0;
	s17 =	simm.s32 $0x5C00  }
0x30: {  	[tilespmem:s17], [sflag:$0x1] =	stream.indirect.gather [hbm4b:s2+s11], $0x10, s16, s11, $0xb8;
	[tilespmem:$0xFE00] =	vst v63  }
0x31: {  	s18 =	simm.s32 $0x540;
	s19 =	simm.s32 $0x6200  }
0x32: {  	[tilespmem:s19], [sflag:$0x1] =	stream.indirect.gather [hbm4b:s2+s11], $0x10, s18, s11, $0xb8;
	[tilespmem:$0xFE00] =	vst v63  }
0x33: {  	s20 =	simm.s32 $0x5A0;
	s21 =	simm.s32 $0x6800  }
0x34: {  	[tilespmem:s21], [sflag:$0x1] =	stream.indirect.gather [hbm4b:s2+s11], $0x10, s20, s11, $0xb8;
	[tilespmem:$0xFE00] =	vst v63  }
0x35: {  	s14 =	simm.s32 $0x600;
	s15 =	simm.s32 $0x6E00  }
0x36: {  	[tilespmem:s15], [sflag:$0x2] =	stream.indirect.gather [hbm4b:s2+s11], $0x10, s14, s11, $0xb8;
	[tilespmem:$0xFE00] =	vst v63  }
0x37: {  	s16 =	simm.s32 $0x660;
	s17 =	simm.s32 $0x7400  }
0x38: {  	[tilespmem:s17], [sflag:$0x2] =	stream.indirect.gather [hbm4b:s2+s11], $0x10, s16, s11, $0xb8;
	[tilespmem:$0xFE00] =	vst v63  }
0x39: {  	s18 =	simm.s32 $0x6C0;
	s19 =	simm.s32 $0x7A00  }
0x3a: {  	[tilespmem:s19], [sflag:$0x2] =	stream.indirect.gather [hbm4b:s2+s11], $0x10, s18, s11, $0xb8;
	[tilespmem:$0xFE00] =	vst v63  }
0x3b: {  	s20 =	simm.s32 $0x720;
	s21 =	simm.s32 $0x8000  }
0x3c: {  	[tilespmem:s21], [sflag:$0x2] =	stream.indirect.gather [hbm4b:s2+s11], $0x10, s20, s11, $0xb8;
	[tilespmem:$0xFE00] =	vst v63  }
0x3d: {  	s14 =	simm.s32 $0x780;
	s15 =	simm.s32 $0x8600  }
0x3e: {  	[tilespmem:s15], [sflag:$0x2] =	stream.indirect.gather [hbm4b:s2+s11], $0x10, s14, s11, $0xb8;
	[tilespmem:$0xFE00] =	vst v63  }
0x3f: {  	s16 =	simm.s32 $0x7E0;
	s17 =	simm.s32 $0x8C00  }
0x40: {  	[tilespmem:s17], [sflag:$0x2] =	stream.indirect.gather [hbm4b:s2+s11], $0x10, s16, s11, $0xb8;
	[tilespmem:$0xFE00] =	vst v63  }
0x41: {  	s18 =	simm.s32 $0x840;
	s19 =	simm.s32 $0x9200  }
0x42: {  	[tilespmem:s19], [sflag:$0x2] =	stream.indirect.gather [hbm4b:s2+s11], $0x10, s18, s11, $0xb8;
	[tilespmem:$0xFE00] =	vst v63  }
0x43: {  	s20 =	simm.s32 $0x8A0;
	s21 =	simm.s32 $0x9800  }
0x44: {  	[tilespmem:s21], [sflag:$0x2] =	stream.indirect.gather [hbm4b:s2+s11], $0x10, s20, s11, $0xb8;
	[tilespmem:$0xFE00] =	vst v63  }
0x45: {  	s14 =	simm.s32 $0x900;
	s15 =	simm.s32 $0x9E00  }
0x46: {  	[tilespmem:s15], [sflag:$0x2] =	stream.indirect.gather [hbm4b:s2+s11], $0x10, s14, s11, $0xb8;
	[tilespmem:$0xFE00] =	vst v63  }
0x47: {  	s16 =	simm.s32 $0x960;
	s17 =	simm.s32 $0xA400  }
0x48: {  	[tilespmem:s17], [sflag:$0x2] =	stream.indirect.gather [hbm4b:s2+s11], $0x10, s16, s11, $0xb8;
	[tilespmem:$0xFE00] =	vst v63  }
0x49: {  	s18 =	simm.s32 $0x9C0;
	s19 =	simm.s32 $0xAA00  }
0x4a: {  	[tilespmem:s19], [sflag:$0x2] =	stream.indirect.gather [hbm4b:s2+s11], $0x10, s18, s11, $0xb8;
	[tilespmem:$0xFE00] =	vst v63  }
0x4b: {  	s20 =	simm.s32 $0xA20;
	s21 =	simm.s32 $0xB000  }
0x4c: {  	[tilespmem:s21], [sflag:$0x2] =	stream.indirect.gather [hbm4b:s2+s11], $0x10, s20, s11, $0xb8;
	[tilespmem:$0xFE00] =	vst v63  }
0x4d: {  	_ = 	snop  }
0x4e: {  	[tilespmem:s23], [sflag:$0x2] =	stream.indirect.gather [hbm4b:s2+s11], $0x10, s22, s11, $0xb8;
	[tilespmem:$0xFE00] =	vst v63  }
0x4f: {  	_ = 	snop  }
0x50: {  	[tilespmem:s25], [sflag:$0x2] =	stream.indirect.gather [hbm4b:s2+s11], $0x10, s24, s11, $0xb8;
	[tilespmem:$0xFE00] =	vst v63  }
0x51: {  	_ = 	snop  }
0x52: {  	[tilespmem:s28], [sflag:$0x2] =	stream.indirect.gather [hbm4b:s2+s11], $0x10, s26, s11, $0xb8;
	[tilespmem:$0xFE00] =	vst v63  }
0x53: {  	_ = 	snop  }
0x54: {  	[tilespmem:s30], [sflag:$0x2] =	stream.indirect.gather [hbm4b:s2+s11], $0x10, s29, s11, $0xb8;
	[tilespmem:$0xFE00] =	vst v63  }
0x55: {  	_ =	swait.ge [sflag:s31], $0x600  }
0x56: {  	[sflag:s31] =	ssyncset.done $0x0  }
0x57: {  	[sflag:s31] =	ssyncadd.s32 $0xFFFFFA00  }
0x58: {  	_ =	swait.ge [sflag:s31], $0x600  }
0x59: {  	[sflag:s31] =	ssyncset.done $0x0  }
0x5a: {  	[sflag:s31] =	ssyncadd.s32 $0xFFFFFA00  }
0x5b: {  	_ =	swait.ge [sflag:s31], $0x600  }
0x5c: {  	[sflag:s31] =	ssyncset.done $0x0  }
0x5d: {  	[sflag:s31] =	ssyncadd.s32 $0xFFFFFA00  }
0x5e: {  	_ =	swait.ge [sflag:s31], $0x600  }
0x5f: {  	[sflag:s31] =	ssyncset.done $0x0  }
0x60: {  	[sflag:s31] =	ssyncadd.s32 $0xFFFFFA00  }
0x61: {  	_ =	swait.ge [sflag:s31], $0x600  }
0x62: {  	[sflag:s31] =	ssyncset.done $0x0  }
0x63: {  	[sflag:s31] =	ssyncadd.s32 $0xFFFFFA00  }
0x64: {  	_ =	swait.ge [sflag:s31], $0x600  }
0x65: {  	[sflag:s31] =	ssyncset.done $0x0  }
0x66: {  	[sflag:s31] =	ssyncadd.s32 $0xFFFFFA00  }
0x67: {  	_ =	swait.ge [sflag:s31], $0x600  }
0x68: {  	[sflag:s31] =	ssyncset.done $0x0  }
0x69: {  	[sflag:s31] =	ssyncadd.s32 $0xFFFFFA00  }
0x6a: {  	_ =	swait.ge [sflag:s31], $0x600  }
0x6b: {  	[sflag:s31] =	ssyncset.done $0x0  }
0x6c: {  	[sflag:s31] =	ssyncadd.s32 $0xFFFFFA00  }
0x6d: {  	_ =	swait.ge [sflag:s31], $0x600  }
0x6e: {  	[sflag:s31] =	ssyncset.done $0x0  }
0x6f: {  	[sflag:s31] =	ssyncadd.s32 $0xFFFFFA00  }
0x70: {  	_ =	swait.ge [sflag:s31], $0x600  }
0x71: {  	[sflag:s31] =	ssyncset.done $0x0  }
0x72: {  	[sflag:s31] =	ssyncadd.s32 $0xFFFFFA00  }
0x73: {  	_ =	swait.ge [sflag:s31], $0x600  }
0x74: {  	[sflag:s31] =	ssyncset.done $0x0  }
0x75: {  	[sflag:s31] =	ssyncadd.s32 $0xFFFFFA00  }
0x76: {  	_ =	swait.ge [sflag:s31], $0x600  }
0x77: {  	[sflag:s31] =	ssyncset.done $0x0  }
0x78: {  	[sflag:s31] =	ssyncadd.s32 $0xFFFFFA00  }
0x79: {  	_ =	swait.ge [sflag:s31], $0x600  }
0x7a: {  	[sflag:s31] =	ssyncset.done $0x0  }
0x7b: {  	[sflag:s31] =	ssyncadd.s32 $0xFFFFFA00  }
0x7c: {  	_ =	swait.ge [sflag:s31], $0x600  }
0x7d: {  	[sflag:s31] =	ssyncset.done $0x0  }
0x7e: {  	[sflag:s31] =	ssyncadd.s32 $0xFFFFFA00  }
0x7f: {  	_ =	swait.ge [sflag:s31], $0x600  }
0x80: {  	[sflag:s31] =	ssyncset.done $0x0  }
0x81: {  	[sflag:s31] =	ssyncadd.s32 $0xFFFFFA00  }
0x82: {  	_ =	swait.ge [sflag:s31], $0x600  }
0x83: {  	[sflag:s31] =	ssyncset.done $0x0  }
0x84: {  	p1 =	por $0x1, $0x1;
	s12 =	simm.s32 $0x0;
	[sflag:s31] =	ssyncadd.s32 $0xFFFFFA00  }
.LBB2_2:
0x85: {  	s13 =	smul.u32 $0x6000, s12;
	_ =	sdelay $0x1  }
0x86: {  	s12 =	sshll.u32 s12, $0x3;
	p0 =	por p1, p1;
	s14 =	sshra.s32 s13, $0x2  }
0x87: {  	s15 =	simm.s32 $0x0;
	s13 =	sadd.s32 $0xCE00, s14;
	s14 =	sadd.s32 $0xCE40, s14  }
.LBB2_3:
0x88: {  	s16 =	sadd.s32 s12, s15  }
0x89: {  	s17 =	sshll.u32 s16, $0x4  }
0x8a: {  	s17 =	sand.u32 $0x3FFFFFF0, s17  }
0x8b: {  	v1 =	vld [tilespmem:s17+$0xC00];
	_ =	sdelay $0x4  }
0x8c: {  	v2 =	vadd.s32 v0, v1  }
0x8d: {  	s18 =	simm.s32 $0x0;
	v1 =	vshra.s32 v2, $0x4  }
0x8e: {  	v3 =	vadd.s32 s18, v1  }
0x8f: {  	v2 =	vand.u32 $0xF, v2;
	v3 =	vshll.u32 v3, $0x4  }
0x90: {  	v3 =	vor.u32 v2, v3  }
0x91: {  	s16 =	smul.u32 $0x1800, s16;
	_ =	sdelay $0x1  }
0x92: {  	s19 =	simm.s32 $0x2;
	s16 =	sshra.s32 s16, $0x2  }
0x93: {  	s16 =	sadd.s32 $0xE00, s16;
	v4 =	vadd.s32 s19, v1  }
0x94: {  	v4 =	vshll.u32 v4, $0x4;
	v3 =	vld.idx.msk [tilespmem:v3+s16+$0x0], $0xffff  }
0x95: {  	v4 =	vor.u32 v2, v4;
	_ =	sdelay $0x2  }
0x96: {  	s20 =	simm.s32 $0x4  }
0x97: {  	[tilespmem:s14+$0xFFFFFFC0] =	vst v3;
	v3 =	vadd.s32 s20, v1  }
0x98: {  	v4 =	vld.idx.msk [tilespmem:v4+s16+$0x0], $0xffff;
	v3 =	vshll.u32 v3, $0x4  }
0x99: {  	v3 =	vor.u32 v2, v3;
	_ =	sdelay $0x2  }
0x9a: {  	s21 =	simm.s32 $0x6  }
0x9b: {  	[tilespmem:s14+$0xFFFFFFD0] =	vst v4;
	v4 =	vadd.s32 s21, v1  }
0x9c: {  	v3 =	vld.idx.msk [tilespmem:v3+s16+$0x0], $0xffff;
	v4 =	vshll.u32 v4, $0x4  }
0x9d: {  	v4 =	vor.u32 v2, v4;
	_ =	sdelay $0x2  }
0x9e: {  	s18 =	simm.s32 $0x8  }
0x9f: {  	[tilespmem:s14+$0xFFFFFFE0] =	vst v3;
	v3 =	vadd.s32 s18, v1  }
0xa0: {  	v4 =	vld.idx.msk [tilespmem:v4+s16+$0x0], $0xffff;
	v3 =	vshll.u32 v3, $0x4  }
0xa1: {  	v3 =	vor.u32 v2, v3;
	_ =	sdelay $0x2  }
0xa2: {  	s19 =	simm.s32 $0xA  }
0xa3: {  	[tilespmem:s14+$0xFFFFFFF0] =	vst v4;
	v4 =	vadd.s32 s19, v1  }
0xa4: {  	v3 =	vld.idx.msk [tilespmem:v3+s16+$0x0], $0xffff;
	v4 =	vshll.u32 v4, $0x4  }
0xa5: {  	v4 =	vor.u32 v2, v4;
	_ =	sdelay $0x2  }
0xa6: {  	s20 =	simm.s32 $0xC  }
0xa7: {  	[tilespmem:s14+$0x0] =	vst v3;
	v3 =	vadd.s32 s20, v1  }
0xa8: {  	v4 =	vld.idx.msk [tilespmem:v4+s16+$0x0], $0xffff;
	v3 =	vshll.u32 v3, $0x4  }
0xa9: {  	v3 =	vor.u32 v2, v3;
	_ =	sdelay $0x2  }
0xaa: {  	s21 =	simm.s32 $0xE  }
0xab: {  	v5 =	vadd.s32 s21, v1;
	[tilespmem:s14+$0x10] =	vst v4  }
0xac: {  	v4 =	vshll.u32 v5, $0x4;
	v3 =	vld.idx.msk [tilespmem:v3+s16+$0x0], $0xffff  }
0xad: {  	v4 =	vor.u32 v2, v4;
	_ =	sdelay $0x2  }
0xae: {  	s17 =	smov.u32 s14;
	s18 =	simm.s32 $0x0;
	s19 =	simm.s32 $0x1E  }
.LBB2_4:
0xaf: {  	s20 =	sadd.s32 $0xFFFFFFF2, s19;
	s18 =	sadd.s32 $0x8, s18;
	[tilespmem:s17+$0x20] =	vst v3  }
0xb0: {  	v3 =	vadd.s32 s20, v1;
	p1 =	slt.u32 s18, $0x28;
	v4 =	vld.idx.msk [tilespmem:v4+s16+$0x0], $0xffff  }
0xb1: {  	v3 =	vshll.u32 v3, $0x4  }
0xb2: {  	v3 =	vor.u32 v2, v3;
	_ =	sdelay $0x3  }
0xb3: {  	s20 =	sadd.s32 $0xFFFFFFF4, s19;
	[tilespmem:s17+$0x30] =	vst v4  }
0xb4: {  	v4 =	vadd.s32 s20, v1;
	v3 =	vld.idx.msk [tilespmem:v3+s16+$0x0], $0xffff  }
0xb5: {  	v4 =	vshll.u32 v4, $0x4  }
0xb6: {  	v4 =	vor.u32 v2, v4;
	_ =	sdelay $0x2  }
0xb7: {  	s17 =	sadd.s32 $0x400, s17  }
0xb8: {  	s20 =	sadd.s32 $0xFFFFFFF6, s19;
	[tilespmem:s17+$0xFFFFFFC0] =	vst v3  }
0xb9: {  	v3 =	vld.idx.msk [tilespmem:v4+s16+$0x0], $0xffff;
	v4 =	vadd.s32 s20, v1  }
0xba: {  	v4 =	vshll.u32 v4, $0x4  }
0xbb: {  	v4 =	vor.u32 v2, v4;
	_ =	sdelay $0x3  }
0xbc: {  	s20 =	sadd.s32 $0xFFFFFFF8, s19;
	[tilespmem:s17+$0xFFFFFFD0] =	vst v3  }
0xbd: {  	v3 =	vld.idx.msk [tilespmem:v4+s16+$0x0], $0xffff;
	v4 =	vadd.s32 s20, v1  }
0xbe: {  	v4 =	vshll.u32 v4, $0x4  }
0xbf: {  	v4 =	vor.u32 v2, v4;
	_ =	sdelay $0x3  }
0xc0: {  	s20 =	sadd.s32 $0xFFFFFFFA, s19;
	[tilespmem:s17+$0xFFFFFFE0] =	vst v3  }
0xc1: {  	v3 =	vld.idx.msk [tilespmem:v4+s16+$0x0], $0xffff;
	v4 =	vadd.s32 s20, v1  }
0xc2: {  	v4 =	vshll.u32 v4, $0x4  }
0xc3: {  	v4 =	vor.u32 v2, v4;
	_ =	sdelay $0x3  }
0xc4: {  	s20 =	sadd.s32 $0xFFFFFFFC, s19;
	[tilespmem:s17+$0xFFFFFFF0] =	vst v3  }
0xc5: {  	v3 =	vld.idx.msk [tilespmem:v4+s16+$0x0], $0xffff;
	v4 =	vadd.s32 s20, v1  }
0xc6: {  	v4 =	vshll.u32 v4, $0x4  }
0xc7: {  	v4 =	vor.u32 v2, v4;
	_ =	sdelay $0x3  }
0xc8: {  	s20 =	sadd.s32 $0xFFFFFFFE, s19;
	[tilespmem:s17+$0x0] =	vst v3  }
0xc9: {  	v3 =	vld.idx.msk [tilespmem:v4+s16+$0x0], $0xffff;
	v4 =	vadd.s32 s20, v1  }
0xca: {  	v4 =	vshll.u32 v4, $0x4  }
0xcb: {  	v4 =	vor.u32 v2, v4;
	_ =	sdelay $0x3  }
0xcc: {  	[tilespmem:s17+$0x10] =	vst v3  }
0xcd: {  	v3 =	vld.idx.msk [tilespmem:v4+s16+$0x0], $0xffff;
	v4 =	vadd.s32 s19, v1  }
.Ltmp0:
0xce: {  	v4 =	vshll.u32 v4, $0x4;
	(pc) =	sbr.rel @p1 .LBB2_4-.Ltmp0, $2  }
0xcf: {  	v4 =	vor.u32 v2, v4;
	_ =	sdelay $0x2  }
0xd0: {  	s19 =	sadd.s32 $0x10, s19  }
0xd1: {  	_ =	sdelay $0x2  }
0xd2: {  	[tilespmem:s17+$0x20] =	vst v3;
	s15 =	sadd.s32 $0x1, s15  }
0xd3: {  	v1 =	vld.idx.msk [tilespmem:v4+s16+$0x0], $0xffff;
	p1 =	sne.s32 s15, $0x8  }
.Ltmp1:
0xd4: {  	_ = 	snop;
	(pc) =	sbr.rel @p1 .LBB2_3-.Ltmp1, $2  }
0xd5: {  	_ =	sdelay $0x2  }
0xd6: {  	s14 =	sadd.s32 $0x80, s14;
	[tilespmem:s17+$0x30] =	vst v1  }
0xd7: {  	s12 =	sor.u32 s4, s12  }
0xd8: {  	s12 =	smul.u32 $0x60, s12  }
.Ltmp2:
0xd9: {  	_ = 	snop;
	(pc) =	sbr.rel @p0 .LBB2_2-.Ltmp2, $4  }
0xda: {  	_ = 	snop  }
0xdb: {  	s12 =	sadd.s32 s5, s12  }
0xdc: {  	[hbm4b:s12+s3] =	stream.linear.scatter [tilespmem:s13], [sflag:$0x3], $0x1800, $0x38;
	[tilespmem:$0xFE00] =	vst v63  }
0xdd: {  	p1 =	por $0x0, $0x0;
	s12 =	simm.s32 $0x1  }
0xde: {  	_ =	swait.ge [sflag:s1], $0x600  }
0xdf: {  	[sflag:s1] =	ssyncset.done $0x0  }
0xe0: {  	[sflag:s1] =	ssyncadd.s32 $0xFFFFFA00  }
0xe1: {  	_ =	swait.ge [sflag:s1], $0x600  }
0xe2: {  	[sflag:s1] =	ssyncset.done $0x0  }
0xe3: {  	[sflag:s1] =	ssyncadd.s32 $0xFFFFFA00  }
0xe4: {  	_ =	swait.ge [sflag:s1], $0x600  }
0xe5: {  	[sflag:s1] =	ssyncset.done $0x0  }
0xe6: {  	[sflag:s1] =	ssyncadd.s32 $0xFFFFFA00  }
0xe7: {  	_ =	swait.ge [sflag:s1], $0x600  }
0xe8: {  	[sflag:s1] =	ssyncset.done $0x0  }
0xe9: {  	[sflag:s1] =	ssyncadd.s32 $0xFFFFFA00  }
0xea: {  	_ =	swait.ge [sflag:s1], $0x600  }
0xeb: {  	[sflag:s1] =	ssyncset.done $0x0  }
0xec: {  	[sflag:s1] =	ssyncadd.s32 $0xFFFFFA00  }
0xed: {  	_ =	swait.ge [sflag:s1], $0x600  }
0xee: {  	[sflag:s1] =	ssyncset.done $0x0  }
0xef: {  	[sflag:s1] =	ssyncadd.s32 $0xFFFFFA00  }
0xf0: {  	_ =	swait.ge [sflag:s1], $0x600  }
0xf1: {  	[sflag:s1] =	ssyncset.done $0x0  }
0xf2: {  	[sflag:s1] =	ssyncadd.s32 $0xFFFFFA00  }
0xf3: {  	_ =	swait.ge [sflag:s1], $0x600  }
0xf4: {  	[sflag:s1] =	ssyncset.done $0x0  }
0xf5: {  	[sflag:s1] =	ssyncadd.s32 $0xFFFFFA00  }
0xf6: {  	_ =	swait.ge [sflag:s1], $0x600  }
0xf7: {  	[sflag:s1] =	ssyncset.done $0x0  }
0xf8: {  	[sflag:s1] =	ssyncadd.s32 $0xFFFFFA00  }
0xf9: {  	_ =	swait.ge [sflag:s1], $0x600  }
0xfa: {  	[sflag:s1] =	ssyncset.done $0x0  }
0xfb: {  	[sflag:s1] =	ssyncadd.s32 $0xFFFFFA00  }
0xfc: {  	_ =	swait.ge [sflag:s1], $0x600  }
0xfd: {  	[sflag:s1] =	ssyncset.done $0x0  }
0xfe: {  	[sflag:s1] =	ssyncadd.s32 $0xFFFFFA00  }
0xff: {  	_ =	swait.ge [sflag:s1], $0x600  }
0x100: {  	[sflag:s1] =	ssyncset.done $0x0  }
0x101: {  	[sflag:s1] =	ssyncadd.s32 $0xFFFFFA00  }
0x102: {  	_ =	swait.ge [sflag:s1], $0x600  }
0x103: {  	[sflag:s1] =	ssyncset.done $0x0  }
0x104: {  	[sflag:s1] =	ssyncadd.s32 $0xFFFFFA00  }
0x105: {  	_ =	swait.ge [sflag:s1], $0x600  }
0x106: {  	[sflag:s1] =	ssyncset.done $0x0  }
0x107: {  	[sflag:s1] =	ssyncadd.s32 $0xFFFFFA00  }
0x108: {  	_ =	swait.ge [sflag:s1], $0x600  }
0x109: {  	[sflag:s1] =	ssyncset.done $0x0  }
0x10a: {  	[sflag:s1] =	ssyncadd.s32 $0xFFFFFA00  }
0x10b: {  	_ =	swait.ge [sflag:s1], $0x600  }
0x10c: {  	[sflag:s1] =	ssyncset.done $0x0  }
0x10d: {  	s12 =	simm.s32 $0x0;
	p1 =	por $0x1, $0x1;
	[sflag:s1] =	ssyncadd.s32 $0xFFFFFA00  }
.LBB2_8:
0x10e: {  	_ =	swait.ge [sflag:s0], $0x1800;
	s13 =	smul.u32 $0x6000, s12  }
0x10f: {  	s12 =	sshll.u32 s12, $0x3;
	p0 =	por p1, p1;
	s16 =	simm.s32 $0x0  }
0x110: {  	[sflag:s0] =	ssyncset.done $0x0;
	s14 =	sor.u32 $0x10, s12;
	s15 =	sshra.s32 s13, $0x2  }
0x111: {  	[sflag:s0] =	ssyncadd.s32 $0xFFFFE800;
	s13 =	sadd.s32 $0xCE00, s15;
	s18 =	sadd.s32 $0xCE40, s15  }
.LBB2_9:
0x112: {  	s15 =	sadd.s32 s14, s16  }
0x113: {  	s17 =	sshll.u32 s15, $0x4  }
0x114: {  	s17 =	sand.u32 $0x3FFFFFF0, s17  }
0x115: {  	v1 =	vld [tilespmem:s17+$0xC00];
	_ =	sdelay $0x4  }
0x116: {  	v2 =	vadd.s32 v0, v1  }
0x117: {  	s21 =	simm.s32 $0x0;
	v1 =	vshra.s32 v2, $0x4  }
0x118: {  	v3 =	vadd.s32 s21, v1  }
0x119: {  	v2 =	vand.u32 $0xF, v2;
	v3 =	vshll.u32 v3, $0x4  }
0x11a: {  	v3 =	vor.u32 v2, v3  }
0x11b: {  	s15 =	smul.u32 $0x1800, s15;
	_ =	sdelay $0x1  }
0x11c: {  	s19 =	simm.s32 $0x2;
	s15 =	sshra.s32 s15, $0x2  }
0x11d: {  	s17 =	sadd.s32 $0xE00, s15;
	v4 =	vadd.s32 s19, v1  }
0x11e: {  	v4 =	vshll.u32 v4, $0x4;
	v3 =	vld.idx.msk [tilespmem:v3+s17+$0x0], $0xffff  }
0x11f: {  	v4 =	vor.u32 v2, v4;
	_ =	sdelay $0x2  }
0x120: {  	s19 =	simm.s32 $0x4  }
0x121: {  	[tilespmem:s18+$0xFFFFFFC0] =	vst v3;
	v3 =	vadd.s32 s19, v1  }
0x122: {  	v4 =	vld.idx.msk [tilespmem:v4+s17+$0x0], $0xffff;
	v3 =	vshll.u32 v3, $0x4  }
0x123: {  	v3 =	vor.u32 v2, v3;
	_ =	sdelay $0x2  }
0x124: {  	s20 =	simm.s32 $0x6  }
0x125: {  	[tilespmem:s18+$0xFFFFFFD0] =	vst v4;
	v4 =	vadd.s32 s20, v1  }
0x126: {  	v3 =	vld.idx.msk [tilespmem:v3+s17+$0x0], $0xffff;
	v4 =	vshll.u32 v4, $0x4  }
0x127: {  	v4 =	vor.u32 v2, v4;
	_ =	sdelay $0x2  }
0x128: {  	s21 =	simm.s32 $0x8  }
0x129: {  	[tilespmem:s18+$0xFFFFFFE0] =	vst v3;
	v3 =	vadd.s32 s21, v1  }
0x12a: {  	v4 =	vld.idx.msk [tilespmem:v4+s17+$0x0], $0xffff;
	v3 =	vshll.u32 v3, $0x4  }
0x12b: {  	v3 =	vor.u32 v2, v3;
	_ =	sdelay $0x2  }
0x12c: {  	s19 =	simm.s32 $0xA  }
0x12d: {  	[tilespmem:s18+$0xFFFFFFF0] =	vst v4;
	v4 =	vadd.s32 s19, v1  }
0x12e: {  	v3 =	vld.idx.msk [tilespmem:v3+s17+$0x0], $0xffff;
	v4 =	vshll.u32 v4, $0x4  }
0x12f: {  	v4 =	vor.u32 v2, v4;
	_ =	sdelay $0x2  }
0x130: {  	s20 =	simm.s32 $0xC  }
0x131: {  	[tilespmem:s18+$0x0] =	vst v3;
	v3 =	vadd.s32 s20, v1  }
0x132: {  	v4 =	vld.idx.msk [tilespmem:v4+s17+$0x0], $0xffff;
	v3 =	vshll.u32 v3, $0x4  }
0x133: {  	v3 =	vor.u32 v2, v3;
	_ =	sdelay $0x2  }
0x134: {  	s21 =	simm.s32 $0xE  }
0x135: {  	v5 =	vadd.s32 s21, v1;
	[tilespmem:s18+$0x10] =	vst v4  }
0x136: {  	v4 =	vshll.u32 v5, $0x4;
	v3 =	vld.idx.msk [tilespmem:v3+s17+$0x0], $0xffff  }
0x137: {  	v4 =	vor.u32 v2, v4;
	_ =	sdelay $0x2  }
0x138: {  	s15 =	smov.u32 s18;
	s19 =	simm.s32 $0x0;
	s20 =	simm.s32 $0x1E  }
.LBB2_10:
0x139: {  	s21 =	sadd.s32 $0xFFFFFFF2, s20;
	s19 =	sadd.s32 $0x8, s19;
	[tilespmem:s15+$0x20] =	vst v3  }
0x13a: {  	v3 =	vadd.s32 s21, v1;
	p1 =	slt.u32 s19, $0x28;
	v4 =	vld.idx.msk [tilespmem:v4+s17+$0x0], $0xffff  }
0x13b: {  	v3 =	vshll.u32 v3, $0x4  }
0x13c: {  	v3 =	vor.u32 v2, v3;
	_ =	sdelay $0x3  }
0x13d: {  	s21 =	sadd.s32 $0xFFFFFFF4, s20;
	[tilespmem:s15+$0x30] =	vst v4  }
0x13e: {  	v4 =	vadd.s32 s21, v1;
	v3 =	vld.idx.msk [tilespmem:v3+s17+$0x0], $0xffff  }
0x13f: {  	v4 =	vshll.u32 v4, $0x4  }
0x140: {  	v4 =	vor.u32 v2, v4;
	_ =	sdelay $0x2  }
0x141: {  	s15 =	sadd.s32 $0x400, s15  }
0x142: {  	s21 =	sadd.s32 $0xFFFFFFF6, s20;
	[tilespmem:s15+$0xFFFFFFC0] =	vst v3  }
0x143: {  	v3 =	vld.idx.msk [tilespmem:v4+s17+$0x0], $0xffff;
	v4 =	vadd.s32 s21, v1  }
0x144: {  	v4 =	vshll.u32 v4, $0x4  }
0x145: {  	v4 =	vor.u32 v2, v4;
	_ =	sdelay $0x3  }
0x146: {  	s21 =	sadd.s32 $0xFFFFFFF8, s20;
	[tilespmem:s15+$0xFFFFFFD0] =	vst v3  }
0x147: {  	v3 =	vld.idx.msk [tilespmem:v4+s17+$0x0], $0xffff;
	v4 =	vadd.s32 s21, v1  }
0x148: {  	v4 =	vshll.u32 v4, $0x4  }
0x149: {  	v4 =	vor.u32 v2, v4;
	_ =	sdelay $0x3  }
0x14a: {  	s21 =	sadd.s32 $0xFFFFFFFA, s20;
	[tilespmem:s15+$0xFFFFFFE0] =	vst v3  }
0x14b: {  	v3 =	vld.idx.msk [tilespmem:v4+s17+$0x0], $0xffff;
	v4 =	vadd.s32 s21, v1  }
0x14c: {  	v4 =	vshll.u32 v4, $0x4  }
0x14d: {  	v4 =	vor.u32 v2, v4;
	_ =	sdelay $0x3  }
0x14e: {  	s21 =	sadd.s32 $0xFFFFFFFC, s20;
	[tilespmem:s15+$0xFFFFFFF0] =	vst v3  }
0x14f: {  	v3 =	vld.idx.msk [tilespmem:v4+s17+$0x0], $0xffff;
	v4 =	vadd.s32 s21, v1  }
0x150: {  	v4 =	vshll.u32 v4, $0x4  }
0x151: {  	v4 =	vor.u32 v2, v4;
	_ =	sdelay $0x3  }
0x152: {  	s21 =	sadd.s32 $0xFFFFFFFE, s20;
	[tilespmem:s15+$0x0] =	vst v3  }
0x153: {  	v3 =	vld.idx.msk [tilespmem:v4+s17+$0x0], $0xffff;
	v4 =	vadd.s32 s21, v1  }
0x154: {  	v4 =	vshll.u32 v4, $0x4  }
0x155: {  	v4 =	vor.u32 v2, v4;
	_ =	sdelay $0x3  }
0x156: {  	[tilespmem:s15+$0x10] =	vst v3  }
0x157: {  	v3 =	vld.idx.msk [tilespmem:v4+s17+$0x0], $0xffff;
	v4 =	vadd.s32 s20, v1  }
.Ltmp3:
0x158: {  	v4 =	vshll.u32 v4, $0x4;
	(pc) =	sbr.rel @p1 .LBB2_10-.Ltmp3, $2  }
0x159: {  	v4 =	vor.u32 v2, v4;
	_ =	sdelay $0x2  }
0x15a: {  	s20 =	sadd.s32 $0x10, s20  }
0x15b: {  	_ =	sdelay $0x2  }
0x15c: {  	[tilespmem:s15+$0x20] =	vst v3;
	s16 =	sadd.s32 $0x1, s16  }
0x15d: {  	v1 =	vld.idx.msk [tilespmem:v4+s17+$0x0], $0xffff;
	p1 =	sne.s32 s16, $0x8  }
.Ltmp4:
0x15e: {  	_ = 	snop;
	(pc) =	sbr.rel @p1 .LBB2_9-.Ltmp4, $2  }
0x15f: {  	_ =	sdelay $0x2  }
0x160: {  	s18 =	sadd.s32 $0x80, s18;
	[tilespmem:s15+$0x30] =	vst v1  }
0x161: {  	s12 =	sor.u32 s4, s12  }
0x162: {  	s12 =	smul.u32 $0x300, s12;
	_ =	sdelay $0x1  }
.Ltmp5:
0x163: {  	s12 =	sshrl.u32 s12, $0x3;
	(pc) =	sbr.rel @p0 .LBB2_8-.Ltmp5, $4  }
0x164: {  	s12 =	sadd.s32 s5, s12  }
0x165: {  	s12 =	sadd.s32 $0x600, s12  }
0x166: {  	[hbm4b:s12+s3] =	stream.linear.scatter [tilespmem:s13], [sflag:$0x3], $0x1800, $0x38;
	[tilespmem:$0xFE00] =	vst v63  }
0x167: {  	p1 =	por $0x0, $0x0;
	s12 =	simm.s32 $0x1  }
0x168: {  	s10 =	sadd.s32 $0x1, s10  }
0x169: {  	_ =	swait.ge [sflag:s0], $0x1800;
	p0 =	sne.s32 s10, s8  }
.Ltmp6:
0x16a: {  	[sflag:s0] =	ssyncset.done $0x0;
	(pc) =	sbr.rel @p0 .LBB2_1-.Ltmp6, $4  }
0x16b: {  	[sflag:s0] =	ssyncadd.s32 $0xFFFFE800  }
0x16c: {  	_ =	swait.ge [sflag:s0], $0x1800  }
0x16d: {  	[sflag:s0] =	ssyncset.done $0x0  }
0x16e: {  	[sflag:s0] =	ssyncadd.s32 $0xFFFFE800  }
0x16f: {  	_ =	sfence.sel $0x180000  }
0x170: {  	[bflag:$0x0] =	sbarrier.arrive $0xFFFF  }
0x171: {  	_ =	strace $0x90000047  }
0x172: {  	s0 =	stileid.u32;
	[bflag:$0x2] =	sbarrier.arrive $0xFFFF  }
0x173: {  	p0 =	sne.s32 s0, $0x0;
	s0 =	rddreg [dreg:$0x2]  }
0x174: {  	s0 =	sadd.s32 @!p0 $0x100000, s0  }
0x175: {  	[sflag:s0] =	ssyncadd.tile.s32 @!p0 $0x1;
	_ =	shalt  }
.Lfunc_end2:
_tile_overlayer_lowered:
.L_overlay_start_2:
0x176: {  	(tag) =	ssettag $0x2  }
0x177: {  	s0 =	rddreg [dreg:$0x0];
	s2 =	stileid.u32  }
0x178: {  	s1 =	rddreg [dreg:$0x1];
	p0 =	sne.s32 s2, $0x0  }
0x179: {  	s3 =	rddreg [dreg:$0x2];
	[bflag:$0x3] =	sbarrier.arrive $0xFFFF;
	s2 =	simm.s32 @!p0 $0x1C04  }
0x17a: {  	[timem:s3], [sflag:s2] =	dma.local @!p0 [hbm:s0], s1  }
0x17b: {  	s0 =	simm.s32 @!p0 $0x4  }
0x17c: {  	_ =	swait.ge @!p0 [sflag:s0], s1  }
0x17d: {  	s1 =	ssub.s32 @!p0 $0x0, s1;
	[sflag:s0] =	ssyncset.done @!p0 $0x0  }
0x17e: {  	[sflag:s0] =	ssyncadd.s32 @!p0 s1  }
0x17f: {  	[bflag:$0x3] =	sbarrier.arrive $0xFFFF  }
0x180: {  	_ =	shalt  }

</sc_bundles>
